<compile_context>
chip_gen: v7x
topology: tpu7x:2x2x1
jax: 0.10.2.dev20260603
libtpu: 0.0.44.dev20260713+nightly
codegen_flags: <defaults>
</compile_context>

<pallas_src>
import functools

import jax
import jax.numpy as jnp
from jax import lax
from jax.experimental import pallas as pl
from jax.experimental.pallas import tpu as pltpu
from jax.experimental.pallas import tpu_sc as plsc

N = 10000
D = 128
NPAD = 10240
NC = 2
NS = 16
NW = NC * NS
E = 320000
EPT = 2 * E // NW
BD = 80
CHUNKS = EPT // BD
HCH = CHUNKS // 2
B = 80
SBC = 50
SB = 5
RPT = NPAD // NS
RPTN = N // NS
BLK = 1000


def _mesh():
    return plsc.VectorSubcoreMesh(
        core_axis_name="c", subcore_axis_name="s", num_cores=NC, num_subcores=NS
    )


@functools.partial(
    pl.kernel,
    out_type=jax.ShapeDtypeStruct((NC, NPAD), jnp.float32),
    mesh=_mesh(),
    scratch_types=[
        pltpu.VMEM((CHUNKS, BD), jnp.int32),
        pltpu.VMEM((BD,), jnp.float32),
        pltpu.VMEM_SHARED((NPAD,), jnp.float32),
    ],
)
def _deg_call(a0_hbm, a1_hbm, z1_hbm, out_hbm, idx_v, ones_v, deg_sh):
    c = lax.axis_index("c")
    s = lax.axis_index("s")
    wid = c * NS + s
    pltpu.sync_copy(z1_hbm, deg_sh.at[pl.ds(s * RPT, RPT)])
    for i in range(BD // 16):
        ones_v[pl.ds(i * 16, 16)] = jnp.full((16,), 1.0, jnp.float32)
    pltpu.sync_copy(a0_hbm.at[wid], idx_v.at[pl.ds(0, HCH)])
    pltpu.sync_copy(a1_hbm.at[wid], idx_v.at[pl.ds(HCH, HCH)])
    plsc.subcore_barrier()

    @pl.loop(0, CHUNKS)
    def _(j):
        pltpu.sync_copy(ones_v, deg_sh.at[idx_v.at[j]], add=True)

    plsc.subcore_barrier()
    pltpu.sync_copy(deg_sh.at[pl.ds(s * RPT, RPT)],
                    out_hbm.at[c, pl.ds(s * RPT, RPT)])


@functools.partial(
    pl.kernel,
    out_type=jax.ShapeDtypeStruct((NC, NPAD, D), jnp.float32),
    mesh=_mesh(),
    scratch_types=[
        pltpu.VMEM((SBC, B), jnp.int32),
        pltpu.VMEM((SBC, B), jnp.int32),
        pltpu.VMEM((B, D), jnp.float32),
        pltpu.VMEM((B, D), jnp.float32),
        pltpu.VMEM_SHARED((NPAD, D), jnp.float32),
        pltpu.SemaphoreType.DMA,
        pltpu.SemaphoreType.DMA,
    ],
)
def _prop_call(t_hbm, a0_hbm, a1_hbm, z2_hbm, out_hbm,
               ridx_v, cidx_v, rows_a, rows_b, acc_sh, sem_a, sem_b):
    c = lax.axis_index("c")
    s = lax.axis_index("s")
    rows = (rows_a, rows_b)
    sg = (sem_a, sem_b)

    def gather(j, k):
        pltpu.async_copy(t_hbm.at[ridx_v.at[j]], rows[k], sg[k])

    def gwait(j, k):
        pltpu.make_async_copy(t_hbm.at[ridx_v.at[j]], rows[k], sg[k]).wait()

    def scat(j, k):
        pltpu.sync_copy(rows[k], acc_sh.at[cidx_v.at[j]], add=True)

    pltpu.sync_copy(z2_hbm, acc_sh.at[pl.ds(s * RPT, RPT)])
    plsc.subcore_barrier()

    @pl.loop(0, SB)
    def _(q):
        @pl.when(c == 0)
        def _():
            pltpu.sync_copy(a0_hbm.at[s, q], ridx_v)
            pltpu.sync_copy(a1_hbm.at[s, q], cidx_v)

        @pl.when(c == 1)
        def _():
            pltpu.sync_copy(a1_hbm.at[s, q], ridx_v)
            pltpu.sync_copy(a0_hbm.at[s, q], cidx_v)

        gather(0, 0)

        @pl.loop(0, SBC // 2 - 1)
        def _(p):
            j = p * 2
            gather(j + 1, 1)
            gwait(j, 0)
            scat(j, 0)
            gather(j + 2, 0)
            gwait(j + 1, 1)
            scat(j + 1, 1)

        gather(SBC - 1, 1)
        gwait(SBC - 2, 0)
        scat(SBC - 2, 0)
        gwait(SBC - 1, 1)
        scat(SBC - 1, 1)

    plsc.subcore_barrier()
    pltpu.sync_copy(acc_sh.at[pl.ds(s * RPT, RPT)],
                    out_hbm.at[c, pl.ds(s * RPT, RPT)])


def _prep_body(degp_ref, x_ref, t0_ref, dinv_ref):
    deg = degp_ref[0] + degp_ref[1]
    di = jnp.where(deg > 0.0, lax.rsqrt(deg), 0.0)
    dinv_ref[...] = di
    t0_ref[...] = di * x_ref[...]


_prep_call = pl.pallas_call(
    _prep_body,
    grid=(N // BLK,),
    in_specs=[
        pl.BlockSpec((2, BLK, 1), lambda i: (0, i, 0)),
        pl.BlockSpec((BLK, D), lambda i: (i, 0)),
    ],
    out_specs=[
        pl.BlockSpec((BLK, D), lambda i: (i, 0)),
        pl.BlockSpec((BLK, 1), lambda i: (i, 0)),
    ],
    out_shape=[
        jax.ShapeDtypeStruct((N, D), jnp.float32),
        jax.ShapeDtypeStruct((N, 1), jnp.float32),
    ],
)


def _comb_body(p_ref, dinv_ref, r_ref, t_ref, rout_ref):
    ssum = p_ref[0] + p_ref[1]
    di = dinv_ref[...]
    contrib = di * ssum
    t_ref[...] = di * contrib
    rout_ref[...] = r_ref[...] + contrib


_comb_call = pl.pallas_call(
    _comb_body,
    grid=(N // BLK,),
    in_specs=[
        pl.BlockSpec((2, BLK, D), lambda i: (0, i, 0)),
        pl.BlockSpec((BLK, 1), lambda i: (i, 0)),
        pl.BlockSpec((BLK, D), lambda i: (i, 0)),
    ],
    out_specs=[
        pl.BlockSpec((BLK, D), lambda i: (i, 0)),
        pl.BlockSpec((BLK, D), lambda i: (i, 0)),
    ],
    out_shape=[
        jax.ShapeDtypeStruct((N, D), jnp.float32),
        jax.ShapeDtypeStruct((N, D), jnp.float32),
    ],
)


def _fin_body(p_ref, dinv_ref, r_ref, o_ref):
    ssum = p_ref[0] + p_ref[1]
    o_ref[...] = (r_ref[...] + dinv_ref[...] * ssum) * 0.25


_fin_call = pl.pallas_call(
    _fin_body,
    grid=(N // BLK,),
    in_specs=[
        pl.BlockSpec((2, BLK, D), lambda i: (0, i, 0)),
        pl.BlockSpec((BLK, 1), lambda i: (i, 0)),
        pl.BlockSpec((BLK, D), lambda i: (i, 0)),
    ],
    out_specs=pl.BlockSpec((BLK, D), lambda i: (i, 0)),
    out_shape=jax.ShapeDtypeStruct((N, D), jnp.float32),
)


def kernel(x, adj_t):
    a0 = adj_t[0].astype(jnp.int32)
    a1 = adj_t[1].astype(jnp.int32)
    a0d = a0.reshape(NW, HCH, BD)
    a1d = a1.reshape(NW, HCH, BD)
    a0p = a0.reshape(NS, SB, SBC, B)
    a1p = a1.reshape(NS, SB, SBC, B)
    z1 = jnp.zeros((RPT,), jnp.float32)
    z2 = jnp.zeros((RPT, D), jnp.float32)

    degp = _deg_call(a0d, a1d, z1)
    t, dinv = _prep_call(degp.reshape(NC, NPAD, 1), x)
    r = x
    for layer in range(3):
        p = _prop_call(t, a0p, a1p, z2)
        if layer < 2:
            t, r = _comb_call(p, dinv, r)
        else:
            out = _fin_call(p, dinv, r)
    return out

# --- scband reference (transcript-rebuilt; emitter-appended) ---
"""Pipeline reference for scband-light-gcn-21732534518149 (READ-ONLY COPY).

The authoritative reference and input builder live on the scoring server;
editing this copy changes nothing except your own understanding.
"""

import jax, jax.numpy as jnp
import numpy as np

NUM_LAYERS = 3

def setup_inputs(seed: int = 0) -> dict:
    key = jax.random.key(seed)
    k1, k2 = jax.random.split(key)
    x = jax.random.normal(k1, (10000, 128), dtype=jnp.float32)
    adj_t = jax.random.randint(k2, (2, 320000), 0, 10000, dtype=jnp.int64)
    return {"x": x, "adj_t": adj_t}

def reference(x, adj_t):
    num_nodes = x.shape[0]
    # undirected expansion: concat reversed edges
    adj_rev = jnp.stack([adj_t[1], adj_t[0]], axis=0)
    edge_index = jnp.concatenate([adj_t, adj_rev], axis=1)
    edge_weight = jnp.ones((edge_index.shape[1],), dtype=jnp.float32)
    row = edge_index[0]
    col = edge_index[1]
    # gcn_norm: D^-0.5 A D^-0.5
    deg = jax.ops.segment_sum(edge_weight, col, num_segments=num_nodes)
    deg_inv_sqrt = jnp.power(deg, -0.5)
    deg_inv_sqrt = jnp.where(jnp.isinf(deg_inv_sqrt), 0.0, deg_inv_sqrt)
    norm_w = deg_inv_sqrt[row] * edge_weight * deg_inv_sqrt[col]
    out_ls = [x]
    h = x
    for _ in range(NUM_LAYERS):
        msgs = norm_w[:, None] * h[row]
        h = jax.ops.segment_sum(msgs, col, num_segments=num_nodes)
        out_ls.append(h)
    return jnp.stack(out_ls).mean(axis=0)

if __name__ == "__main__":
    import jax
    _d = setup_inputs()
    print(jax.jit(kernel)(*tuple(_d.values())))

</pallas_src>

<mosaic_0001>
#map = affine_map<(d0, d1) -> (0, 0)>
#map1 = affine_map<(d0, d1) -> (0, 0, 0, 0)>
#map2 = affine_map<(d0, d1) -> (0, 0, 0)>
module attributes {stable_mosaic.version = 14 : i64} {
  func.func @_prop_call(%arg0: i32, %arg1: i32, %arg2: memref<10000x128xf32, #tpu.memory_space<hbm>>, %arg3: memref<16x5x50x80xi32, #tpu.memory_space<hbm>>, %arg4: memref<16x5x50x80xi32, #tpu.memory_space<hbm>>, %arg5: memref<640x128xf32, #tpu.memory_space<hbm>>, %arg6: memref<2x10240x128xf32, #tpu.memory_space<hbm>>, %arg7: memref<50x80xi32, #tpu.memory_space<vmem>>, %arg8: memref<50x80xi32, #tpu.memory_space<vmem>>, %arg9: memref<80x128xf32, #tpu.memory_space<vmem>>, %arg10: memref<80x128xf32, #tpu.memory_space<vmem>>, %arg11: memref<10240x128xf32, #tpu.memory_space<vmem_shared>>, %arg12: memref<!tpu.dma_semaphore, #tpu.memory_space<semaphore_mem>>, %arg13: memref<!tpu.dma_semaphore, #tpu.memory_space<semaphore_mem>>) attributes {dimension_semantics = [#tpu.dimension_semantics<core_parallel>, #tpu.dimension_semantics<subcore_parallel>], iteration_bounds = array<i64: 2, 16>, scalar_prefetch = 0 : i64, scratch_operands = 7 : i64, tpu.core_type = #tpu.core_type<sc_vector_subcore>, window_params = [{transform_indices = #map}, {transform_indices = #map1}, {transform_indices = #map1}, {transform_indices = #map}, {transform_indices = #map2}]} {
    %mul3A = arith.constant 640 : i32
    %mul3A_0 = arith.muli %arg1, %mul3A : i32
    "tpu.region"() ({
      %run_scoped3A = tpu.sem_alloc : memref<!tpu.dma_semaphore, #tpu.memory_space<semaphore_mem>>
      %dma_start3A = arith.constant 0 : i32
      %dma_start3A_10 = tpu.memref_slice %arg11[%mul3A_0, %dma_start3A] : memref<10240x128xf32, #tpu.memory_space<vmem_shared>> -> memref<640x128xf32, #tpu.memory_space<vmem_shared>>
      tpu.enqueue_dma source(%arg5 : memref<640x128xf32, #tpu.memory_space<hbm>>) target(%dma_start3A_10 : memref<640x128xf32, #tpu.memory_space<vmem_shared>>) target_semaphore(%run_scoped3A : memref<!tpu.dma_semaphore, #tpu.memory_space<semaphore_mem>>)
      %dma_wait3A = arith.constant 0 : i32
      %dma_wait3A_11 = tpu.memref_slice %arg11[%mul3A_0, %dma_wait3A] : memref<10240x128xf32, #tpu.memory_space<vmem_shared>> -> memref<640x128xf32, #tpu.memory_space<vmem_shared>>
      tpu.wait_dma2 semaphore(%run_scoped3A : memref<!tpu.dma_semaphore, #tpu.memory_space<semaphore_mem>>) src(%arg5 : memref<640x128xf32, #tpu.memory_space<hbm>>) dst(%dma_wait3A_11 : memref<640x128xf32, #tpu.memory_space<vmem_shared>>)
      tpu.yield
    }) : () -> ()
    %barrier3A = arith.constant 0 : index
    tpu.barrier barrier_id(%barrier3A)
    %scan3A = arith.constant 0 : i32
    %scan3A_1 = arith.constant 5 : i32
    %scan3A_2 = arith.addi %scan3A, %scan3A_1 : i32
    %scan3A_3 = arith.constant 1 : i32
    scf.for %scan3A_10 = %scan3A to %scan3A_2 step %scan3A_3  : i32 {
      %mul3A_11 = arith.constant 1 : i32
      %mul3A_12 = arith.muli %scan3A_10, %mul3A_11 : i32
      %add3A = arith.constant 0 : i32
      %add3A_13 = arith.addi %add3A, %mul3A_12 : i32
      %eq3A = arith.constant 0 : i32
      %eq3A_14 = arith.cmpi eq, %arg0, %eq3A : i32
      %convert_element_type3A = arith.extui %eq3A_14 : i1 to i32
      %cond3A = arith.constant 0 : i32
      %cond3A_15 = arith.cmpi ne, %convert_element_type3A, %cond3A : i32
      scf.if %cond3A_15 {
        "tpu.region"() ({
          %run_scoped3A_53 = tpu.sem_alloc : memref<!tpu.dma_semaphore, #tpu.memory_space<semaphore_mem>>
          %dma_start3A_54 = arith.constant 0 : i32
          %dma_start3A_55 = arith.constant 0 : i32
          %dma_start3A_56 = tpu.memref_slice %arg3[%arg1, %add3A_13, %dma_start3A_54, %dma_start3A_55] : memref<16x5x50x80xi32, #tpu.memory_space<hbm>> -> memref<1x1x50x80xi32, #tpu.memory_space<hbm>>
          %dma_start3A_57 = tpu.memref_squeeze %dma_start3A_56 : memref<1x1x50x80xi32, #tpu.memory_space<hbm>> -> memref<50x80xi32, #tpu.memory_space<hbm>>
          %dma_start3A_58 = arith.constant 0 : i32
          %dma_start3A_59 = arith.constant 0 : i32
          %dma_start3A_60 = tpu.memref_slice %arg3[%arg1, %add3A_13, %dma_start3A_58, %dma_start3A_59] : memref<16x5x50x80xi32, #tpu.memory_space<hbm>> -> memref<1x1x50x80xi32, #tpu.memory_space<hbm>>
          %dma_start3A_61 = tpu.memref_squeeze %dma_start3A_60 : memref<1x1x50x80xi32, #tpu.memory_space<hbm>> -> memref<50x80xi32, #tpu.memory_space<hbm>>
          tpu.enqueue_dma source(%dma_start3A_61 : memref<50x80xi32, #tpu.memory_space<hbm>>) target(%arg7 : memref<50x80xi32, #tpu.memory_space<vmem>>) target_semaphore(%run_scoped3A_53 : memref<!tpu.dma_semaphore, #tpu.memory_space<semaphore_mem>>)
          %dma_wait3A_62 = arith.constant 0 : i32
          %dma_wait3A_63 = arith.constant 0 : i32
          %dma_wait3A_64 = tpu.memref_slice %arg3[%arg1, %add3A_13, %dma_wait3A_62, %dma_wait3A_63] : memref<16x5x50x80xi32, #tpu.memory_space<hbm>> -> memref<1x1x50x80xi32, #tpu.memory_space<hbm>>
          %dma_wait3A_65 = tpu.memref_squeeze %dma_wait3A_64 : memref<1x1x50x80xi32, #tpu.memory_space<hbm>> -> memref<50x80xi32, #tpu.memory_space<hbm>>
          %dma_wait3A_66 = arith.constant 0 : i32
          %dma_wait3A_67 = arith.constant 0 : i32
          %dma_wait3A_68 = tpu.memref_slice %arg3[%arg1, %add3A_13, %dma_wait3A_66, %dma_wait3A_67] : memref<16x5x50x80xi32, #tpu.memory_space<hbm>> -> memref<1x1x50x80xi32, #tpu.memory_space<hbm>>
          %dma_wait3A_69 = tpu.memref_squeeze %dma_wait3A_68 : memref<1x1x50x80xi32, #tpu.memory_space<hbm>> -> memref<50x80xi32, #tpu.memory_space<hbm>>
          tpu.wait_dma2 semaphore(%run_scoped3A_53 : memref<!tpu.dma_semaphore, #tpu.memory_space<semaphore_mem>>) src(%dma_wait3A_69 : memref<50x80xi32, #tpu.memory_space<hbm>>) dst(%arg7 : memref<50x80xi32, #tpu.memory_space<vmem>>)
          tpu.yield
        }) : () -> ()
        "tpu.region"() ({
          %run_scoped3A_53 = tpu.sem_alloc : memref<!tpu.dma_semaphore, #tpu.memory_space<semaphore_mem>>
          %dma_start3A_54 = arith.constant 0 : i32
          %dma_start3A_55 = arith.constant 0 : i32
          %dma_start3A_56 = tpu.memref_slice %arg4[%arg1, %add3A_13, %dma_start3A_54, %dma_start3A_55] : memref<16x5x50x80xi32, #tpu.memory_space<hbm>> -> memref<1x1x50x80xi32, #tpu.memory_space<hbm>>
          %dma_start3A_57 = tpu.memref_squeeze %dma_start3A_56 : memref<1x1x50x80xi32, #tpu.memory_space<hbm>> -> memref<50x80xi32, #tpu.memory_space<hbm>>
          %dma_start3A_58 = arith.constant 0 : i32
          %dma_start3A_59 = arith.constant 0 : i32
          %dma_start3A_60 = tpu.memref_slice %arg4[%arg1, %add3A_13, %dma_start3A_58, %dma_start3A_59] : memref<16x5x50x80xi32, #tpu.memory_space<hbm>> -> memref<1x1x50x80xi32, #tpu.memory_space<hbm>>
          %dma_start3A_61 = tpu.memref_squeeze %dma_start3A_60 : memref<1x1x50x80xi32, #tpu.memory_space<hbm>> -> memref<50x80xi32, #tpu.memory_space<hbm>>
          tpu.enqueue_dma source(%dma_start3A_61 : memref<50x80xi32, #tpu.memory_space<hbm>>) target(%arg8 : memref<50x80xi32, #tpu.memory_space<vmem>>) target_semaphore(%run_scoped3A_53 : memref<!tpu.dma_semaphore, #tpu.memory_space<semaphore_mem>>)
          %dma_wait3A_62 = arith.constant 0 : i32
          %dma_wait3A_63 = arith.constant 0 : i32
          %dma_wait3A_64 = tpu.memref_slice %arg4[%arg1, %add3A_13, %dma_wait3A_62, %dma_wait3A_63] : memref<16x5x50x80xi32, #tpu.memory_space<hbm>> -> memref<1x1x50x80xi32, #tpu.memory_space<hbm>>
          %dma_wait3A_65 = tpu.memref_squeeze %dma_wait3A_64 : memref<1x1x50x80xi32, #tpu.memory_space<hbm>> -> memref<50x80xi32, #tpu.memory_space<hbm>>
          %dma_wait3A_66 = arith.constant 0 : i32
          %dma_wait3A_67 = arith.constant 0 : i32
          %dma_wait3A_68 = tpu.memref_slice %arg4[%arg1, %add3A_13, %dma_wait3A_66, %dma_wait3A_67] : memref<16x5x50x80xi32, #tpu.memory_space<hbm>> -> memref<1x1x50x80xi32, #tpu.memory_space<hbm>>
          %dma_wait3A_69 = tpu.memref_squeeze %dma_wait3A_68 : memref<1x1x50x80xi32, #tpu.memory_space<hbm>> -> memref<50x80xi32, #tpu.memory_space<hbm>>
          tpu.wait_dma2 semaphore(%run_scoped3A_53 : memref<!tpu.dma_semaphore, #tpu.memory_space<semaphore_mem>>) src(%dma_wait3A_69 : memref<50x80xi32, #tpu.memory_space<hbm>>) dst(%arg8 : memref<50x80xi32, #tpu.memory_space<vmem>>)
          tpu.yield
        }) : () -> ()
      } else {
      }
      %eq3A_16 = arith.constant 1 : i32
      %eq3A_17 = arith.cmpi eq, %arg0, %eq3A_16 : i32
      %convert_element_type3A_18 = arith.extui %eq3A_17 : i1 to i32
      %cond3A_19 = arith.constant 0 : i32
      %cond3A_20 = arith.cmpi ne, %convert_element_type3A_18, %cond3A_19 : i32
      scf.if %cond3A_20 {
        "tpu.region"() ({
          %run_scoped3A_53 = tpu.sem_alloc : memref<!tpu.dma_semaphore, #tpu.memory_space<semaphore_mem>>
          %dma_start3A_54 = arith.constant 0 : i32
          %dma_start3A_55 = arith.constant 0 : i32
          %dma_start3A_56 = tpu.memref_slice %arg4[%arg1, %add3A_13, %dma_start3A_54, %dma_start3A_55] : memref<16x5x50x80xi32, #tpu.memory_space<hbm>> -> memref<1x1x50x80xi32, #tpu.memory_space<hbm>>
          %dma_start3A_57 = tpu.memref_squeeze %dma_start3A_56 : memref<1x1x50x80xi32, #tpu.memory_space<hbm>> -> memref<50x80xi32, #tpu.memory_space<hbm>>
          %dma_start3A_58 = arith.constant 0 : i32
          %dma_start3A_59 = arith.constant 0 : i32
          %dma_start3A_60 = tpu.memref_slice %arg4[%arg1, %add3A_13, %dma_start3A_58, %dma_start3A_59] : memref<16x5x50x80xi32, #tpu.memory_space<hbm>> -> memref<1x1x50x80xi32, #tpu.memory_space<hbm>>
          %dma_start3A_61 = tpu.memref_squeeze %dma_start3A_60 : memref<1x1x50x80xi32, #tpu.memory_space<hbm>> -> memref<50x80xi32, #tpu.memory_space<hbm>>
          tpu.enqueue_dma source(%dma_start3A_61 : memref<50x80xi32, #tpu.memory_space<hbm>>) target(%arg7 : memref<50x80xi32, #tpu.memory_space<vmem>>) target_semaphore(%run_scoped3A_53 : memref<!tpu.dma_semaphore, #tpu.memory_space<semaphore_mem>>)
          %dma_wait3A_62 = arith.constant 0 : i32
          %dma_wait3A_63 = arith.constant 0 : i32
          %dma_wait3A_64 = tpu.memref_slice %arg4[%arg1, %add3A_13, %dma_wait3A_62, %dma_wait3A_63] : memref<16x5x50x80xi32, #tpu.memory_space<hbm>> -> memref<1x1x50x80xi32, #tpu.memory_space<hbm>>
          %dma_wait3A_65 = tpu.memref_squeeze %dma_wait3A_64 : memref<1x1x50x80xi32, #tpu.memory_space<hbm>> -> memref<50x80xi32, #tpu.memory_space<hbm>>
          %dma_wait3A_66 = arith.constant 0 : i32
          %dma_wait3A_67 = arith.constant 0 : i32
          %dma_wait3A_68 = tpu.memref_slice %arg4[%arg1, %add3A_13, %dma_wait3A_66, %dma_wait3A_67] : memref<16x5x50x80xi32, #tpu.memory_space<hbm>> -> memref<1x1x50x80xi32, #tpu.memory_space<hbm>>
          %dma_wait3A_69 = tpu.memref_squeeze %dma_wait3A_68 : memref<1x1x50x80xi32, #tpu.memory_space<hbm>> -> memref<50x80xi32, #tpu.memory_space<hbm>>
          tpu.wait_dma2 semaphore(%run_scoped3A_53 : memref<!tpu.dma_semaphore, #tpu.memory_space<semaphore_mem>>) src(%dma_wait3A_69 : memref<50x80xi32, #tpu.memory_space<hbm>>) dst(%arg7 : memref<50x80xi32, #tpu.memory_space<vmem>>)
          tpu.yield
        }) : () -> ()
        "tpu.region"() ({
          %run_scoped3A_53 = tpu.sem_alloc : memref<!tpu.dma_semaphore, #tpu.memory_space<semaphore_mem>>
          %dma_start3A_54 = arith.constant 0 : i32
          %dma_start3A_55 = arith.constant 0 : i32
          %dma_start3A_56 = tpu.memref_slice %arg3[%arg1, %add3A_13, %dma_start3A_54, %dma_start3A_55] : memref<16x5x50x80xi32, #tpu.memory_space<hbm>> -> memref<1x1x50x80xi32, #tpu.memory_space<hbm>>
          %dma_start3A_57 = tpu.memref_squeeze %dma_start3A_56 : memref<1x1x50x80xi32, #tpu.memory_space<hbm>> -> memref<50x80xi32, #tpu.memory_space<hbm>>
          %dma_start3A_58 = arith.constant 0 : i32
          %dma_start3A_59 = arith.constant 0 : i32
          %dma_start3A_60 = tpu.memref_slice %arg3[%arg1, %add3A_13, %dma_start3A_58, %dma_start3A_59] : memref<16x5x50x80xi32, #tpu.memory_space<hbm>> -> memref<1x1x50x80xi32, #tpu.memory_space<hbm>>
          %dma_start3A_61 = tpu.memref_squeeze %dma_start3A_60 : memref<1x1x50x80xi32, #tpu.memory_space<hbm>> -> memref<50x80xi32, #tpu.memory_space<hbm>>
          tpu.enqueue_dma source(%dma_start3A_61 : memref<50x80xi32, #tpu.memory_space<hbm>>) target(%arg8 : memref<50x80xi32, #tpu.memory_space<vmem>>) target_semaphore(%run_scoped3A_53 : memref<!tpu.dma_semaphore, #tpu.memory_space<semaphore_mem>>)
          %dma_wait3A_62 = arith.constant 0 : i32
          %dma_wait3A_63 = arith.constant 0 : i32
          %dma_wait3A_64 = tpu.memref_slice %arg3[%arg1, %add3A_13, %dma_wait3A_62, %dma_wait3A_63] : memref<16x5x50x80xi32, #tpu.memory_space<hbm>> -> memref<1x1x50x80xi32, #tpu.memory_space<hbm>>
          %dma_wait3A_65 = tpu.memref_squeeze %dma_wait3A_64 : memref<1x1x50x80xi32, #tpu.memory_space<hbm>> -> memref<50x80xi32, #tpu.memory_space<hbm>>
          %dma_wait3A_66 = arith.constant 0 : i32
          %dma_wait3A_67 = arith.constant 0 : i32
          %dma_wait3A_68 = tpu.memref_slice %arg3[%arg1, %add3A_13, %dma_wait3A_66, %dma_wait3A_67] : memref<16x5x50x80xi32, #tpu.memory_space<hbm>> -> memref<1x1x50x80xi32, #tpu.memory_space<hbm>>
          %dma_wait3A_69 = tpu.memref_squeeze %dma_wait3A_68 : memref<1x1x50x80xi32, #tpu.memory_space<hbm>> -> memref<50x80xi32, #tpu.memory_space<hbm>>
          tpu.wait_dma2 semaphore(%run_scoped3A_53 : memref<!tpu.dma_semaphore, #tpu.memory_space<semaphore_mem>>) src(%dma_wait3A_69 : memref<50x80xi32, #tpu.memory_space<hbm>>) dst(%arg8 : memref<50x80xi32, #tpu.memory_space<vmem>>)
          tpu.yield
        }) : () -> ()
      } else {
      }
      %dma_start3A = arith.constant 0 : i32
      %dma_start3A_21 = arith.constant 0 : i32
      %dma_start3A_22 = tpu.memref_slice %arg7[%dma_start3A, %dma_start3A_21] : memref<50x80xi32, #tpu.memory_space<vmem>> -> memref<1x80xi32, #tpu.memory_space<vmem>>
      %dma_start3A_23 = tpu.memref_squeeze %dma_start3A_22 : memref<1x80xi32, #tpu.memory_space<vmem>> -> memref<80xi32, #tpu.memory_space<vmem>>
      %dma_start3A_24 = arith.constant 0 : i32
      %dma_start3A_25 = arith.constant 0 : i32
      %dma_start3A_26 = tpu.memref_slice %arg2[%dma_start3A_24, %dma_start3A_25] : memref<10000x128xf32, #tpu.memory_space<hbm>> -> memref<10000x128xf32, #tpu.memory_space<hbm>>
      tpu.enqueue_indirect_dma source(%dma_start3A_26 : memref<10000x128xf32, #tpu.memory_space<hbm>>) target(%arg9 : memref<80x128xf32, #tpu.memory_space<vmem>>) offsets(%dma_start3A_23 : memref<80xi32, #tpu.memory_space<vmem>>) semaphore(%arg12 : memref<!tpu.dma_semaphore, #tpu.memory_space<semaphore_mem>>)
      %scan3A_27 = arith.constant 0 : i32
      %scan3A_28 = arith.constant 24 : i32
      %scan3A_29 = arith.addi %scan3A_27, %scan3A_28 : i32
      %scan3A_30 = arith.constant 1 : i32
      scf.for %scan3A_53 = %scan3A_27 to %scan3A_29 step %scan3A_30  : i32 {
        %mul3A_54 = arith.constant 1 : i32
        %mul3A_55 = arith.muli %scan3A_53, %mul3A_54 : i32
        %add3A_56 = arith.constant 0 : i32
        %add3A_57 = arith.addi %add3A_56, %mul3A_55 : i32
        %mul3A_58 = arith.constant 2 : i32
        %mul3A_59 = arith.muli %add3A_57, %mul3A_58 : i32
        %add3A_60 = arith.constant 1 : i32
        %add3A_61 = arith.addi %mul3A_59, %add3A_60 : i32
        %dma_start3A_62 = arith.constant 0 : i32
        %dma_start3A_63 = tpu.memref_slice %arg7[%add3A_61, %dma_start3A_62] : memref<50x80xi32, #tpu.memory_space<vmem>> -> memref<1x80xi32, #tpu.memory_space<vmem>>
        %dma_start3A_64 = tpu.memref_squeeze %dma_start3A_63 : memref<1x80xi32, #tpu.memory_space<vmem>> -> memref<80xi32, #tpu.memory_space<vmem>>
        %dma_start3A_65 = arith.constant 0 : i32
        %dma_start3A_66 = arith.constant 0 : i32
        %dma_start3A_67 = tpu.memref_slice %arg2[%dma_start3A_65, %dma_start3A_66] : memref<10000x128xf32, #tpu.memory_space<hbm>> -> memref<10000x128xf32, #tpu.memory_space<hbm>>
        tpu.enqueue_indirect_dma source(%dma_start3A_67 : memref<10000x128xf32, #tpu.memory_space<hbm>>) target(%arg10 : memref<80x128xf32, #tpu.memory_space<vmem>>) offsets(%dma_start3A_64 : memref<80xi32, #tpu.memory_space<vmem>>) semaphore(%arg13 : memref<!tpu.dma_semaphore, #tpu.memory_space<semaphore_mem>>)
        %dma_wait3A_68 = arith.constant 0 : i32
        %dma_wait3A_69 = tpu.memref_slice %arg7[%mul3A_59, %dma_wait3A_68] : memref<50x80xi32, #tpu.memory_space<vmem>> -> memref<1x80xi32, #tpu.memory_space<vmem>>
        %dma_wait3A_70 = tpu.memref_squeeze %dma_wait3A_69 : memref<1x80xi32, #tpu.memory_space<vmem>> -> memref<80xi32, #tpu.memory_space<vmem>>
        %dma_wait3A_71 = arith.constant 0 : i32
        %dma_wait3A_72 = arith.constant 0 : i32
        %dma_wait3A_73 = tpu.memref_slice %arg2[%dma_wait3A_71, %dma_wait3A_72] : memref<10000x128xf32, #tpu.memory_space<hbm>> -> memref<10000x128xf32, #tpu.memory_space<hbm>>
        tpu.wait_indirect_dma semaphore(%arg12 : memref<!tpu.dma_semaphore, #tpu.memory_space<semaphore_mem>>) src(%dma_wait3A_73 : memref<10000x128xf32, #tpu.memory_space<hbm>>) dst(%arg9 : memref<80x128xf32, #tpu.memory_space<vmem>>)
        "tpu.region"() ({
          %run_scoped3A_92 = tpu.sem_alloc : memref<!tpu.dma_semaphore, #tpu.memory_space<semaphore_mem>>
          %dma_start3A_93 = arith.constant 0 : i32
          %dma_start3A_94 = tpu.memref_slice %arg8[%mul3A_59, %dma_start3A_93] : memref<50x80xi32, #tpu.memory_space<vmem>> -> memref<1x80xi32, #tpu.memory_space<vmem>>
          %dma_start3A_95 = tpu.memref_squeeze %dma_start3A_94 : memref<1x80xi32, #tpu.memory_space<vmem>> -> memref<80xi32, #tpu.memory_space<vmem>>
          %dma_start3A_96 = arith.constant 0 : i32
          %dma_start3A_97 = arith.constant 0 : i32
          %dma_start3A_98 = tpu.memref_slice %arg11[%dma_start3A_96, %dma_start3A_97] : memref<10240x128xf32, #tpu.memory_space<vmem_shared>> -> memref<10240x128xf32, #tpu.memory_space<vmem_shared>>
          tpu.enqueue_indirect_dma source(%arg9 : memref<80x128xf32, #tpu.memory_space<vmem>>) target(%dma_start3A_98 : memref<10240x128xf32, #tpu.memory_space<vmem_shared>>) offsets(%dma_start3A_95 : memref<80xi32, #tpu.memory_space<vmem>>) semaphore(%run_scoped3A_92 : memref<!tpu.dma_semaphore, #tpu.memory_space<semaphore_mem>>) {add = true}
          %dma_wait3A_99 = arith.constant 0 : i32
          %dma_wait3A_100 = tpu.memref_slice %arg8[%mul3A_59, %dma_wait3A_99] : memref<50x80xi32, #tpu.memory_space<vmem>> -> memref<1x80xi32, #tpu.memory_space<vmem>>
          %dma_wait3A_101 = tpu.memref_squeeze %dma_wait3A_100 : memref<1x80xi32, #tpu.memory_space<vmem>> -> memref<80xi32, #tpu.memory_space<vmem>>
          %dma_wait3A_102 = arith.constant 0 : i32
          %dma_wait3A_103 = arith.constant 0 : i32
          %dma_wait3A_104 = tpu.memref_slice %arg11[%dma_wait3A_102, %dma_wait3A_103] : memref<10240x128xf32, #tpu.memory_space<vmem_shared>> -> memref<10240x128xf32, #tpu.memory_space<vmem_shared>>
          tpu.wait_indirect_dma semaphore(%run_scoped3A_92 : memref<!tpu.dma_semaphore, #tpu.memory_space<semaphore_mem>>) src(%arg9 : memref<80x128xf32, #tpu.memory_space<vmem>>) dst(%dma_wait3A_104 : memref<10240x128xf32, #tpu.memory_space<vmem_shared>>)
          tpu.yield
        }) : () -> ()
        %add3A_74 = arith.constant 2 : i32
        %add3A_75 = arith.addi %mul3A_59, %add3A_74 : i32
        %dma_start3A_76 = arith.constant 0 : i32
        %dma_start3A_77 = tpu.memref_slice %arg7[%add3A_75, %dma_start3A_76] : memref<50x80xi32, #tpu.memory_space<vmem>> -> memref<1x80xi32, #tpu.memory_space<vmem>>
        %dma_start3A_78 = tpu.memref_squeeze %dma_start3A_77 : memref<1x80xi32, #tpu.memory_space<vmem>> -> memref<80xi32, #tpu.memory_space<vmem>>
        %dma_start3A_79 = arith.constant 0 : i32
        %dma_start3A_80 = arith.constant 0 : i32
        %dma_start3A_81 = tpu.memref_slice %arg2[%dma_start3A_79, %dma_start3A_80] : memref<10000x128xf32, #tpu.memory_space<hbm>> -> memref<10000x128xf32, #tpu.memory_space<hbm>>
        tpu.enqueue_indirect_dma source(%dma_start3A_81 : memref<10000x128xf32, #tpu.memory_space<hbm>>) target(%arg9 : memref<80x128xf32, #tpu.memory_space<vmem>>) offsets(%dma_start3A_78 : memref<80xi32, #tpu.memory_space<vmem>>) semaphore(%arg12 : memref<!tpu.dma_semaphore, #tpu.memory_space<semaphore_mem>>)
        %add3A_82 = arith.constant 1 : i32
        %add3A_83 = arith.addi %mul3A_59, %add3A_82 : i32
        %dma_wait3A_84 = arith.constant 0 : i32
        %dma_wait3A_85 = tpu.memref_slice %arg7[%add3A_83, %dma_wait3A_84] : memref<50x80xi32, #tpu.memory_space<vmem>> -> memref<1x80xi32, #tpu.memory_space<vmem>>
        %dma_wait3A_86 = tpu.memref_squeeze %dma_wait3A_85 : memref<1x80xi32, #tpu.memory_space<vmem>> -> memref<80xi32, #tpu.memory_space<vmem>>
        %dma_wait3A_87 = arith.constant 0 : i32
        %dma_wait3A_88 = arith.constant 0 : i32
        %dma_wait3A_89 = tpu.memref_slice %arg2[%dma_wait3A_87, %dma_wait3A_88] : memref<10000x128xf32, #tpu.memory_space<hbm>> -> memref<10000x128xf32, #tpu.memory_space<hbm>>
        tpu.wait_indirect_dma semaphore(%arg13 : memref<!tpu.dma_semaphore, #tpu.memory_space<semaphore_mem>>) src(%dma_wait3A_89 : memref<10000x128xf32, #tpu.memory_space<hbm>>) dst(%arg10 : memref<80x128xf32, #tpu.memory_space<vmem>>)
        %add3A_90 = arith.constant 1 : i32
        %add3A_91 = arith.addi %mul3A_59, %add3A_90 : i32
        "tpu.region"() ({
          %run_scoped3A_92 = tpu.sem_alloc : memref<!tpu.dma_semaphore, #tpu.memory_space<semaphore_mem>>
          %dma_start3A_93 = arith.constant 0 : i32
          %dma_start3A_94 = tpu.memref_slice %arg8[%add3A_91, %dma_start3A_93] : memref<50x80xi32, #tpu.memory_space<vmem>> -> memref<1x80xi32, #tpu.memory_space<vmem>>
          %dma_start3A_95 = tpu.memref_squeeze %dma_start3A_94 : memref<1x80xi32, #tpu.memory_space<vmem>> -> memref<80xi32, #tpu.memory_space<vmem>>
          %dma_start3A_96 = arith.constant 0 : i32
          %dma_start3A_97 = arith.constant 0 : i32
          %dma_start3A_98 = tpu.memref_slice %arg11[%dma_start3A_96, %dma_start3A_97] : memref<10240x128xf32, #tpu.memory_space<vmem_shared>> -> memref<10240x128xf32, #tpu.memory_space<vmem_shared>>
          tpu.enqueue_indirect_dma source(%arg10 : memref<80x128xf32, #tpu.memory_space<vmem>>) target(%dma_start3A_98 : memref<10240x128xf32, #tpu.memory_space<vmem_shared>>) offsets(%dma_start3A_95 : memref<80xi32, #tpu.memory_space<vmem>>) semaphore(%run_scoped3A_92 : memref<!tpu.dma_semaphore, #tpu.memory_space<semaphore_mem>>) {add = true}
          %dma_wait3A_99 = arith.constant 0 : i32
          %dma_wait3A_100 = tpu.memref_slice %arg8[%add3A_91, %dma_wait3A_99] : memref<50x80xi32, #tpu.memory_space<vmem>> -> memref<1x80xi32, #tpu.memory_space<vmem>>
          %dma_wait3A_101 = tpu.memref_squeeze %dma_wait3A_100 : memref<1x80xi32, #tpu.memory_space<vmem>> -> memref<80xi32, #tpu.memory_space<vmem>>
          %dma_wait3A_102 = arith.constant 0 : i32
          %dma_wait3A_103 = arith.constant 0 : i32
          %dma_wait3A_104 = tpu.memref_slice %arg11[%dma_wait3A_102, %dma_wait3A_103] : memref<10240x128xf32, #tpu.memory_space<vmem_shared>> -> memref<10240x128xf32, #tpu.memory_space<vmem_shared>>
          tpu.wait_indirect_dma semaphore(%run_scoped3A_92 : memref<!tpu.dma_semaphore, #tpu.memory_space<semaphore_mem>>) src(%arg10 : memref<80x128xf32, #tpu.memory_space<vmem>>) dst(%dma_wait3A_104 : memref<10240x128xf32, #tpu.memory_space<vmem_shared>>)
          tpu.yield
        }) : () -> ()
      }
      %scan3A_31 = arith.constant 24 : i32
      %dma_start3A_32 = arith.constant 49 : i32
      %dma_start3A_33 = arith.constant 0 : i32
      %dma_start3A_34 = tpu.memref_slice %arg7[%dma_start3A_32, %dma_start3A_33] : memref<50x80xi32, #tpu.memory_space<vmem>> -> memref<1x80xi32, #tpu.memory_space<vmem>>
      %dma_start3A_35 = tpu.memref_squeeze %dma_start3A_34 : memref<1x80xi32, #tpu.memory_space<vmem>> -> memref<80xi32, #tpu.memory_space<vmem>>
      %dma_start3A_36 = arith.constant 0 : i32
      %dma_start3A_37 = arith.constant 0 : i32
      %dma_start3A_38 = tpu.memref_slice %arg2[%dma_start3A_36, %dma_start3A_37] : memref<10000x128xf32, #tpu.memory_space<hbm>> -> memref<10000x128xf32, #tpu.memory_space<hbm>>
      tpu.enqueue_indirect_dma source(%dma_start3A_38 : memref<10000x128xf32, #tpu.memory_space<hbm>>) target(%arg10 : memref<80x128xf32, #tpu.memory_space<vmem>>) offsets(%dma_start3A_35 : memref<80xi32, #tpu.memory_space<vmem>>) semaphore(%arg13 : memref<!tpu.dma_semaphore, #tpu.memory_space<semaphore_mem>>)
      %dma_wait3A = arith.constant 48 : i32
      %dma_wait3A_39 = arith.constant 0 : i32
      %dma_wait3A_40 = tpu.memref_slice %arg7[%dma_wait3A, %dma_wait3A_39] : memref<50x80xi32, #tpu.memory_space<vmem>> -> memref<1x80xi32, #tpu.memory_space<vmem>>
      %dma_wait3A_41 = tpu.memref_squeeze %dma_wait3A_40 : memref<1x80xi32, #tpu.memory_space<vmem>> -> memref<80xi32, #tpu.memory_space<vmem>>
      %dma_wait3A_42 = arith.constant 0 : i32
      %dma_wait3A_43 = arith.constant 0 : i32
      %dma_wait3A_44 = tpu.memref_slice %arg2[%dma_wait3A_42, %dma_wait3A_43] : memref<10000x128xf32, #tpu.memory_space<hbm>> -> memref<10000x128xf32, #tpu.memory_space<hbm>>
      tpu.wait_indirect_dma semaphore(%arg12 : memref<!tpu.dma_semaphore, #tpu.memory_space<semaphore_mem>>) src(%dma_wait3A_44 : memref<10000x128xf32, #tpu.memory_space<hbm>>) dst(%arg9 : memref<80x128xf32, #tpu.memory_space<vmem>>)
      %run_scoped3A = arith.constant 48 : i32
      "tpu.region"() ({
        %run_scoped3A_53 = tpu.sem_alloc : memref<!tpu.dma_semaphore, #tpu.memory_space<semaphore_mem>>
        %dma_start3A_54 = arith.constant 0 : i32
        %dma_start3A_55 = tpu.memref_slice %arg8[%run_scoped3A, %dma_start3A_54] : memref<50x80xi32, #tpu.memory_space<vmem>> -> memref<1x80xi32, #tpu.memory_space<vmem>>
        %dma_start3A_56 = tpu.memref_squeeze %dma_start3A_55 : memref<1x80xi32, #tpu.memory_space<vmem>> -> memref<80xi32, #tpu.memory_space<vmem>>
        %dma_start3A_57 = arith.constant 0 : i32
        %dma_start3A_58 = arith.constant 0 : i32
        %dma_start3A_59 = tpu.memref_slice %arg11[%dma_start3A_57, %dma_start3A_58] : memref<10240x128xf32, #tpu.memory_space<vmem_shared>> -> memref<10240x128xf32, #tpu.memory_space<vmem_shared>>
        tpu.enqueue_indirect_dma source(%arg9 : memref<80x128xf32, #tpu.memory_space<vmem>>) target(%dma_start3A_59 : memref<10240x128xf32, #tpu.memory_space<vmem_shared>>) offsets(%dma_start3A_56 : memref<80xi32, #tpu.memory_space<vmem>>) semaphore(%run_scoped3A_53 : memref<!tpu.dma_semaphore, #tpu.memory_space<semaphore_mem>>) {add = true}
        %dma_wait3A_60 = arith.constant 0 : i32
        %dma_wait3A_61 = tpu.memref_slice %arg8[%run_scoped3A, %dma_wait3A_60] : memref<50x80xi32, #tpu.memory_space<vmem>> -> memref<1x80xi32, #tpu.memory_space<vmem>>
        %dma_wait3A_62 = tpu.memref_squeeze %dma_wait3A_61 : memref<1x80xi32, #tpu.memory_space<vmem>> -> memref<80xi32, #tpu.memory_space<vmem>>
        %dma_wait3A_63 = arith.constant 0 : i32
        %dma_wait3A_64 = arith.constant 0 : i32
        %dma_wait3A_65 = tpu.memref_slice %arg11[%dma_wait3A_63, %dma_wait3A_64] : memref<10240x128xf32, #tpu.memory_space<vmem_shared>> -> memref<10240x128xf32, #tpu.memory_space<vmem_shared>>
        tpu.wait_indirect_dma semaphore(%run_scoped3A_53 : memref<!tpu.dma_semaphore, #tpu.memory_space<semaphore_mem>>) src(%arg9 : memref<80x128xf32, #tpu.memory_space<vmem>>) dst(%dma_wait3A_65 : memref<10240x128xf32, #tpu.memory_space<vmem_shared>>)
        tpu.yield
      }) : () -> ()
      %dma_wait3A_45 = arith.constant 49 : i32
      %dma_wait3A_46 = arith.constant 0 : i32
      %dma_wait3A_47 = tpu.memref_slice %arg7[%dma_wait3A_45, %dma_wait3A_46] : memref<50x80xi32, #tpu.memory_space<vmem>> -> memref<1x80xi32, #tpu.memory_space<vmem>>
      %dma_wait3A_48 = tpu.memref_squeeze %dma_wait3A_47 : memref<1x80xi32, #tpu.memory_space<vmem>> -> memref<80xi32, #tpu.memory_space<vmem>>
      %dma_wait3A_49 = arith.constant 0 : i32
      %dma_wait3A_50 = arith.constant 0 : i32
      %dma_wait3A_51 = tpu.memref_slice %arg2[%dma_wait3A_49, %dma_wait3A_50] : memref<10000x128xf32, #tpu.memory_space<hbm>> -> memref<10000x128xf32, #tpu.memory_space<hbm>>
      tpu.wait_indirect_dma semaphore(%arg13 : memref<!tpu.dma_semaphore, #tpu.memory_space<semaphore_mem>>) src(%dma_wait3A_51 : memref<10000x128xf32, #tpu.memory_space<hbm>>) dst(%arg10 : memref<80x128xf32, #tpu.memory_space<vmem>>)
      %run_scoped3A_52 = arith.constant 49 : i32
      "tpu.region"() ({
        %run_scoped3A_53 = tpu.sem_alloc : memref<!tpu.dma_semaphore, #tpu.memory_space<semaphore_mem>>
        %dma_start3A_54 = arith.constant 0 : i32
        %dma_start3A_55 = tpu.memref_slice %arg8[%run_scoped3A_52, %dma_start3A_54] : memref<50x80xi32, #tpu.memory_space<vmem>> -> memref<1x80xi32, #tpu.memory_space<vmem>>
        %dma_start3A_56 = tpu.memref_squeeze %dma_start3A_55 : memref<1x80xi32, #tpu.memory_space<vmem>> -> memref<80xi32, #tpu.memory_space<vmem>>
        %dma_start3A_57 = arith.constant 0 : i32
        %dma_start3A_58 = arith.constant 0 : i32
        %dma_start3A_59 = tpu.memref_slice %arg11[%dma_start3A_57, %dma_start3A_58] : memref<10240x128xf32, #tpu.memory_space<vmem_shared>> -> memref<10240x128xf32, #tpu.memory_space<vmem_shared>>
        tpu.enqueue_indirect_dma source(%arg10 : memref<80x128xf32, #tpu.memory_space<vmem>>) target(%dma_start3A_59 : memref<10240x128xf32, #tpu.memory_space<vmem_shared>>) offsets(%dma_start3A_56 : memref<80xi32, #tpu.memory_space<vmem>>) semaphore(%run_scoped3A_53 : memref<!tpu.dma_semaphore, #tpu.memory_space<semaphore_mem>>) {add = true}
        %dma_wait3A_60 = arith.constant 0 : i32
        %dma_wait3A_61 = tpu.memref_slice %arg8[%run_scoped3A_52, %dma_wait3A_60] : memref<50x80xi32, #tpu.memory_space<vmem>> -> memref<1x80xi32, #tpu.memory_space<vmem>>
        %dma_wait3A_62 = tpu.memref_squeeze %dma_wait3A_61 : memref<1x80xi32, #tpu.memory_space<vmem>> -> memref<80xi32, #tpu.memory_space<vmem>>
        %dma_wait3A_63 = arith.constant 0 : i32
        %dma_wait3A_64 = arith.constant 0 : i32
        %dma_wait3A_65 = tpu.memref_slice %arg11[%dma_wait3A_63, %dma_wait3A_64] : memref<10240x128xf32, #tpu.memory_space<vmem_shared>> -> memref<10240x128xf32, #tpu.memory_space<vmem_shared>>
        tpu.wait_indirect_dma semaphore(%run_scoped3A_53 : memref<!tpu.dma_semaphore, #tpu.memory_space<semaphore_mem>>) src(%arg10 : memref<80x128xf32, #tpu.memory_space<vmem>>) dst(%dma_wait3A_65 : memref<10240x128xf32, #tpu.memory_space<vmem_shared>>)
        tpu.yield
      }) : () -> ()
    }
    %scan3A_4 = arith.constant 5 : i32
    %barrier3A_5 = arith.constant 0 : index
    tpu.barrier barrier_id(%barrier3A_5)
    %mul3A_6 = arith.constant 640 : i32
    %mul3A_7 = arith.muli %arg1, %mul3A_6 : i32
    %mul3A_8 = arith.constant 640 : i32
    %mul3A_9 = arith.muli %arg1, %mul3A_8 : i32
    "tpu.region"() ({
      %run_scoped3A = tpu.sem_alloc : memref<!tpu.dma_semaphore, #tpu.memory_space<semaphore_mem>>
      %dma_start3A = arith.constant 0 : i32
      %dma_start3A_10 = tpu.memref_slice %arg6[%arg0, %mul3A_9, %dma_start3A] : memref<2x10240x128xf32, #tpu.memory_space<hbm>> -> memref<1x640x128xf32, #tpu.memory_space<hbm>>
      %dma_start3A_11 = tpu.memref_squeeze %dma_start3A_10 : memref<1x640x128xf32, #tpu.memory_space<hbm>> -> memref<640x128xf32, #tpu.memory_space<hbm>>
      %dma_start3A_12 = arith.constant 0 : i32
      %dma_start3A_13 = tpu.memref_slice %arg11[%mul3A_7, %dma_start3A_12] : memref<10240x128xf32, #tpu.memory_space<vmem_shared>> -> memref<640x128xf32, #tpu.memory_space<vmem_shared>>
      tpu.enqueue_dma source(%dma_start3A_13 : memref<640x128xf32, #tpu.memory_space<vmem_shared>>) target(%dma_start3A_11 : memref<640x128xf32, #tpu.memory_space<hbm>>) target_semaphore(%run_scoped3A : memref<!tpu.dma_semaphore, #tpu.memory_space<semaphore_mem>>)
      %dma_wait3A = arith.constant 0 : i32
      %dma_wait3A_14 = tpu.memref_slice %arg6[%arg0, %mul3A_9, %dma_wait3A] : memref<2x10240x128xf32, #tpu.memory_space<hbm>> -> memref<1x640x128xf32, #tpu.memory_space<hbm>>
      %dma_wait3A_15 = tpu.memref_squeeze %dma_wait3A_14 : memref<1x640x128xf32, #tpu.memory_space<hbm>> -> memref<640x128xf32, #tpu.memory_space<hbm>>
      %dma_wait3A_16 = arith.constant 0 : i32
      %dma_wait3A_17 = tpu.memref_slice %arg11[%mul3A_7, %dma_wait3A_16] : memref<10240x128xf32, #tpu.memory_space<vmem_shared>> -> memref<640x128xf32, #tpu.memory_space<vmem_shared>>
      tpu.wait_dma2 semaphore(%run_scoped3A : memref<!tpu.dma_semaphore, #tpu.memory_space<semaphore_mem>>) src(%dma_wait3A_17 : memref<640x128xf32, #tpu.memory_space<vmem_shared>>) dst(%dma_wait3A_15 : memref<640x128xf32, #tpu.memory_space<hbm>>)
      tpu.yield
    }) : () -> ()
    return
  }
}

#map = affine_map<(d0, d1) -> (0, 0, 0)>
#map1 = affine_map<(d0, d1) -> (0)>
#map2 = affine_map<(d0, d1) -> (0, 0)>
module attributes {stable_mosaic.version = 14 : i64} {
  func.func @_deg_call(%arg0: i32, %arg1: i32, %arg2: memref<32x125x80xi32, #tpu.memory_space<hbm>>, %arg3: memref<32x125x80xi32, #tpu.memory_space<hbm>>, %arg4: memref<640xf32, #tpu.memory_space<hbm>>, %arg5: memref<2x10240xf32, #tpu.memory_space<hbm>>, %arg6: memref<250x80xi32, #tpu.memory_space<vmem>>, %arg7: memref<80xf32, #tpu.memory_space<vmem>>, %arg8: memref<10240xf32, #tpu.memory_space<vmem_shared>>) attributes {dimension_semantics = [#tpu.dimension_semantics<core_parallel>, #tpu.dimension_semantics<subcore_parallel>], iteration_bounds = array<i64: 2, 16>, scalar_prefetch = 0 : i64, scratch_operands = 3 : i64, tpu.core_type = #tpu.core_type<sc_vector_subcore>, window_params = [{transform_indices = #map}, {transform_indices = #map}, {transform_indices = #map1}, {transform_indices = #map2}]} {
    %mul3A = arith.constant 16 : i32
    %mul3A_0 = arith.muli %arg0, %mul3A : i32
    %add3A = arith.addi %mul3A_0, %arg1 : i32
    %mul3A_1 = arith.constant 640 : i32
    %mul3A_2 = arith.muli %arg1, %mul3A_1 : i32
    "tpu.region"() ({
      %run_scoped3A = tpu.sem_alloc : memref<!tpu.dma_semaphore, #tpu.memory_space<semaphore_mem>>
      %dma_start3A = tpu.memref_slice %arg8[%mul3A_2] : memref<10240xf32, #tpu.memory_space<vmem_shared>> -> memref<640xf32, #tpu.memory_space<vmem_shared>>
      tpu.enqueue_dma source(%arg4 : memref<640xf32, #tpu.memory_space<hbm>>) target(%dma_start3A : memref<640xf32, #tpu.memory_space<vmem_shared>>) target_semaphore(%run_scoped3A : memref<!tpu.dma_semaphore, #tpu.memory_space<semaphore_mem>>)
      %dma_wait3A = tpu.memref_slice %arg8[%mul3A_2] : memref<10240xf32, #tpu.memory_space<vmem_shared>> -> memref<640xf32, #tpu.memory_space<vmem_shared>>
      tpu.wait_dma2 semaphore(%run_scoped3A : memref<!tpu.dma_semaphore, #tpu.memory_space<semaphore_mem>>) src(%arg4 : memref<640xf32, #tpu.memory_space<hbm>>) dst(%dma_wait3A : memref<640xf32, #tpu.memory_space<vmem_shared>>)
      tpu.yield
    }) : () -> ()
    %broadcast_in_dim3A = arith.constant 1.000000e+00 : f32
    %broadcast_in_dim3A_3 = vector.broadcast %broadcast_in_dim3A : f32 to vector<16xf32>
    %swap3A = arith.constant 0 : index
    %swap3A_4 = tpu.vector_load %arg7[%swap3A] {strides = array<i32>} : memref<80xf32, #tpu.memory_space<vmem>>, vector<16xf32>,
    %swap3A_5 = vector.shape_cast %swap3A_4 : vector<16xf32> to vector<16xf32>
    %swap3A_6 = vector.shape_cast %broadcast_in_dim3A_3 : vector<16xf32> to vector<16xf32>
    tpu.vector_store %arg7[%swap3A], %swap3A_6 {strides = array<i32>} : memref<80xf32, #tpu.memory_space<vmem>>, vector<16xf32>,
    %broadcast_in_dim3A_7 = arith.constant 1.000000e+00 : f32
    %broadcast_in_dim3A_8 = vector.broadcast %broadcast_in_dim3A_7 : f32 to vector<16xf32>
    %swap3A_9 = arith.constant 16 : index
    %swap3A_10 = tpu.vector_load %arg7[%swap3A_9] {strides = array<i32>} : memref<80xf32, #tpu.memory_space<vmem>>, vector<16xf32>,
    %swap3A_11 = vector.shape_cast %swap3A_10 : vector<16xf32> to vector<16xf32>
    %swap3A_12 = vector.shape_cast %broadcast_in_dim3A_8 : vector<16xf32> to vector<16xf32>
    tpu.vector_store %arg7[%swap3A_9], %swap3A_12 {strides = array<i32>} : memref<80xf32, #tpu.memory_space<vmem>>, vector<16xf32>,
    %broadcast_in_dim3A_13 = arith.constant 1.000000e+00 : f32
    %broadcast_in_dim3A_14 = vector.broadcast %broadcast_in_dim3A_13 : f32 to vector<16xf32>
    %swap3A_15 = arith.constant 32 : index
    %swap3A_16 = tpu.vector_load %arg7[%swap3A_15] {strides = array<i32>} : memref<80xf32, #tpu.memory_space<vmem>>, vector<16xf32>,
    %swap3A_17 = vector.shape_cast %swap3A_16 : vector<16xf32> to vector<16xf32>
    %swap3A_18 = vector.shape_cast %broadcast_in_dim3A_14 : vector<16xf32> to vector<16xf32>
    tpu.vector_store %arg7[%swap3A_15], %swap3A_18 {strides = array<i32>} : memref<80xf32, #tpu.memory_space<vmem>>, vector<16xf32>,
    %broadcast_in_dim3A_19 = arith.constant 1.000000e+00 : f32
    %broadcast_in_dim3A_20 = vector.broadcast %broadcast_in_dim3A_19 : f32 to vector<16xf32>
    %swap3A_21 = arith.constant 48 : index
    %swap3A_22 = tpu.vector_load %arg7[%swap3A_21] {strides = array<i32>} : memref<80xf32, #tpu.memory_space<vmem>>, vector<16xf32>,
    %swap3A_23 = vector.shape_cast %swap3A_22 : vector<16xf32> to vector<16xf32>
    %swap3A_24 = vector.shape_cast %broadcast_in_dim3A_20 : vector<16xf32> to vector<16xf32>
    tpu.vector_store %arg7[%swap3A_21], %swap3A_24 {strides = array<i32>} : memref<80xf32, #tpu.memory_space<vmem>>, vector<16xf32>,
    %broadcast_in_dim3A_25 = arith.constant 1.000000e+00 : f32
    %broadcast_in_dim3A_26 = vector.broadcast %broadcast_in_dim3A_25 : f32 to vector<16xf32>
    %swap3A_27 = arith.constant 64 : index
    %swap3A_28 = tpu.vector_load %arg7[%swap3A_27] {strides = array<i32>} : memref<80xf32, #tpu.memory_space<vmem>>, vector<16xf32>,
    %swap3A_29 = vector.shape_cast %swap3A_28 : vector<16xf32> to vector<16xf32>
    %swap3A_30 = vector.shape_cast %broadcast_in_dim3A_26 : vector<16xf32> to vector<16xf32>
    tpu.vector_store %arg7[%swap3A_27], %swap3A_30 {strides = array<i32>} : memref<80xf32, #tpu.memory_space<vmem>>, vector<16xf32>,
    "tpu.region"() ({
      %run_scoped3A = tpu.sem_alloc : memref<!tpu.dma_semaphore, #tpu.memory_space<semaphore_mem>>
      %dma_start3A = arith.constant 0 : i32
      %dma_start3A_40 = arith.constant 0 : i32
      %dma_start3A_41 = tpu.memref_slice %arg6[%dma_start3A, %dma_start3A_40] : memref<250x80xi32, #tpu.memory_space<vmem>> -> memref<125x80xi32, #tpu.memory_space<vmem>>
      %dma_start3A_42 = arith.constant 0 : i32
      %dma_start3A_43 = arith.constant 0 : i32
      %dma_start3A_44 = tpu.memref_slice %arg2[%add3A, %dma_start3A_42, %dma_start3A_43] : memref<32x125x80xi32, #tpu.memory_space<hbm>> -> memref<1x125x80xi32, #tpu.memory_space<hbm>>
      %dma_start3A_45 = tpu.memref_squeeze %dma_start3A_44 : memref<1x125x80xi32, #tpu.memory_space<hbm>> -> memref<125x80xi32, #tpu.memory_space<hbm>>
      %dma_start3A_46 = arith.constant 0 : i32
      %dma_start3A_47 = arith.constant 0 : i32
      %dma_start3A_48 = tpu.memref_slice %arg6[%dma_start3A_46, %dma_start3A_47] : memref<250x80xi32, #tpu.memory_space<vmem>> -> memref<125x80xi32, #tpu.memory_space<vmem>>
      %dma_start3A_49 = arith.constant 0 : i32
      %dma_start3A_50 = arith.constant 0 : i32
      %dma_start3A_51 = tpu.memref_slice %arg2[%add3A, %dma_start3A_49, %dma_start3A_50] : memref<32x125x80xi32, #tpu.memory_space<hbm>> -> memref<1x125x80xi32, #tpu.memory_space<hbm>>
      %dma_start3A_52 = tpu.memref_squeeze %dma_start3A_51 : memref<1x125x80xi32, #tpu.memory_space<hbm>> -> memref<125x80xi32, #tpu.memory_space<hbm>>
      tpu.enqueue_dma source(%dma_start3A_52 : memref<125x80xi32, #tpu.memory_space<hbm>>) target(%dma_start3A_48 : memref<125x80xi32, #tpu.memory_space<vmem>>) target_semaphore(%run_scoped3A : memref<!tpu.dma_semaphore, #tpu.memory_space<semaphore_mem>>)
      %dma_wait3A = arith.constant 0 : i32
      %dma_wait3A_53 = arith.constant 0 : i32
      %dma_wait3A_54 = tpu.memref_slice %arg6[%dma_wait3A, %dma_wait3A_53] : memref<250x80xi32, #tpu.memory_space<vmem>> -> memref<125x80xi32, #tpu.memory_space<vmem>>
      %dma_wait3A_55 = arith.constant 0 : i32
      %dma_wait3A_56 = arith.constant 0 : i32
      %dma_wait3A_57 = tpu.memref_slice %arg2[%add3A, %dma_wait3A_55, %dma_wait3A_56] : memref<32x125x80xi32, #tpu.memory_space<hbm>> -> memref<1x125x80xi32, #tpu.memory_space<hbm>>
      %dma_wait3A_58 = tpu.memref_squeeze %dma_wait3A_57 : memref<1x125x80xi32, #tpu.memory_space<hbm>> -> memref<125x80xi32, #tpu.memory_space<hbm>>
      %dma_wait3A_59 = arith.constant 0 : i32
      %dma_wait3A_60 = arith.constant 0 : i32
      %dma_wait3A_61 = tpu.memref_slice %arg6[%dma_wait3A_59, %dma_wait3A_60] : memref<250x80xi32, #tpu.memory_space<vmem>> -> memref<125x80xi32, #tpu.memory_space<vmem>>
      %dma_wait3A_62 = arith.constant 0 : i32
      %dma_wait3A_63 = arith.constant 0 : i32
      %dma_wait3A_64 = tpu.memref_slice %arg2[%add3A, %dma_wait3A_62, %dma_wait3A_63] : memref<32x125x80xi32, #tpu.memory_space<hbm>> -> memref<1x125x80xi32, #tpu.memory_space<hbm>>
      %dma_wait3A_65 = tpu.memref_squeeze %dma_wait3A_64 : memref<1x125x80xi32, #tpu.memory_space<hbm>> -> memref<125x80xi32, #tpu.memory_space<hbm>>
      tpu.wait_dma2 semaphore(%run_scoped3A : memref<!tpu.dma_semaphore, #tpu.memory_space<semaphore_mem>>) src(%dma_wait3A_65 : memref<125x80xi32, #tpu.memory_space<hbm>>) dst(%dma_wait3A_61 : memref<125x80xi32, #tpu.memory_space<vmem>>)
      tpu.yield
    }) : () -> ()
    "tpu.region"() ({
      %run_scoped3A = tpu.sem_alloc : memref<!tpu.dma_semaphore, #tpu.memory_space<semaphore_mem>>
      %dma_start3A = arith.constant 125 : i32
      %dma_start3A_40 = arith.constant 0 : i32
      %dma_start3A_41 = tpu.memref_slice %arg6[%dma_start3A, %dma_start3A_40] : memref<250x80xi32, #tpu.memory_space<vmem>> -> memref<125x80xi32, #tpu.memory_space<vmem>>
      %dma_start3A_42 = arith.constant 0 : i32
      %dma_start3A_43 = arith.constant 0 : i32
      %dma_start3A_44 = tpu.memref_slice %arg3[%add3A, %dma_start3A_42, %dma_start3A_43] : memref<32x125x80xi32, #tpu.memory_space<hbm>> -> memref<1x125x80xi32, #tpu.memory_space<hbm>>
      %dma_start3A_45 = tpu.memref_squeeze %dma_start3A_44 : memref<1x125x80xi32, #tpu.memory_space<hbm>> -> memref<125x80xi32, #tpu.memory_space<hbm>>
      %dma_start3A_46 = arith.constant 125 : i32
      %dma_start3A_47 = arith.constant 0 : i32
      %dma_start3A_48 = tpu.memref_slice %arg6[%dma_start3A_46, %dma_start3A_47] : memref<250x80xi32, #tpu.memory_space<vmem>> -> memref<125x80xi32, #tpu.memory_space<vmem>>
      %dma_start3A_49 = arith.constant 0 : i32
      %dma_start3A_50 = arith.constant 0 : i32
      %dma_start3A_51 = tpu.memref_slice %arg3[%add3A, %dma_start3A_49, %dma_start3A_50] : memref<32x125x80xi32, #tpu.memory_space<hbm>> -> memref<1x125x80xi32, #tpu.memory_space<hbm>>
      %dma_start3A_52 = tpu.memref_squeeze %dma_start3A_51 : memref<1x125x80xi32, #tpu.memory_space<hbm>> -> memref<125x80xi32, #tpu.memory_space<hbm>>
      tpu.enqueue_dma source(%dma_start3A_52 : memref<125x80xi32, #tpu.memory_space<hbm>>) target(%dma_start3A_48 : memref<125x80xi32, #tpu.memory_space<vmem>>) target_semaphore(%run_scoped3A : memref<!tpu.dma_semaphore, #tpu.memory_space<semaphore_mem>>)
      %dma_wait3A = arith.constant 125 : i32
      %dma_wait3A_53 = arith.constant 0 : i32
      %dma_wait3A_54 = tpu.memref_slice %arg6[%dma_wait3A, %dma_wait3A_53] : memref<250x80xi32, #tpu.memory_space<vmem>> -> memref<125x80xi32, #tpu.memory_space<vmem>>
      %dma_wait3A_55 = arith.constant 0 : i32
      %dma_wait3A_56 = arith.constant 0 : i32
      %dma_wait3A_57 = tpu.memref_slice %arg3[%add3A, %dma_wait3A_55, %dma_wait3A_56] : memref<32x125x80xi32, #tpu.memory_space<hbm>> -> memref<1x125x80xi32, #tpu.memory_space<hbm>>
      %dma_wait3A_58 = tpu.memref_squeeze %dma_wait3A_57 : memref<1x125x80xi32, #tpu.memory_space<hbm>> -> memref<125x80xi32, #tpu.memory_space<hbm>>
      %dma_wait3A_59 = arith.constant 125 : i32
      %dma_wait3A_60 = arith.constant 0 : i32
      %dma_wait3A_61 = tpu.memref_slice %arg6[%dma_wait3A_59, %dma_wait3A_60] : memref<250x80xi32, #tpu.memory_space<vmem>> -> memref<125x80xi32, #tpu.memory_space<vmem>>
      %dma_wait3A_62 = arith.constant 0 : i32
      %dma_wait3A_63 = arith.constant 0 : i32
      %dma_wait3A_64 = tpu.memref_slice %arg3[%add3A, %dma_wait3A_62, %dma_wait3A_63] : memref<32x125x80xi32, #tpu.memory_space<hbm>> -> memref<1x125x80xi32, #tpu.memory_space<hbm>>
      %dma_wait3A_65 = tpu.memref_squeeze %dma_wait3A_64 : memref<1x125x80xi32, #tpu.memory_space<hbm>> -> memref<125x80xi32, #tpu.memory_space<hbm>>
      tpu.wait_dma2 semaphore(%run_scoped3A : memref<!tpu.dma_semaphore, #tpu.memory_space<semaphore_mem>>) src(%dma_wait3A_65 : memref<125x80xi32, #tpu.memory_space<hbm>>) dst(%dma_wait3A_61 : memref<125x80xi32, #tpu.memory_space<vmem>>)
      tpu.yield
    }) : () -> ()
    %barrier3A = arith.constant 0 : index
    tpu.barrier barrier_id(%barrier3A)
    %scan3A = arith.constant 0 : i32
    %scan3A_31 = arith.constant 250 : i32
    %scan3A_32 = arith.addi %scan3A, %scan3A_31 : i32
    %scan3A_33 = arith.constant 1 : i32
    scf.for %scan3A_40 = %scan3A to %scan3A_32 step %scan3A_33  : i32 {
      %mul3A_41 = arith.constant 1 : i32
      %mul3A_42 = arith.muli %scan3A_40, %mul3A_41 : i32
      %add3A_43 = arith.constant 0 : i32
      %add3A_44 = arith.addi %add3A_43, %mul3A_42 : i32
      "tpu.region"() ({
        %run_scoped3A = tpu.sem_alloc : memref<!tpu.dma_semaphore, #tpu.memory_space<semaphore_mem>>
        %dma_start3A = arith.constant 0 : i32
        %dma_start3A_45 = tpu.memref_slice %arg6[%add3A_44, %dma_start3A] : memref<250x80xi32, #tpu.memory_space<vmem>> -> memref<1x80xi32, #tpu.memory_space<vmem>>
        %dma_start3A_46 = tpu.memref_squeeze %dma_start3A_45 : memref<1x80xi32, #tpu.memory_space<vmem>> -> memref<80xi32, #tpu.memory_space<vmem>>
        %dma_start3A_47 = arith.constant 0 : i32
        %dma_start3A_48 = tpu.memref_slice %arg8[%dma_start3A_47] : memref<10240xf32, #tpu.memory_space<vmem_shared>> -> memref<10240xf32, #tpu.memory_space<vmem_shared>>
        tpu.enqueue_indirect_dma source(%arg7 : memref<80xf32, #tpu.memory_space<vmem>>) target(%dma_start3A_48 : memref<10240xf32, #tpu.memory_space<vmem_shared>>) offsets(%dma_start3A_46 : memref<80xi32, #tpu.memory_space<vmem>>) semaphore(%run_scoped3A : memref<!tpu.dma_semaphore, #tpu.memory_space<semaphore_mem>>) {add = true}
        %dma_wait3A = arith.constant 0 : i32
        %dma_wait3A_49 = tpu.memref_slice %arg6[%add3A_44, %dma_wait3A] : memref<250x80xi32, #tpu.memory_space<vmem>> -> memref<1x80xi32, #tpu.memory_space<vmem>>
        %dma_wait3A_50 = tpu.memref_squeeze %dma_wait3A_49 : memref<1x80xi32, #tpu.memory_space<vmem>> -> memref<80xi32, #tpu.memory_space<vmem>>
        %dma_wait3A_51 = arith.constant 0 : i32
        %dma_wait3A_52 = tpu.memref_slice %arg8[%dma_wait3A_51] : memref<10240xf32, #tpu.memory_space<vmem_shared>> -> memref<10240xf32, #tpu.memory_space<vmem_shared>>
        tpu.wait_indirect_dma semaphore(%run_scoped3A : memref<!tpu.dma_semaphore, #tpu.memory_space<semaphore_mem>>) src(%arg7 : memref<80xf32, #tpu.memory_space<vmem>>) dst(%dma_wait3A_52 : memref<10240xf32, #tpu.memory_space<vmem_shared>>)
        tpu.yield
      }) : () -> ()
    }
    %scan3A_34 = arith.constant 250 : i32
    %barrier3A_35 = arith.constant 0 : index
    tpu.barrier barrier_id(%barrier3A_35)
    %mul3A_36 = arith.constant 640 : i32
    %mul3A_37 = arith.muli %arg1, %mul3A_36 : i32
    %mul3A_38 = arith.constant 640 : i32
    %mul3A_39 = arith.muli %arg1, %mul3A_38 : i32
    "tpu.region"() ({
      %run_scoped3A = tpu.sem_alloc : memref<!tpu.dma_semaphore, #tpu.memory_space<semaphore_mem>>
      %dma_start3A = tpu.memref_slice %arg5[%arg0, %mul3A_39] : memref<2x10240xf32, #tpu.memory_space<hbm>> -> memref<1x640xf32, #tpu.memory_space<hbm>>
      %dma_start3A_40 = tpu.memref_squeeze %dma_start3A : memref<1x640xf32, #tpu.memory_space<hbm>> -> memref<640xf32, #tpu.memory_space<hbm>>
      %dma_start3A_41 = tpu.memref_slice %arg8[%mul3A_37] : memref<10240xf32, #tpu.memory_space<vmem_shared>> -> memref<640xf32, #tpu.memory_space<vmem_shared>>
      tpu.enqueue_dma source(%dma_start3A_41 : memref<640xf32, #tpu.memory_space<vmem_shared>>) target(%dma_start3A_40 : memref<640xf32, #tpu.memory_space<hbm>>) target_semaphore(%run_scoped3A : memref<!tpu.dma_semaphore, #tpu.memory_space<semaphore_mem>>)
      %dma_wait3A = tpu.memref_slice %arg5[%arg0, %mul3A_39] : memref<2x10240xf32, #tpu.memory_space<hbm>> -> memref<1x640xf32, #tpu.memory_space<hbm>>
      %dma_wait3A_42 = tpu.memref_squeeze %dma_wait3A : memref<1x640xf32, #tpu.memory_space<hbm>> -> memref<640xf32, #tpu.memory_space<hbm>>
      %dma_wait3A_43 = tpu.memref_slice %arg8[%mul3A_37] : memref<10240xf32, #tpu.memory_space<vmem_shared>> -> memref<640xf32, #tpu.memory_space<vmem_shared>>
      tpu.wait_dma2 semaphore(%run_scoped3A : memref<!tpu.dma_semaphore, #tpu.memory_space<semaphore_mem>>) src(%dma_wait3A_43 : memref<640xf32, #tpu.memory_space<vmem_shared>>) dst(%dma_wait3A_42 : memref<640xf32, #tpu.memory_space<hbm>>)
      tpu.yield
    }) : () -> ()
    return
  }
}

#map = affine_map<(d0, d1) -> (0, 0)>
#map1 = affine_map<(d0, d1) -> (0, 0, 0, 0)>
#map2 = affine_map<(d0, d1) -> (0, 0, 0)>
module attributes {stable_mosaic.version = 14 : i64} {
  func.func @_prop_call(%arg0: i32, %arg1: i32, %arg2: memref<10000x128xf32, #tpu.memory_space<hbm>>, %arg3: memref<16x5x50x80xi32, #tpu.memory_space<hbm>>, %arg4: memref<16x5x50x80xi32, #tpu.memory_space<hbm>>, %arg5: memref<640x128xf32, #tpu.memory_space<hbm>>, %arg6: memref<2x10240x128xf32, #tpu.memory_space<hbm>>, %arg7: memref<50x80xi32, #tpu.memory_space<vmem>>, %arg8: memref<50x80xi32, #tpu.memory_space<vmem>>, %arg9: memref<80x128xf32, #tpu.memory_space<vmem>>, %arg10: memref<80x128xf32, #tpu.memory_space<vmem>>, %arg11: memref<10240x128xf32, #tpu.memory_space<vmem_shared>>, %arg12: memref<!tpu.dma_semaphore, #tpu.memory_space<semaphore_mem>>, %arg13: memref<!tpu.dma_semaphore, #tpu.memory_space<semaphore_mem>>) attributes {dimension_semantics = [#tpu.dimension_semantics<core_parallel>, #tpu.dimension_semantics<subcore_parallel>], iteration_bounds = array<i64: 2, 16>, scalar_prefetch = 0 : i64, scratch_operands = 7 : i64, tpu.core_type = #tpu.core_type<sc_vector_subcore>, window_params = [{transform_indices = #map}, {transform_indices = #map1}, {transform_indices = #map1}, {transform_indices = #map}, {transform_indices = #map2}]} {
    %mul3A = arith.constant 640 : i32
    %mul3A_0 = arith.muli %arg1, %mul3A : i32
    "tpu.region"() ({
      %run_scoped3A = tpu.sem_alloc : memref<!tpu.dma_semaphore, #tpu.memory_space<semaphore_mem>>
      %dma_start3A = arith.constant 0 : i32
      %dma_start3A_10 = tpu.memref_slice %arg11[%mul3A_0, %dma_start3A] : memref<10240x128xf32, #tpu.memory_space<vmem_shared>> -> memref<640x128xf32, #tpu.memory_space<vmem_shared>>
      tpu.enqueue_dma source(%arg5 : memref<640x128xf32, #tpu.memory_space<hbm>>) target(%dma_start3A_10 : memref<640x128xf32, #tpu.memory_space<vmem_shared>>) target_semaphore(%run_scoped3A : memref<!tpu.dma_semaphore, #tpu.memory_space<semaphore_mem>>)
      %dma_wait3A = arith.constant 0 : i32
      %dma_wait3A_11 = tpu.memref_slice %arg11[%mul3A_0, %dma_wait3A] : memref<10240x128xf32, #tpu.memory_space<vmem_shared>> -> memref<640x128xf32, #tpu.memory_space<vmem_shared>>
      tpu.wait_dma2 semaphore(%run_scoped3A : memref<!tpu.dma_semaphore, #tpu.memory_space<semaphore_mem>>) src(%arg5 : memref<640x128xf32, #tpu.memory_space<hbm>>) dst(%dma_wait3A_11 : memref<640x128xf32, #tpu.memory_space<vmem_shared>>)
      tpu.yield
    }) : () -> ()
    %barrier3A = arith.constant 0 : index
    tpu.barrier barrier_id(%barrier3A)
    %scan3A = arith.constant 0 : i32
    %scan3A_1 = arith.constant 5 : i32
    %scan3A_2 = arith.addi %scan3A, %scan3A_1 : i32
    %scan3A_3 = arith.constant 1 : i32
    scf.for %scan3A_10 = %scan3A to %scan3A_2 step %scan3A_3  : i32 {
      %mul3A_11 = arith.constant 1 : i32
      %mul3A_12 = arith.muli %scan3A_10, %mul3A_11 : i32
      %add3A = arith.constant 0 : i32
      %add3A_13 = arith.addi %add3A, %mul3A_12 : i32
      %eq3A = arith.constant 0 : i32
      %eq3A_14 = arith.cmpi eq, %arg0, %eq3A : i32
      %convert_element_type3A = arith.extui %eq3A_14 : i1 to i32
      %cond3A = arith.constant 0 : i32
      %cond3A_15 = arith.cmpi ne, %convert_element_type3A, %cond3A : i32
      scf.if %cond3A_15 {
        "tpu.region"() ({
          %run_scoped3A_53 = tpu.sem_alloc : memref<!tpu.dma_semaphore, #tpu.memory_space<semaphore_mem>>
          %dma_start3A_54 = arith.constant 0 : i32
          %dma_start3A_55 = arith.constant 0 : i32
          %dma_start3A_56 = tpu.memref_slice %arg3[%arg1, %add3A_13, %dma_start3A_54, %dma_start3A_55] : memref<16x5x50x80xi32, #tpu.memory_space<hbm>> -> memref<1x1x50x80xi32, #tpu.memory_space<hbm>>
          %dma_start3A_57 = tpu.memref_squeeze %dma_start3A_56 : memref<1x1x50x80xi32, #tpu.memory_space<hbm>> -> memref<50x80xi32, #tpu.memory_space<hbm>>
          %dma_start3A_58 = arith.constant 0 : i32
          %dma_start3A_59 = arith.constant 0 : i32
          %dma_start3A_60 = tpu.memref_slice %arg3[%arg1, %add3A_13, %dma_start3A_58, %dma_start3A_59] : memref<16x5x50x80xi32, #tpu.memory_space<hbm>> -> memref<1x1x50x80xi32, #tpu.memory_space<hbm>>
          %dma_start3A_61 = tpu.memref_squeeze %dma_start3A_60 : memref<1x1x50x80xi32, #tpu.memory_space<hbm>> -> memref<50x80xi32, #tpu.memory_space<hbm>>
          tpu.enqueue_dma source(%dma_start3A_61 : memref<50x80xi32, #tpu.memory_space<hbm>>) target(%arg7 : memref<50x80xi32, #tpu.memory_space<vmem>>) target_semaphore(%run_scoped3A_53 : memref<!tpu.dma_semaphore, #tpu.memory_space<semaphore_mem>>)
          %dma_wait3A_62 = arith.constant 0 : i32
          %dma_wait3A_63 = arith.constant 0 : i32
          %dma_wait3A_64 = tpu.memref_slice %arg3[%arg1, %add3A_13, %dma_wait3A_62, %dma_wait3A_63] : memref<16x5x50x80xi32, #tpu.memory_space<hbm>> -> memref<1x1x50x80xi32, #tpu.memory_space<hbm>>
          %dma_wait3A_65 = tpu.memref_squeeze %dma_wait3A_64 : memref<1x1x50x80xi32, #tpu.memory_space<hbm>> -> memref<50x80xi32, #tpu.memory_space<hbm>>
          %dma_wait3A_66 = arith.constant 0 : i32
          %dma_wait3A_67 = arith.constant 0 : i32
          %dma_wait3A_68 = tpu.memref_slice %arg3[%arg1, %add3A_13, %dma_wait3A_66, %dma_wait3A_67] : memref<16x5x50x80xi32, #tpu.memory_space<hbm>> -> memref<1x1x50x80xi32, #tpu.memory_space<hbm>>
          %dma_wait3A_69 = tpu.memref_squeeze %dma_wait3A_68 : memref<1x1x50x80xi32, #tpu.memory_space<hbm>> -> memref<50x80xi32, #tpu.memory_space<hbm>>
          tpu.wait_dma2 semaphore(%run_scoped3A_53 : memref<!tpu.dma_semaphore, #tpu.memory_space<semaphore_mem>>) src(%dma_wait3A_69 : memref<50x80xi32, #tpu.memory_space<hbm>>) dst(%arg7 : memref<50x80xi32, #tpu.memory_space<vmem>>)
          tpu.yield
        }) : () -> ()
        "tpu.region"() ({
          %run_scoped3A_53 = tpu.sem_alloc : memref<!tpu.dma_semaphore, #tpu.memory_space<semaphore_mem>>
          %dma_start3A_54 = arith.constant 0 : i32
          %dma_start3A_55 = arith.constant 0 : i32
          %dma_start3A_56 = tpu.memref_slice %arg4[%arg1, %add3A_13, %dma_start3A_54, %dma_start3A_55] : memref<16x5x50x80xi32, #tpu.memory_space<hbm>> -> memref<1x1x50x80xi32, #tpu.memory_space<hbm>>
          %dma_start3A_57 = tpu.memref_squeeze %dma_start3A_56 : memref<1x1x50x80xi32, #tpu.memory_space<hbm>> -> memref<50x80xi32, #tpu.memory_space<hbm>>
          %dma_start3A_58 = arith.constant 0 : i32
          %dma_start3A_59 = arith.constant 0 : i32
          %dma_start3A_60 = tpu.memref_slice %arg4[%arg1, %add3A_13, %dma_start3A_58, %dma_start3A_59] : memref<16x5x50x80xi32, #tpu.memory_space<hbm>> -> memref<1x1x50x80xi32, #tpu.memory_space<hbm>>
          %dma_start3A_61 = tpu.memref_squeeze %dma_start3A_60 : memref<1x1x50x80xi32, #tpu.memory_space<hbm>> -> memref<50x80xi32, #tpu.memory_space<hbm>>
          tpu.enqueue_dma source(%dma_start3A_61 : memref<50x80xi32, #tpu.memory_space<hbm>>) target(%arg8 : memref<50x80xi32, #tpu.memory_space<vmem>>) target_semaphore(%run_scoped3A_53 : memref<!tpu.dma_semaphore, #tpu.memory_space<semaphore_mem>>)
          %dma_wait3A_62 = arith.constant 0 : i32
          %dma_wait3A_63 = arith.constant 0 : i32
          %dma_wait3A_64 = tpu.memref_slice %arg4[%arg1, %add3A_13, %dma_wait3A_62, %dma_wait3A_63] : memref<16x5x50x80xi32, #tpu.memory_space<hbm>> -> memref<1x1x50x80xi32, #tpu.memory_space<hbm>>
          %dma_wait3A_65 = tpu.memref_squeeze %dma_wait3A_64 : memref<1x1x50x80xi32, #tpu.memory_space<hbm>> -> memref<50x80xi32, #tpu.memory_space<hbm>>
          %dma_wait3A_66 = arith.constant 0 : i32
          %dma_wait3A_67 = arith.constant 0 : i32
          %dma_wait3A_68 = tpu.memref_slice %arg4[%arg1, %add3A_13, %dma_wait3A_66, %dma_wait3A_67] : memref<16x5x50x80xi32, #tpu.memory_space<hbm>> -> memref<1x1x50x80xi32, #tpu.memory_space<hbm>>
          %dma_wait3A_69 = tpu.memref_squeeze %dma_wait3A_68 : memref<1x1x50x80xi32, #tpu.memory_space<hbm>> -> memref<50x80xi32, #tpu.memory_space<hbm>>
          tpu.wait_dma2 semaphore(%run_scoped3A_53 : memref<!tpu.dma_semaphore, #tpu.memory_space<semaphore_mem>>) src(%dma_wait3A_69 : memref<50x80xi32, #tpu.memory_space<hbm>>) dst(%arg8 : memref<50x80xi32, #tpu.memory_space<vmem>>)
          tpu.yield
        }) : () -> ()
      } else {
      }
      %eq3A_16 = arith.constant 1 : i32
      %eq3A_17 = arith.cmpi eq, %arg0, %eq3A_16 : i32
      %convert_element_type3A_18 = arith.extui %eq3A_17 : i1 to i32
      %cond3A_19 = arith.constant 0 : i32
      %cond3A_20 = arith.cmpi ne, %convert_element_type3A_18, %cond3A_19 : i32
      scf.if %cond3A_20 {
        "tpu.region"() ({
          %run_scoped3A_53 = tpu.sem_alloc : memref<!tpu.dma_semaphore, #tpu.memory_space<semaphore_mem>>
          %dma_start3A_54 = arith.constant 0 : i32
          %dma_start3A_55 = arith.constant 0 : i32
          %dma_start3A_56 = tpu.memref_slice %arg4[%arg1, %add3A_13, %dma_start3A_54, %dma_start3A_55] : memref<16x5x50x80xi32, #tpu.memory_space<hbm>> -> memref<1x1x50x80xi32, #tpu.memory_space<hbm>>
          %dma_start3A_57 = tpu.memref_squeeze %dma_start3A_56 : memref<1x1x50x80xi32, #tpu.memory_space<hbm>> -> memref<50x80xi32, #tpu.memory_space<hbm>>
          %dma_start3A_58 = arith.constant 0 : i32
          %dma_start3A_59 = arith.constant 0 : i32
          %dma_start3A_60 = tpu.memref_slice %arg4[%arg1, %add3A_13, %dma_start3A_58, %dma_start3A_59] : memref<16x5x50x80xi32, #tpu.memory_space<hbm>> -> memref<1x1x50x80xi32, #tpu.memory_space<hbm>>
          %dma_start3A_61 = tpu.memref_squeeze %dma_start3A_60 : memref<1x1x50x80xi32, #tpu.memory_space<hbm>> -> memref<50x80xi32, #tpu.memory_space<hbm>>
          tpu.enqueue_dma source(%dma_start3A_61 : memref<50x80xi32, #tpu.memory_space<hbm>>) target(%arg7 : memref<50x80xi32, #tpu.memory_space<vmem>>) target_semaphore(%run_scoped3A_53 : memref<!tpu.dma_semaphore, #tpu.memory_space<semaphore_mem>>)
          %dma_wait3A_62 = arith.constant 0 : i32
          %dma_wait3A_63 = arith.constant 0 : i32
          %dma_wait3A_64 = tpu.memref_slice %arg4[%arg1, %add3A_13, %dma_wait3A_62, %dma_wait3A_63] : memref<16x5x50x80xi32, #tpu.memory_space<hbm>> -> memref<1x1x50x80xi32, #tpu.memory_space<hbm>>
          %dma_wait3A_65 = tpu.memref_squeeze %dma_wait3A_64 : memref<1x1x50x80xi32, #tpu.memory_space<hbm>> -> memref<50x80xi32, #tpu.memory_space<hbm>>
          %dma_wait3A_66 = arith.constant 0 : i32
          %dma_wait3A_67 = arith.constant 0 : i32
          %dma_wait3A_68 = tpu.memref_slice %arg4[%arg1, %add3A_13, %dma_wait3A_66, %dma_wait3A_67] : memref<16x5x50x80xi32, #tpu.memory_space<hbm>> -> memref<1x1x50x80xi32, #tpu.memory_space<hbm>>
          %dma_wait3A_69 = tpu.memref_squeeze %dma_wait3A_68 : memref<1x1x50x80xi32, #tpu.memory_space<hbm>> -> memref<50x80xi32, #tpu.memory_space<hbm>>
          tpu.wait_dma2 semaphore(%run_scoped3A_53 : memref<!tpu.dma_semaphore, #tpu.memory_space<semaphore_mem>>) src(%dma_wait3A_69 : memref<50x80xi32, #tpu.memory_space<hbm>>) dst(%arg7 : memref<50x80xi32, #tpu.memory_space<vmem>>)
          tpu.yield
        }) : () -> ()
        "tpu.region"() ({
          %run_scoped3A_53 = tpu.sem_alloc : memref<!tpu.dma_semaphore, #tpu.memory_space<semaphore_mem>>
          %dma_start3A_54 = arith.constant 0 : i32
          %dma_start3A_55 = arith.constant 0 : i32
          %dma_start3A_56 = tpu.memref_slice %arg3[%arg1, %add3A_13, %dma_start3A_54, %dma_start3A_55] : memref<16x5x50x80xi32, #tpu.memory_space<hbm>> -> memref<1x1x50x80xi32, #tpu.memory_space<hbm>>
          %dma_start3A_57 = tpu.memref_squeeze %dma_start3A_56 : memref<1x1x50x80xi32, #tpu.memory_space<hbm>> -> memref<50x80xi32, #tpu.memory_space<hbm>>
          %dma_start3A_58 = arith.constant 0 : i32
          %dma_start3A_59 = arith.constant 0 : i32
          %dma_start3A_60 = tpu.memref_slice %arg3[%arg1, %add3A_13, %dma_start3A_58, %dma_start3A_59] : memref<16x5x50x80xi32, #tpu.memory_space<hbm>> -> memref<1x1x50x80xi32, #tpu.memory_space<hbm>>
          %dma_start3A_61 = tpu.memref_squeeze %dma_start3A_60 : memref<1x1x50x80xi32, #tpu.memory_space<hbm>> -> memref<50x80xi32, #tpu.memory_space<hbm>>
          tpu.enqueue_dma source(%dma_start3A_61 : memref<50x80xi32, #tpu.memory_space<hbm>>) target(%arg8 : memref<50x80xi32, #tpu.memory_space<vmem>>) target_semaphore(%run_scoped3A_53 : memref<!tpu.dma_semaphore, #tpu.memory_space<semaphore_mem>>)
          %dma_wait3A_62 = arith.constant 0 : i32
          %dma_wait3A_63 = arith.constant 0 : i32
          %dma_wait3A_64 = tpu.memref_slice %arg3[%arg1, %add3A_13, %dma_wait3A_62, %dma_wait3A_63] : memref<16x5x50x80xi32, #tpu.memory_space<hbm>> -> memref<1x1x50x80xi32, #tpu.memory_space<hbm>>
          %dma_wait3A_65 = tpu.memref_squeeze %dma_wait3A_64 : memref<1x1x50x80xi32, #tpu.memory_space<hbm>> -> memref<50x80xi32, #tpu.memory_space<hbm>>
          %dma_wait3A_66 = arith.constant 0 : i32
          %dma_wait3A_67 = arith.constant 0 : i32
          %dma_wait3A_68 = tpu.memref_slice %arg3[%arg1, %add3A_13, %dma_wait3A_66, %dma_wait3A_67] : memref<16x5x50x80xi32, #tpu.memory_space<hbm>> -> memref<1x1x50x80xi32, #tpu.memory_space<hbm>>
          %dma_wait3A_69 = tpu.memref_squeeze %dma_wait3A_68 : memref<1x1x50x80xi32, #tpu.memory_space<hbm>> -> memref<50x80xi32, #tpu.memory_space<hbm>>
          tpu.wait_dma2 semaphore(%run_scoped3A_53 : memref<!tpu.dma_semaphore, #tpu.memory_space<semaphore_mem>>) src(%dma_wait3A_69 : memref<50x80xi32, #tpu.memory_space<hbm>>) dst(%arg8 : memref<50x80xi32, #tpu.memory_space<vmem>>)
          tpu.yield
        }) : () -> ()
      } else {
      }
      %dma_start3A = arith.constant 0 : i32
      %dma_start3A_21 = arith.constant 0 : i32
      %dma_start3A_22 = tpu.memref_slice %arg7[%dma_start3A, %dma_start3A_21] : memref<50x80xi32, #tpu.memory_space<vmem>> -> memref<1x80xi32, #tpu.memory_space<vmem>>
      %dma_start3A_23 = tpu.memref_squeeze %dma_start3A_22 : memref<1x80xi32, #tpu.memory_space<vmem>> -> memref<80xi32, #tpu.memory_space<vmem>>
      %dma_start3A_24 = arith.constant 0 : i32
      %dma_start3A_25 = arith.constant 0 : i32
      %dma_start3A_26 = tpu.memref_slice %arg2[%dma_start3A_24, %dma_start3A_25] : memref<10000x128xf32, #tpu.memory_space<hbm>> -> memref<10000x128xf32, #tpu.memory_space<hbm>>
      tpu.enqueue_indirect_dma source(%dma_start3A_26 : memref<10000x128xf32, #tpu.memory_space<hbm>>) target(%arg9 : memref<80x128xf32, #tpu.memory_space<vmem>>) offsets(%dma_start3A_23 : memref<80xi32, #tpu.memory_space<vmem>>) semaphore(%arg12 : memref<!tpu.dma_semaphore, #tpu.memory_space<semaphore_mem>>)
      %scan3A_27 = arith.constant 0 : i32
      %scan3A_28 = arith.constant 24 : i32
      %scan3A_29 = arith.addi %scan3A_27, %scan3A_28 : i32
      %scan3A_30 = arith.constant 1 : i32
      scf.for %scan3A_53 = %scan3A_27 to %scan3A_29 step %scan3A_30  : i32 {
        %mul3A_54 = arith.constant 1 : i32
        %mul3A_55 = arith.muli %scan3A_53, %mul3A_54 : i32
        %add3A_56 = arith.constant 0 : i32
        %add3A_57 = arith.addi %add3A_56, %mul3A_55 : i32
        %mul3A_58 = arith.constant 2 : i32
        %mul3A_59 = arith.muli %add3A_57, %mul3A_58 : i32
        %add3A_60 = arith.constant 1 : i32
        %add3A_61 = arith.addi %mul3A_59, %add3A_60 : i32
        %dma_start3A_62 = arith.constant 0 : i32
        %dma_start3A_63 = tpu.memref_slice %arg7[%add3A_61, %dma_start3A_62] : memref<50x80xi32, #tpu.memory_space<vmem>> -> memref<1x80xi32, #tpu.memory_space<vmem>>
        %dma_start3A_64 = tpu.memref_squeeze %dma_start3A_63 : memref<1x80xi32, #tpu.memory_space<vmem>> -> memref<80xi32, #tpu.memory_space<vmem>>
        %dma_start3A_65 = arith.constant 0 : i32
        %dma_start3A_66 = arith.constant 0 : i32
        %dma_start3A_67 = tpu.memref_slice %arg2[%dma_start3A_65, %dma_start3A_66] : memref<10000x128xf32, #tpu.memory_space<hbm>> -> memref<10000x128xf32, #tpu.memory_space<hbm>>
        tpu.enqueue_indirect_dma source(%dma_start3A_67 : memref<10000x128xf32, #tpu.memory_space<hbm>>) target(%arg10 : memref<80x128xf32, #tpu.memory_space<vmem>>) offsets(%dma_start3A_64 : memref<80xi32, #tpu.memory_space<vmem>>) semaphore(%arg13 : memref<!tpu.dma_semaphore, #tpu.memory_space<semaphore_mem>>)
        %dma_wait3A_68 = arith.constant 0 : i32
        %dma_wait3A_69 = tpu.memref_slice %arg7[%mul3A_59, %dma_wait3A_68] : memref<50x80xi32, #tpu.memory_space<vmem>> -> memref<1x80xi32, #tpu.memory_space<vmem>>
        %dma_wait3A_70 = tpu.memref_squeeze %dma_wait3A_69 : memref<1x80xi32, #tpu.memory_space<vmem>> -> memref<80xi32, #tpu.memory_space<vmem>>
        %dma_wait3A_71 = arith.constant 0 : i32
        %dma_wait3A_72 = arith.constant 0 : i32
        %dma_wait3A_73 = tpu.memref_slice %arg2[%dma_wait3A_71, %dma_wait3A_72] : memref<10000x128xf32, #tpu.memory_space<hbm>> -> memref<10000x128xf32, #tpu.memory_space<hbm>>
        tpu.wait_indirect_dma semaphore(%arg12 : memref<!tpu.dma_semaphore, #tpu.memory_space<semaphore_mem>>) src(%dma_wait3A_73 : memref<10000x128xf32, #tpu.memory_space<hbm>>) dst(%arg9 : memref<80x128xf32, #tpu.memory_space<vmem>>)
        "tpu.region"() ({
          %run_scoped3A_92 = tpu.sem_alloc : memref<!tpu.dma_semaphore, #tpu.memory_space<semaphore_mem>>
          %dma_start3A_93 = arith.constant 0 : i32
          %dma_start3A_94 = tpu.memref_slice %arg8[%mul3A_59, %dma_start3A_93] : memref<50x80xi32, #tpu.memory_space<vmem>> -> memref<1x80xi32, #tpu.memory_space<vmem>>
          %dma_start3A_95 = tpu.memref_squeeze %dma_start3A_94 : memref<1x80xi32, #tpu.memory_space<vmem>> -> memref<80xi32, #tpu.memory_space<vmem>>
          %dma_start3A_96 = arith.constant 0 : i32
          %dma_start3A_97 = arith.constant 0 : i32
          %dma_start3A_98 = tpu.memref_slice %arg11[%dma_start3A_96, %dma_start3A_97] : memref<10240x128xf32, #tpu.memory_space<vmem_shared>> -> memref<10240x128xf32, #tpu.memory_space<vmem_shared>>
          tpu.enqueue_indirect_dma source(%arg9 : memref<80x128xf32, #tpu.memory_space<vmem>>) target(%dma_start3A_98 : memref<10240x128xf32, #tpu.memory_space<vmem_shared>>) offsets(%dma_start3A_95 : memref<80xi32, #tpu.memory_space<vmem>>) semaphore(%run_scoped3A_92 : memref<!tpu.dma_semaphore, #tpu.memory_space<semaphore_mem>>) {add = true}
          %dma_wait3A_99 = arith.constant 0 : i32
          %dma_wait3A_100 = tpu.memref_slice %arg8[%mul3A_59, %dma_wait3A_99] : memref<50x80xi32, #tpu.memory_space<vmem>> -> memref<1x80xi32, #tpu.memory_space<vmem>>
          %dma_wait3A_101 = tpu.memref_squeeze %dma_wait3A_100 : memref<1x80xi32, #tpu.memory_space<vmem>> -> memref<80xi32, #tpu.memory_space<vmem>>
          %dma_wait3A_102 = arith.constant 0 : i32
          %dma_wait3A_103 = arith.constant 0 : i32
          %dma_wait3A_104 = tpu.memref_slice %arg11[%dma_wait3A_102, %dma_wait3A_103] : memref<10240x128xf32, #tpu.memory_space<vmem_shared>> -> memref<10240x128xf32, #tpu.memory_space<vmem_shared>>
          tpu.wait_indirect_dma semaphore(%run_scoped3A_92 : memref<!tpu.dma_semaphore, #tpu.memory_space<semaphore_mem>>) src(%arg9 : memref<80x128xf32, #tpu.memory_space<vmem>>) dst(%dma_wait3A_104 : memref<10240x128xf32, #tpu.memory_space<vmem_shared>>)
          tpu.yield
        }) : () -> ()
        %add3A_74 = arith.constant 2 : i32
        %add3A_75 = arith.addi %mul3A_59, %add3A_74 : i32
        %dma_start3A_76 = arith.constant 0 : i32
        %dma_start3A_77 = tpu.memref_slice %arg7[%add3A_75, %dma_start3A_76] : memref<50x80xi32, #tpu.memory_space<vmem>> -> memref<1x80xi32, #tpu.memory_space<vmem>>
        %dma_start3A_78 = tpu.memref_squeeze %dma_start3A_77 : memref<1x80xi32, #tpu.memory_space<vmem>> -> memref<80xi32, #tpu.memory_space<vmem>>
        %dma_start3A_79 = arith.constant 0 : i32
        %dma_start3A_80 = arith.constant 0 : i32
        %dma_start3A_81 = tpu.memref_slice %arg2[%dma_start3A_79, %dma_start3A_80] : memref<10000x128xf32, #tpu.memory_space<hbm>> -> memref<10000x128xf32, #tpu.memory_space<hbm>>
        tpu.enqueue_indirect_dma source(%dma_start3A_81 : memref<10000x128xf32, #tpu.memory_space<hbm>>) target(%arg9 : memref<80x128xf32, #tpu.memory_space<vmem>>) offsets(%dma_start3A_78 : memref<80xi32, #tpu.memory_space<vmem>>) semaphore(%arg12 : memref<!tpu.dma_semaphore, #tpu.memory_space<semaphore_mem>>)
        %add3A_82 = arith.constant 1 : i32
        %add3A_83 = arith.addi %mul3A_59, %add3A_82 : i32
        %dma_wait3A_84 = arith.constant 0 : i32
        %dma_wait3A_85 = tpu.memref_slice %arg7[%add3A_83, %dma_wait3A_84] : memref<50x80xi32, #tpu.memory_space<vmem>> -> memref<1x80xi32, #tpu.memory_space<vmem>>
        %dma_wait3A_86 = tpu.memref_squeeze %dma_wait3A_85 : memref<1x80xi32, #tpu.memory_space<vmem>> -> memref<80xi32, #tpu.memory_space<vmem>>
        %dma_wait3A_87 = arith.constant 0 : i32
        %dma_wait3A_88 = arith.constant 0 : i32
        %dma_wait3A_89 = tpu.memref_slice %arg2[%dma_wait3A_87, %dma_wait3A_88] : memref<10000x128xf32, #tpu.memory_space<hbm>> -> memref<10000x128xf32, #tpu.memory_space<hbm>>
        tpu.wait_indirect_dma semaphore(%arg13 : memref<!tpu.dma_semaphore, #tpu.memory_space<semaphore_mem>>) src(%dma_wait3A_89 : memref<10000x128xf32, #tpu.memory_space<hbm>>) dst(%arg10 : memref<80x128xf32, #tpu.memory_space<vmem>>)
        %add3A_90 = arith.constant 1 : i32
        %add3A_91 = arith.addi %mul3A_59, %add3A_90 : i32
        "tpu.region"() ({
          %run_scoped3A_92 = tpu.sem_alloc : memref<!tpu.dma_semaphore, #tpu.memory_space<semaphore_mem>>
          %dma_start3A_93 = arith.constant 0 : i32
          %dma_start3A_94 = tpu.memref_slice %arg8[%add3A_91, %dma_start3A_93] : memref<50x80xi32, #tpu.memory_space<vmem>> -> memref<1x80xi32, #tpu.memory_space<vmem>>
          %dma_start3A_95 = tpu.memref_squeeze %dma_start3A_94 : memref<1x80xi32, #tpu.memory_space<vmem>> -> memref<80xi32, #tpu.memory_space<vmem>>
          %dma_start3A_96 = arith.constant 0 : i32
          %dma_start3A_97 = arith.constant 0 : i32
          %dma_start3A_98 = tpu.memref_slice %arg11[%dma_start3A_96, %dma_start3A_97] : memref<10240x128xf32, #tpu.memory_space<vmem_shared>> -> memref<10240x128xf32, #tpu.memory_space<vmem_shared>>
          tpu.enqueue_indirect_dma source(%arg10 : memref<80x128xf32, #tpu.memory_space<vmem>>) target(%dma_start3A_98 : memref<10240x128xf32, #tpu.memory_space<vmem_shared>>) offsets(%dma_start3A_95 : memref<80xi32, #tpu.memory_space<vmem>>) semaphore(%run_scoped3A_92 : memref<!tpu.dma_semaphore, #tpu.memory_space<semaphore_mem>>) {add = true}
          %dma_wait3A_99 = arith.constant 0 : i32
          %dma_wait3A_100 = tpu.memref_slice %arg8[%add3A_91, %dma_wait3A_99] : memref<50x80xi32, #tpu.memory_space<vmem>> -> memref<1x80xi32, #tpu.memory_space<vmem>>
          %dma_wait3A_101 = tpu.memref_squeeze %dma_wait3A_100 : memref<1x80xi32, #tpu.memory_space<vmem>> -> memref<80xi32, #tpu.memory_space<vmem>>
          %dma_wait3A_102 = arith.constant 0 : i32
          %dma_wait3A_103 = arith.constant 0 : i32
          %dma_wait3A_104 = tpu.memref_slice %arg11[%dma_wait3A_102, %dma_wait3A_103] : memref<10240x128xf32, #tpu.memory_space<vmem_shared>> -> memref<10240x128xf32, #tpu.memory_space<vmem_shared>>
          tpu.wait_indirect_dma semaphore(%run_scoped3A_92 : memref<!tpu.dma_semaphore, #tpu.memory_space<semaphore_mem>>) src(%arg10 : memref<80x128xf32, #tpu.memory_space<vmem>>) dst(%dma_wait3A_104 : memref<10240x128xf32, #tpu.memory_space<vmem_shared>>)
          tpu.yield
        }) : () -> ()
      }
      %scan3A_31 = arith.constant 24 : i32
      %dma_start3A_32 = arith.constant 49 : i32
      %dma_start3A_33 = arith.constant 0 : i32
      %dma_start3A_34 = tpu.memref_slice %arg7[%dma_start3A_32, %dma_start3A_33] : memref<50x80xi32, #tpu.memory_space<vmem>> -> memref<1x80xi32, #tpu.memory_space<vmem>>
      %dma_start3A_35 = tpu.memref_squeeze %dma_start3A_34 : memref<1x80xi32, #tpu.memory_space<vmem>> -> memref<80xi32, #tpu.memory_space<vmem>>
      %dma_start3A_36 = arith.constant 0 : i32
      %dma_start3A_37 = arith.constant 0 : i32
      %dma_start3A_38 = tpu.memref_slice %arg2[%dma_start3A_36, %dma_start3A_37] : memref<10000x128xf32, #tpu.memory_space<hbm>> -> memref<10000x128xf32, #tpu.memory_space<hbm>>
      tpu.enqueue_indirect_dma source(%dma_start3A_38 : memref<10000x128xf32, #tpu.memory_space<hbm>>) target(%arg10 : memref<80x128xf32, #tpu.memory_space<vmem>>) offsets(%dma_start3A_35 : memref<80xi32, #tpu.memory_space<vmem>>) semaphore(%arg13 : memref<!tpu.dma_semaphore, #tpu.memory_space<semaphore_mem>>)
      %dma_wait3A = arith.constant 48 : i32
      %dma_wait3A_39 = arith.constant 0 : i32
      %dma_wait3A_40 = tpu.memref_slice %arg7[%dma_wait3A, %dma_wait3A_39] : memref<50x80xi32, #tpu.memory_space<vmem>> -> memref<1x80xi32, #tpu.memory_space<vmem>>
      %dma_wait3A_41 = tpu.memref_squeeze %dma_wait3A_40 : memref<1x80xi32, #tpu.memory_space<vmem>> -> memref<80xi32, #tpu.memory_space<vmem>>
      %dma_wait3A_42 = arith.constant 0 : i32
      %dma_wait3A_43 = arith.constant 0 : i32
      %dma_wait3A_44 = tpu.memref_slice %arg2[%dma_wait3A_42, %dma_wait3A_43] : memref<10000x128xf32, #tpu.memory_space<hbm>> -> memref<10000x128xf32, #tpu.memory_space<hbm>>
      tpu.wait_indirect_dma semaphore(%arg12 : memref<!tpu.dma_semaphore, #tpu.memory_space<semaphore_mem>>) src(%dma_wait3A_44 : memref<10000x128xf32, #tpu.memory_space<hbm>>) dst(%arg9 : memref<80x128xf32, #tpu.memory_space<vmem>>)
      %run_scoped3A = arith.constant 48 : i32
      "tpu.region"() ({
        %run_scoped3A_53 = tpu.sem_alloc : memref<!tpu.dma_semaphore, #tpu.memory_space<semaphore_mem>>
        %dma_start3A_54 = arith.constant 0 : i32
        %dma_start3A_55 = tpu.memref_slice %arg8[%run_scoped3A, %dma_start3A_54] : memref<50x80xi32, #tpu.memory_space<vmem>> -> memref<1x80xi32, #tpu.memory_space<vmem>>
        %dma_start3A_56 = tpu.memref_squeeze %dma_start3A_55 : memref<1x80xi32, #tpu.memory_space<vmem>> -> memref<80xi32, #tpu.memory_space<vmem>>
        %dma_start3A_57 = arith.constant 0 : i32
        %dma_start3A_58 = arith.constant 0 : i32
        %dma_start3A_59 = tpu.memref_slice %arg11[%dma_start3A_57, %dma_start3A_58] : memref<10240x128xf32, #tpu.memory_space<vmem_shared>> -> memref<10240x128xf32, #tpu.memory_space<vmem_shared>>
        tpu.enqueue_indirect_dma source(%arg9 : memref<80x128xf32, #tpu.memory_space<vmem>>) target(%dma_start3A_59 : memref<10240x128xf32, #tpu.memory_space<vmem_shared>>) offsets(%dma_start3A_56 : memref<80xi32, #tpu.memory_space<vmem>>) semaphore(%run_scoped3A_53 : memref<!tpu.dma_semaphore, #tpu.memory_space<semaphore_mem>>) {add = true}
        %dma_wait3A_60 = arith.constant 0 : i32
        %dma_wait3A_61 = tpu.memref_slice %arg8[%run_scoped3A, %dma_wait3A_60] : memref<50x80xi32, #tpu.memory_space<vmem>> -> memref<1x80xi32, #tpu.memory_space<vmem>>
        %dma_wait3A_62 = tpu.memref_squeeze %dma_wait3A_61 : memref<1x80xi32, #tpu.memory_space<vmem>> -> memref<80xi32, #tpu.memory_space<vmem>>
        %dma_wait3A_63 = arith.constant 0 : i32
        %dma_wait3A_64 = arith.constant 0 : i32
        %dma_wait3A_65 = tpu.memref_slice %arg11[%dma_wait3A_63, %dma_wait3A_64] : memref<10240x128xf32, #tpu.memory_space<vmem_shared>> -> memref<10240x128xf32, #tpu.memory_space<vmem_shared>>
        tpu.wait_indirect_dma semaphore(%run_scoped3A_53 : memref<!tpu.dma_semaphore, #tpu.memory_space<semaphore_mem>>) src(%arg9 : memref<80x128xf32, #tpu.memory_space<vmem>>) dst(%dma_wait3A_65 : memref<10240x128xf32, #tpu.memory_space<vmem_shared>>)
        tpu.yield
      }) : () -> ()
      %dma_wait3A_45 = arith.constant 49 : i32
      %dma_wait3A_46 = arith.constant 0 : i32
      %dma_wait3A_47 = tpu.memref_slice %arg7[%dma_wait3A_45, %dma_wait3A_46] : memref<50x80xi32, #tpu.memory_space<vmem>> -> memref<1x80xi32, #tpu.memory_space<vmem>>
      %dma_wait3A_48 = tpu.memref_squeeze %dma_wait3A_47 : memref<1x80xi32, #tpu.memory_space<vmem>> -> memref<80xi32, #tpu.memory_space<vmem>>
      %dma_wait3A_49 = arith.constant 0 : i32
      %dma_wait3A_50 = arith.constant 0 : i32
      %dma_wait3A_51 = tpu.memref_slice %arg2[%dma_wait3A_49, %dma_wait3A_50] : memref<10000x128xf32, #tpu.memory_space<hbm>> -> memref<10000x128xf32, #tpu.memory_space<hbm>>
      tpu.wait_indirect_dma semaphore(%arg13 : memref<!tpu.dma_semaphore, #tpu.memory_space<semaphore_mem>>) src(%dma_wait3A_51 : memref<10000x128xf32, #tpu.memory_space<hbm>>) dst(%arg10 : memref<80x128xf32, #tpu.memory_space<vmem>>)
      %run_scoped3A_52 = arith.constant 49 : i32
      "tpu.region"() ({
        %run_scoped3A_53 = tpu.sem_alloc : memref<!tpu.dma_semaphore, #tpu.memory_space<semaphore_mem>>
        %dma_start3A_54 = arith.constant 0 : i32
        %dma_start3A_55 = tpu.memref_slice %arg8[%run_scoped3A_52, %dma_start3A_54] : memref<50x80xi32, #tpu.memory_space<vmem>> -> memref<1x80xi32, #tpu.memory_space<vmem>>
        %dma_start3A_56 = tpu.memref_squeeze %dma_start3A_55 : memref<1x80xi32, #tpu.memory_space<vmem>> -> memref<80xi32, #tpu.memory_space<vmem>>
        %dma_start3A_57 = arith.constant 0 : i32
        %dma_start3A_58 = arith.constant 0 : i32
        %dma_start3A_59 = tpu.memref_slice %arg11[%dma_start3A_57, %dma_start3A_58] : memref<10240x128xf32, #tpu.memory_space<vmem_shared>> -> memref<10240x128xf32, #tpu.memory_space<vmem_shared>>
        tpu.enqueue_indirect_dma source(%arg10 : memref<80x128xf32, #tpu.memory_space<vmem>>) target(%dma_start3A_59 : memref<10240x128xf32, #tpu.memory_space<vmem_shared>>) offsets(%dma_start3A_56 : memref<80xi32, #tpu.memory_space<vmem>>) semaphore(%run_scoped3A_53 : memref<!tpu.dma_semaphore, #tpu.memory_space<semaphore_mem>>) {add = true}
        %dma_wait3A_60 = arith.constant 0 : i32
        %dma_wait3A_61 = tpu.memref_slice %arg8[%run_scoped3A_52, %dma_wait3A_60] : memref<50x80xi32, #tpu.memory_space<vmem>> -> memref<1x80xi32, #tpu.memory_space<vmem>>
        %dma_wait3A_62 = tpu.memref_squeeze %dma_wait3A_61 : memref<1x80xi32, #tpu.memory_space<vmem>> -> memref<80xi32, #tpu.memory_space<vmem>>
        %dma_wait3A_63 = arith.constant 0 : i32
        %dma_wait3A_64 = arith.constant 0 : i32
        %dma_wait3A_65 = tpu.memref_slice %arg11[%dma_wait3A_63, %dma_wait3A_64] : memref<10240x128xf32, #tpu.memory_space<vmem_shared>> -> memref<10240x128xf32, #tpu.memory_space<vmem_shared>>
        tpu.wait_indirect_dma semaphore(%run_scoped3A_53 : memref<!tpu.dma_semaphore, #tpu.memory_space<semaphore_mem>>) src(%arg10 : memref<80x128xf32, #tpu.memory_space<vmem>>) dst(%dma_wait3A_65 : memref<10240x128xf32, #tpu.memory_space<vmem_shared>>)
        tpu.yield
      }) : () -> ()
    }
    %scan3A_4 = arith.constant 5 : i32
    %barrier3A_5 = arith.constant 0 : index
    tpu.barrier barrier_id(%barrier3A_5)
    %mul3A_6 = arith.constant 640 : i32
    %mul3A_7 = arith.muli %arg1, %mul3A_6 : i32
    %mul3A_8 = arith.constant 640 : i32
    %mul3A_9 = arith.muli %arg1, %mul3A_8 : i32
    "tpu.region"() ({
      %run_scoped3A = tpu.sem_alloc : memref<!tpu.dma_semaphore, #tpu.memory_space<semaphore_mem>>
      %dma_start3A = arith.constant 0 : i32
      %dma_start3A_10 = tpu.memref_slice %arg6[%arg0, %mul3A_9, %dma_start3A] : memref<2x10240x128xf32, #tpu.memory_space<hbm>> -> memref<1x640x128xf32, #tpu.memory_space<hbm>>
      %dma_start3A_11 = tpu.memref_squeeze %dma_start3A_10 : memref<1x640x128xf32, #tpu.memory_space<hbm>> -> memref<640x128xf32, #tpu.memory_space<hbm>>
      %dma_start3A_12 = arith.constant 0 : i32
      %dma_start3A_13 = tpu.memref_slice %arg11[%mul3A_7, %dma_start3A_12] : memref<10240x128xf32, #tpu.memory_space<vmem_shared>> -> memref<640x128xf32, #tpu.memory_space<vmem_shared>>
      tpu.enqueue_dma source(%dma_start3A_13 : memref<640x128xf32, #tpu.memory_space<vmem_shared>>) target(%dma_start3A_11 : memref<640x128xf32, #tpu.memory_space<hbm>>) target_semaphore(%run_scoped3A : memref<!tpu.dma_semaphore, #tpu.memory_space<semaphore_mem>>)
      %dma_wait3A = arith.constant 0 : i32
      %dma_wait3A_14 = tpu.memref_slice %arg6[%arg0, %mul3A_9, %dma_wait3A] : memref<2x10240x128xf32, #tpu.memory_space<hbm>> -> memref<1x640x128xf32, #tpu.memory_space<hbm>>
      %dma_wait3A_15 = tpu.memref_squeeze %dma_wait3A_14 : memref<1x640x128xf32, #tpu.memory_space<hbm>> -> memref<640x128xf32, #tpu.memory_space<hbm>>
      %dma_wait3A_16 = arith.constant 0 : i32
      %dma_wait3A_17 = tpu.memref_slice %arg11[%mul3A_7, %dma_wait3A_16] : memref<10240x128xf32, #tpu.memory_space<vmem_shared>> -> memref<640x128xf32, #tpu.memory_space<vmem_shared>>
      tpu.wait_dma2 semaphore(%run_scoped3A : memref<!tpu.dma_semaphore, #tpu.memory_space<semaphore_mem>>) src(%dma_wait3A_17 : memref<640x128xf32, #tpu.memory_space<vmem_shared>>) dst(%dma_wait3A_15 : memref<640x128xf32, #tpu.memory_space<hbm>>)
      tpu.yield
    }) : () -> ()
    return
  }
}

#map = affine_map<(d0, d1) -> (0, 0)>
#map1 = affine_map<(d0, d1) -> (0, 0, 0, 0)>
#map2 = affine_map<(d0, d1) -> (0, 0, 0)>
module attributes {stable_mosaic.version = 14 : i64} {
  func.func @_prop_call(%arg0: i32, %arg1: i32, %arg2: memref<10000x128xf32, #tpu.memory_space<hbm>>, %arg3: memref<16x5x50x80xi32, #tpu.memory_space<hbm>>, %arg4: memref<16x5x50x80xi32, #tpu.memory_space<hbm>>, %arg5: memref<640x128xf32, #tpu.memory_space<hbm>>, %arg6: memref<2x10240x128xf32, #tpu.memory_space<hbm>>, %arg7: memref<50x80xi32, #tpu.memory_space<vmem>>, %arg8: memref<50x80xi32, #tpu.memory_space<vmem>>, %arg9: memref<80x128xf32, #tpu.memory_space<vmem>>, %arg10: memref<80x128xf32, #tpu.memory_space<vmem>>, %arg11: memref<10240x128xf32, #tpu.memory_space<vmem_shared>>, %arg12: memref<!tpu.dma_semaphore, #tpu.memory_space<semaphore_mem>>, %arg13: memref<!tpu.dma_semaphore, #tpu.memory_space<semaphore_mem>>) attributes {dimension_semantics = [#tpu.dimension_semantics<core_parallel>, #tpu.dimension_semantics<subcore_parallel>], iteration_bounds = array<i64: 2, 16>, scalar_prefetch = 0 : i64, scratch_operands = 7 : i64, tpu.core_type = #tpu.core_type<sc_vector_subcore>, window_params = [{transform_indices = #map}, {transform_indices = #map1}, {transform_indices = #map1}, {transform_indices = #map}, {transform_indices = #map2}]} {
    %mul3A = arith.constant 640 : i32
    %mul3A_0 = arith.muli %arg1, %mul3A : i32
    "tpu.region"() ({
      %run_scoped3A = tpu.sem_alloc : memref<!tpu.dma_semaphore, #tpu.memory_space<semaphore_mem>>
      %dma_start3A = arith.constant 0 : i32
      %dma_start3A_10 = tpu.memref_slice %arg11[%mul3A_0, %dma_start3A] : memref<10240x128xf32, #tpu.memory_space<vmem_shared>> -> memref<640x128xf32, #tpu.memory_space<vmem_shared>>
      tpu.enqueue_dma source(%arg5 : memref<640x128xf32, #tpu.memory_space<hbm>>) target(%dma_start3A_10 : memref<640x128xf32, #tpu.memory_space<vmem_shared>>) target_semaphore(%run_scoped3A : memref<!tpu.dma_semaphore, #tpu.memory_space<semaphore_mem>>)
      %dma_wait3A = arith.constant 0 : i32
      %dma_wait3A_11 = tpu.memref_slice %arg11[%mul3A_0, %dma_wait3A] : memref<10240x128xf32, #tpu.memory_space<vmem_shared>> -> memref<640x128xf32, #tpu.memory_space<vmem_shared>>
      tpu.wait_dma2 semaphore(%run_scoped3A : memref<!tpu.dma_semaphore, #tpu.memory_space<semaphore_mem>>) src(%arg5 : memref<640x128xf32, #tpu.memory_space<hbm>>) dst(%dma_wait3A_11 : memref<640x128xf32, #tpu.memory_space<vmem_shared>>)
      tpu.yield
    }) : () -> ()
    %barrier3A = arith.constant 0 : index
    tpu.barrier barrier_id(%barrier3A)
    %scan3A = arith.constant 0 : i32
    %scan3A_1 = arith.constant 5 : i32
    %scan3A_2 = arith.addi %scan3A, %scan3A_1 : i32
    %scan3A_3 = arith.constant 1 : i32
    scf.for %scan3A_10 = %scan3A to %scan3A_2 step %scan3A_3  : i32 {
      %mul3A_11 = arith.constant 1 : i32
      %mul3A_12 = arith.muli %scan3A_10, %mul3A_11 : i32
      %add3A = arith.constant 0 : i32
      %add3A_13 = arith.addi %add3A, %mul3A_12 : i32
      %eq3A = arith.constant 0 : i32
      %eq3A_14 = arith.cmpi eq, %arg0, %eq3A : i32
      %convert_element_type3A = arith.extui %eq3A_14 : i1 to i32
      %cond3A = arith.constant 0 : i32
      %cond3A_15 = arith.cmpi ne, %convert_element_type3A, %cond3A : i32
      scf.if %cond3A_15 {
        "tpu.region"() ({
          %run_scoped3A_53 = tpu.sem_alloc : memref<!tpu.dma_semaphore, #tpu.memory_space<semaphore_mem>>
          %dma_start3A_54 = arith.constant 0 : i32
          %dma_start3A_55 = arith.constant 0 : i32
          %dma_start3A_56 = tpu.memref_slice %arg3[%arg1, %add3A_13, %dma_start3A_54, %dma_start3A_55] : memref<16x5x50x80xi32, #tpu.memory_space<hbm>> -> memref<1x1x50x80xi32, #tpu.memory_space<hbm>>
          %dma_start3A_57 = tpu.memref_squeeze %dma_start3A_56 : memref<1x1x50x80xi32, #tpu.memory_space<hbm>> -> memref<50x80xi32, #tpu.memory_space<hbm>>
          %dma_start3A_58 = arith.constant 0 : i32
          %dma_start3A_59 = arith.constant 0 : i32
          %dma_start3A_60 = tpu.memref_slice %arg3[%arg1, %add3A_13, %dma_start3A_58, %dma_start3A_59] : memref<16x5x50x80xi32, #tpu.memory_space<hbm>> -> memref<1x1x50x80xi32, #tpu.memory_space<hbm>>
          %dma_start3A_61 = tpu.memref_squeeze %dma_start3A_60 : memref<1x1x50x80xi32, #tpu.memory_space<hbm>> -> memref<50x80xi32, #tpu.memory_space<hbm>>
          tpu.enqueue_dma source(%dma_start3A_61 : memref<50x80xi32, #tpu.memory_space<hbm>>) target(%arg7 : memref<50x80xi32, #tpu.memory_space<vmem>>) target_semaphore(%run_scoped3A_53 : memref<!tpu.dma_semaphore, #tpu.memory_space<semaphore_mem>>)
          %dma_wait3A_62 = arith.constant 0 : i32
          %dma_wait3A_63 = arith.constant 0 : i32
          %dma_wait3A_64 = tpu.memref_slice %arg3[%arg1, %add3A_13, %dma_wait3A_62, %dma_wait3A_63] : memref<16x5x50x80xi32, #tpu.memory_space<hbm>> -> memref<1x1x50x80xi32, #tpu.memory_space<hbm>>
          %dma_wait3A_65 = tpu.memref_squeeze %dma_wait3A_64 : memref<1x1x50x80xi32, #tpu.memory_space<hbm>> -> memref<50x80xi32, #tpu.memory_space<hbm>>
          %dma_wait3A_66 = arith.constant 0 : i32
          %dma_wait3A_67 = arith.constant 0 : i32
          %dma_wait3A_68 = tpu.memref_slice %arg3[%arg1, %add3A_13, %dma_wait3A_66, %dma_wait3A_67] : memref<16x5x50x80xi32, #tpu.memory_space<hbm>> -> memref<1x1x50x80xi32, #tpu.memory_space<hbm>>
          %dma_wait3A_69 = tpu.memref_squeeze %dma_wait3A_68 : memref<1x1x50x80xi32, #tpu.memory_space<hbm>> -> memref<50x80xi32, #tpu.memory_space<hbm>>
          tpu.wait_dma2 semaphore(%run_scoped3A_53 : memref<!tpu.dma_semaphore, #tpu.memory_space<semaphore_mem>>) src(%dma_wait3A_69 : memref<50x80xi32, #tpu.memory_space<hbm>>) dst(%arg7 : memref<50x80xi32, #tpu.memory_space<vmem>>)
          tpu.yield
        }) : () -> ()
        "tpu.region"() ({
          %run_scoped3A_53 = tpu.sem_alloc : memref<!tpu.dma_semaphore, #tpu.memory_space<semaphore_mem>>
          %dma_start3A_54 = arith.constant 0 : i32
          %dma_start3A_55 = arith.constant 0 : i32
          %dma_start3A_56 = tpu.memref_slice %arg4[%arg1, %add3A_13, %dma_start3A_54, %dma_start3A_55] : memref<16x5x50x80xi32, #tpu.memory_space<hbm>> -> memref<1x1x50x80xi32, #tpu.memory_space<hbm>>
          %dma_start3A_57 = tpu.memref_squeeze %dma_start3A_56 : memref<1x1x50x80xi32, #tpu.memory_space<hbm>> -> memref<50x80xi32, #tpu.memory_space<hbm>>
          %dma_start3A_58 = arith.constant 0 : i32
          %dma_start3A_59 = arith.constant 0 : i32
          %dma_start3A_60 = tpu.memref_slice %arg4[%arg1, %add3A_13, %dma_start3A_58, %dma_start3A_59] : memref<16x5x50x80xi32, #tpu.memory_space<hbm>> -> memref<1x1x50x80xi32, #tpu.memory_space<hbm>>
          %dma_start3A_61 = tpu.memref_squeeze %dma_start3A_60 : memref<1x1x50x80xi32, #tpu.memory_space<hbm>> -> memref<50x80xi32, #tpu.memory_space<hbm>>
          tpu.enqueue_dma source(%dma_start3A_61 : memref<50x80xi32, #tpu.memory_space<hbm>>) target(%arg8 : memref<50x80xi32, #tpu.memory_space<vmem>>) target_semaphore(%run_scoped3A_53 : memref<!tpu.dma_semaphore, #tpu.memory_space<semaphore_mem>>)
          %dma_wait3A_62 = arith.constant 0 : i32
          %dma_wait3A_63 = arith.constant 0 : i32
          %dma_wait3A_64 = tpu.memref_slice %arg4[%arg1, %add3A_13, %dma_wait3A_62, %dma_wait3A_63] : memref<16x5x50x80xi32, #tpu.memory_space<hbm>> -> memref<1x1x50x80xi32, #tpu.memory_space<hbm>>
          %dma_wait3A_65 = tpu.memref_squeeze %dma_wait3A_64 : memref<1x1x50x80xi32, #tpu.memory_space<hbm>> -> memref<50x80xi32, #tpu.memory_space<hbm>>
          %dma_wait3A_66 = arith.constant 0 : i32
          %dma_wait3A_67 = arith.constant 0 : i32
          %dma_wait3A_68 = tpu.memref_slice %arg4[%arg1, %add3A_13, %dma_wait3A_66, %dma_wait3A_67] : memref<16x5x50x80xi32, #tpu.memory_space<hbm>> -> memref<1x1x50x80xi32, #tpu.memory_space<hbm>>
          %dma_wait3A_69 = tpu.memref_squeeze %dma_wait3A_68 : memref<1x1x50x80xi32, #tpu.memory_space<hbm>> -> memref<50x80xi32, #tpu.memory_space<hbm>>
          tpu.wait_dma2 semaphore(%run_scoped3A_53 : memref<!tpu.dma_semaphore, #tpu.memory_space<semaphore_mem>>) src(%dma_wait3A_69 : memref<50x80xi32, #tpu.memory_space<hbm>>) dst(%arg8 : memref<50x80xi32, #tpu.memory_space<vmem>>)
          tpu.yield
        }) : () -> ()
      } else {
      }
      %eq3A_16 = arith.constant 1 : i32
      %eq3A_17 = arith.cmpi eq, %arg0, %eq3A_16 : i32
      %convert_element_type3A_18 = arith.extui %eq3A_17 : i1 to i32
      %cond3A_19 = arith.constant 0 : i32
      %cond3A_20 = arith.cmpi ne, %convert_element_type3A_18, %cond3A_19 : i32
      scf.if %cond3A_20 {
        "tpu.region"() ({
          %run_scoped3A_53 = tpu.sem_alloc : memref<!tpu.dma_semaphore, #tpu.memory_space<semaphore_mem>>
          %dma_start3A_54 = arith.constant 0 : i32
          %dma_start3A_55 = arith.constant 0 : i32
          %dma_start3A_56 = tpu.memref_slice %arg4[%arg1, %add3A_13, %dma_start3A_54, %dma_start3A_55] : memref<16x5x50x80xi32, #tpu.memory_space<hbm>> -> memref<1x1x50x80xi32, #tpu.memory_space<hbm>>
          %dma_start3A_57 = tpu.memref_squeeze %dma_start3A_56 : memref<1x1x50x80xi32, #tpu.memory_space<hbm>> -> memref<50x80xi32, #tpu.memory_space<hbm>>
          %dma_start3A_58 = arith.constant 0 : i32
          %dma_start3A_59 = arith.constant 0 : i32
          %dma_start3A_60 = tpu.memref_slice %arg4[%arg1, %add3A_13, %dma_start3A_58, %dma_start3A_59] : memref<16x5x50x80xi32, #tpu.memory_space<hbm>> -> memref<1x1x50x80xi32, #tpu.memory_space<hbm>>
          %dma_start3A_61 = tpu.memref_squeeze %dma_start3A_60 : memref<1x1x50x80xi32, #tpu.memory_space<hbm>> -> memref<50x80xi32, #tpu.memory_space<hbm>>
          tpu.enqueue_dma source(%dma_start3A_61 : memref<50x80xi32, #tpu.memory_space<hbm>>) target(%arg7 : memref<50x80xi32, #tpu.memory_space<vmem>>) target_semaphore(%run_scoped3A_53 : memref<!tpu.dma_semaphore, #tpu.memory_space<semaphore_mem>>)
          %dma_wait3A_62 = arith.constant 0 : i32
          %dma_wait3A_63 = arith.constant 0 : i32
          %dma_wait3A_64 = tpu.memref_slice %arg4[%arg1, %add3A_13, %dma_wait3A_62, %dma_wait3A_63] : memref<16x5x50x80xi32, #tpu.memory_space<hbm>> -> memref<1x1x50x80xi32, #tpu.memory_space<hbm>>
          %dma_wait3A_65 = tpu.memref_squeeze %dma_wait3A_64 : memref<1x1x50x80xi32, #tpu.memory_space<hbm>> -> memref<50x80xi32, #tpu.memory_space<hbm>>
          %dma_wait3A_66 = arith.constant 0 : i32
          %dma_wait3A_67 = arith.constant 0 : i32
          %dma_wait3A_68 = tpu.memref_slice %arg4[%arg1, %add3A_13, %dma_wait3A_66, %dma_wait3A_67] : memref<16x5x50x80xi32, #tpu.memory_space<hbm>> -> memref<1x1x50x80xi32, #tpu.memory_space<hbm>>
          %dma_wait3A_69 = tpu.memref_squeeze %dma_wait3A_68 : memref<1x1x50x80xi32, #tpu.memory_space<hbm>> -> memref<50x80xi32, #tpu.memory_space<hbm>>
          tpu.wait_dma2 semaphore(%run_scoped3A_53 : memref<!tpu.dma_semaphore, #tpu.memory_space<semaphore_mem>>) src(%dma_wait3A_69 : memref<50x80xi32, #tpu.memory_space<hbm>>) dst(%arg7 : memref<50x80xi32, #tpu.memory_space<vmem>>)
          tpu.yield
        }) : () -> ()
        "tpu.region"() ({
          %run_scoped3A_53 = tpu.sem_alloc : memref<!tpu.dma_semaphore, #tpu.memory_space<semaphore_mem>>
          %dma_start3A_54 = arith.constant 0 : i32
          %dma_start3A_55 = arith.constant 0 : i32
          %dma_start3A_56 = tpu.memref_slice %arg3[%arg1, %add3A_13, %dma_start3A_54, %dma_start3A_55] : memref<16x5x50x80xi32, #tpu.memory_space<hbm>> -> memref<1x1x50x80xi32, #tpu.memory_space<hbm>>
          %dma_start3A_57 = tpu.memref_squeeze %dma_start3A_56 : memref<1x1x50x80xi32, #tpu.memory_space<hbm>> -> memref<50x80xi32, #tpu.memory_space<hbm>>
          %dma_start3A_58 = arith.constant 0 : i32
          %dma_start3A_59 = arith.constant 0 : i32
          %dma_start3A_60 = tpu.memref_slice %arg3[%arg1, %add3A_13, %dma_start3A_58, %dma_start3A_59] : memref<16x5x50x80xi32, #tpu.memory_space<hbm>> -> memref<1x1x50x80xi32, #tpu.memory_space<hbm>>
          %dma_start3A_61 = tpu.memref_squeeze %dma_start3A_60 : memref<1x1x50x80xi32, #tpu.memory_space<hbm>> -> memref<50x80xi32, #tpu.memory_space<hbm>>
          tpu.enqueue_dma source(%dma_start3A_61 : memref<50x80xi32, #tpu.memory_space<hbm>>) target(%arg8 : memref<50x80xi32, #tpu.memory_space<vmem>>) target_semaphore(%run_scoped3A_53 : memref<!tpu.dma_semaphore, #tpu.memory_space<semaphore_mem>>)
          %dma_wait3A_62 = arith.constant 0 : i32
          %dma_wait3A_63 = arith.constant 0 : i32
          %dma_wait3A_64 = tpu.memref_slice %arg3[%arg1, %add3A_13, %dma_wait3A_62, %dma_wait3A_63] : memref<16x5x50x80xi32, #tpu.memory_space<hbm>> -> memref<1x1x50x80xi32, #tpu.memory_space<hbm>>
          %dma_wait3A_65 = tpu.memref_squeeze %dma_wait3A_64 : memref<1x1x50x80xi32, #tpu.memory_space<hbm>> -> memref<50x80xi32, #tpu.memory_space<hbm>>
          %dma_wait3A_66 = arith.constant 0 : i32
          %dma_wait3A_67 = arith.constant 0 : i32
          %dma_wait3A_68 = tpu.memref_slice %arg3[%arg1, %add3A_13, %dma_wait3A_66, %dma_wait3A_67] : memref<16x5x50x80xi32, #tpu.memory_space<hbm>> -> memref<1x1x50x80xi32, #tpu.memory_space<hbm>>
          %dma_wait3A_69 = tpu.memref_squeeze %dma_wait3A_68 : memref<1x1x50x80xi32, #tpu.memory_space<hbm>> -> memref<50x80xi32, #tpu.memory_space<hbm>>
          tpu.wait_dma2 semaphore(%run_scoped3A_53 : memref<!tpu.dma_semaphore, #tpu.memory_space<semaphore_mem>>) src(%dma_wait3A_69 : memref<50x80xi32, #tpu.memory_space<hbm>>) dst(%arg8 : memref<50x80xi32, #tpu.memory_space<vmem>>)
          tpu.yield
        }) : () -> ()
      } else {
      }
      %dma_start3A = arith.constant 0 : i32
      %dma_start3A_21 = arith.constant 0 : i32
      %dma_start3A_22 = tpu.memref_slice %arg7[%dma_start3A, %dma_start3A_21] : memref<50x80xi32, #tpu.memory_space<vmem>> -> memref<1x80xi32, #tpu.memory_space<vmem>>
      %dma_start3A_23 = tpu.memref_squeeze %dma_start3A_22 : memref<1x80xi32, #tpu.memory_space<vmem>> -> memref<80xi32, #tpu.memory_space<vmem>>
      %dma_start3A_24 = arith.constant 0 : i32
      %dma_start3A_25 = arith.constant 0 : i32
      %dma_start3A_26 = tpu.memref_slice %arg2[%dma_start3A_24, %dma_start3A_25] : memref<10000x128xf32, #tpu.memory_space<hbm>> -> memref<10000x128xf32, #tpu.memory_space<hbm>>
      tpu.enqueue_indirect_dma source(%dma_start3A_26 : memref<10000x128xf32, #tpu.memory_space<hbm>>) target(%arg9 : memref<80x128xf32, #tpu.memory_space<vmem>>) offsets(%dma_start3A_23 : memref<80xi32, #tpu.memory_space<vmem>>) semaphore(%arg12 : memref<!tpu.dma_semaphore, #tpu.memory_space<semaphore_mem>>)
      %scan3A_27 = arith.constant 0 : i32
      %scan3A_28 = arith.constant 24 : i32
      %scan3A_29 = arith.addi %scan3A_27, %scan3A_28 : i32
      %scan3A_30 = arith.constant 1 : i32
      scf.for %scan3A_53 = %scan3A_27 to %scan3A_29 step %scan3A_30  : i32 {
        %mul3A_54 = arith.constant 1 : i32
        %mul3A_55 = arith.muli %scan3A_53, %mul3A_54 : i32
        %add3A_56 = arith.constant 0 : i32
        %add3A_57 = arith.addi %add3A_56, %mul3A_55 : i32
        %mul3A_58 = arith.constant 2 : i32
        %mul3A_59 = arith.muli %add3A_57, %mul3A_58 : i32
        %add3A_60 = arith.constant 1 : i32
        %add3A_61 = arith.addi %mul3A_59, %add3A_60 : i32
        %dma_start3A_62 = arith.constant 0 : i32
        %dma_start3A_63 = tpu.memref_slice %arg7[%add3A_61, %dma_start3A_62] : memref<50x80xi32, #tpu.memory_space<vmem>> -> memref<1x80xi32, #tpu.memory_space<vmem>>
        %dma_start3A_64 = tpu.memref_squeeze %dma_start3A_63 : memref<1x80xi32, #tpu.memory_space<vmem>> -> memref<80xi32, #tpu.memory_space<vmem>>
        %dma_start3A_65 = arith.constant 0 : i32
        %dma_start3A_66 = arith.constant 0 : i32
        %dma_start3A_67 = tpu.memref_slice %arg2[%dma_start3A_65, %dma_start3A_66] : memref<10000x128xf32, #tpu.memory_space<hbm>> -> memref<10000x128xf32, #tpu.memory_space<hbm>>
        tpu.enqueue_indirect_dma source(%dma_start3A_67 : memref<10000x128xf32, #tpu.memory_space<hbm>>) target(%arg10 : memref<80x128xf32, #tpu.memory_space<vmem>>) offsets(%dma_start3A_64 : memref<80xi32, #tpu.memory_space<vmem>>) semaphore(%arg13 : memref<!tpu.dma_semaphore, #tpu.memory_space<semaphore_mem>>)
        %dma_wait3A_68 = arith.constant 0 : i32
        %dma_wait3A_69 = tpu.memref_slice %arg7[%mul3A_59, %dma_wait3A_68] : memref<50x80xi32, #tpu.memory_space<vmem>> -> memref<1x80xi32, #tpu.memory_space<vmem>>
        %dma_wait3A_70 = tpu.memref_squeeze %dma_wait3A_69 : memref<1x80xi32, #tpu.memory_space<vmem>> -> memref<80xi32, #tpu.memory_space<vmem>>
        %dma_wait3A_71 = arith.constant 0 : i32
        %dma_wait3A_72 = arith.constant 0 : i32
        %dma_wait3A_73 = tpu.memref_slice %arg2[%dma_wait3A_71, %dma_wait3A_72] : memref<10000x128xf32, #tpu.memory_space<hbm>> -> memref<10000x128xf32, #tpu.memory_space<hbm>>
        tpu.wait_indirect_dma semaphore(%arg12 : memref<!tpu.dma_semaphore, #tpu.memory_space<semaphore_mem>>) src(%dma_wait3A_73 : memref<10000x128xf32, #tpu.memory_space<hbm>>) dst(%arg9 : memref<80x128xf32, #tpu.memory_space<vmem>>)
        "tpu.region"() ({
          %run_scoped3A_92 = tpu.sem_alloc : memref<!tpu.dma_semaphore, #tpu.memory_space<semaphore_mem>>
          %dma_start3A_93 = arith.constant 0 : i32
          %dma_start3A_94 = tpu.memref_slice %arg8[%mul3A_59, %dma_start3A_93] : memref<50x80xi32, #tpu.memory_space<vmem>> -> memref<1x80xi32, #tpu.memory_space<vmem>>
          %dma_start3A_95 = tpu.memref_squeeze %dma_start3A_94 : memref<1x80xi32, #tpu.memory_space<vmem>> -> memref<80xi32, #tpu.memory_space<vmem>>
          %dma_start3A_96 = arith.constant 0 : i32
          %dma_start3A_97 = arith.constant 0 : i32
          %dma_start3A_98 = tpu.memref_slice %arg11[%dma_start3A_96, %dma_start3A_97] : memref<10240x128xf32, #tpu.memory_space<vmem_shared>> -> memref<10240x128xf32, #tpu.memory_space<vmem_shared>>
          tpu.enqueue_indirect_dma source(%arg9 : memref<80x128xf32, #tpu.memory_space<vmem>>) target(%dma_start3A_98 : memref<10240x128xf32, #tpu.memory_space<vmem_shared>>) offsets(%dma_start3A_95 : memref<80xi32, #tpu.memory_space<vmem>>) semaphore(%run_scoped3A_92 : memref<!tpu.dma_semaphore, #tpu.memory_space<semaphore_mem>>) {add = true}
          %dma_wait3A_99 = arith.constant 0 : i32
          %dma_wait3A_100 = tpu.memref_slice %arg8[%mul3A_59, %dma_wait3A_99] : memref<50x80xi32, #tpu.memory_space<vmem>> -> memref<1x80xi32, #tpu.memory_space<vmem>>
          %dma_wait3A_101 = tpu.memref_squeeze %dma_wait3A_100 : memref<1x80xi32, #tpu.memory_space<vmem>> -> memref<80xi32, #tpu.memory_space<vmem>>
          %dma_wait3A_102 = arith.constant 0 : i32
          %dma_wait3A_103 = arith.constant 0 : i32
          %dma_wait3A_104 = tpu.memref_slice %arg11[%dma_wait3A_102, %dma_wait3A_103] : memref<10240x128xf32, #tpu.memory_space<vmem_shared>> -> memref<10240x128xf32, #tpu.memory_space<vmem_shared>>
          tpu.wait_indirect_dma semaphore(%run_scoped3A_92 : memref<!tpu.dma_semaphore, #tpu.memory_space<semaphore_mem>>) src(%arg9 : memref<80x128xf32, #tpu.memory_space<vmem>>) dst(%dma_wait3A_104 : memref<10240x128xf32, #tpu.memory_space<vmem_shared>>)
          tpu.yield
        }) : () -> ()
        %add3A_74 = arith.constant 2 : i32
        %add3A_75 = arith.addi %mul3A_59, %add3A_74 : i32
        %dma_start3A_76 = arith.constant 0 : i32
        %dma_start3A_77 = tpu.memref_slice %arg7[%add3A_75, %dma_start3A_76] : memref<50x80xi32, #tpu.memory_space<vmem>> -> memref<1x80xi32, #tpu.memory_space<vmem>>
        %dma_start3A_78 = tpu.memref_squeeze %dma_start3A_77 : memref<1x80xi32, #tpu.memory_space<vmem>> -> memref<80xi32, #tpu.memory_space<vmem>>
        %dma_start3A_79 = arith.constant 0 : i32
        %dma_start3A_80 = arith.constant 0 : i32
        %dma_start3A_81 = tpu.memref_slice %arg2[%dma_start3A_79, %dma_start3A_80] : memref<10000x128xf32, #tpu.memory_space<hbm>> -> memref<10000x128xf32, #tpu.memory_space<hbm>>
        tpu.enqueue_indirect_dma source(%dma_start3A_81 : memref<10000x128xf32, #tpu.memory_space<hbm>>) target(%arg9 : memref<80x128xf32, #tpu.memory_space<vmem>>) offsets(%dma_start3A_78 : memref<80xi32, #tpu.memory_space<vmem>>) semaphore(%arg12 : memref<!tpu.dma_semaphore, #tpu.memory_space<semaphore_mem>>)
        %add3A_82 = arith.constant 1 : i32
        %add3A_83 = arith.addi %mul3A_59, %add3A_82 : i32
        %dma_wait3A_84 = arith.constant 0 : i32
        %dma_wait3A_85 = tpu.memref_slice %arg7[%add3A_83, %dma_wait3A_84] : memref<50x80xi32, #tpu.memory_space<vmem>> -> memref<1x80xi32, #tpu.memory_space<vmem>>
        %dma_wait3A_86 = tpu.memref_squeeze %dma_wait3A_85 : memref<1x80xi32, #tpu.memory_space<vmem>> -> memref<80xi32, #tpu.memory_space<vmem>>
        %dma_wait3A_87 = arith.constant 0 : i32
        %dma_wait3A_88 = arith.constant 0 : i32
        %dma_wait3A_89 = tpu.memref_slice %arg2[%dma_wait3A_87, %dma_wait3A_88] : memref<10000x128xf32, #tpu.memory_space<hbm>> -> memref<10000x128xf32, #tpu.memory_space<hbm>>
        tpu.wait_indirect_dma semaphore(%arg13 : memref<!tpu.dma_semaphore, #tpu.memory_space<semaphore_mem>>) src(%dma_wait3A_89 : memref<10000x128xf32, #tpu.memory_space<hbm>>) dst(%arg10 : memref<80x128xf32, #tpu.memory_space<vmem>>)
        %add3A_90 = arith.constant 1 : i32
        %add3A_91 = arith.addi %mul3A_59, %add3A_90 : i32
        "tpu.region"() ({
          %run_scoped3A_92 = tpu.sem_alloc : memref<!tpu.dma_semaphore, #tpu.memory_space<semaphore_mem>>
          %dma_start3A_93 = arith.constant 0 : i32
          %dma_start3A_94 = tpu.memref_slice %arg8[%add3A_91, %dma_start3A_93] : memref<50x80xi32, #tpu.memory_space<vmem>> -> memref<1x80xi32, #tpu.memory_space<vmem>>
          %dma_start3A_95 = tpu.memref_squeeze %dma_start3A_94 : memref<1x80xi32, #tpu.memory_space<vmem>> -> memref<80xi32, #tpu.memory_space<vmem>>
          %dma_start3A_96 = arith.constant 0 : i32
          %dma_start3A_97 = arith.constant 0 : i32
          %dma_start3A_98 = tpu.memref_slice %arg11[%dma_start3A_96, %dma_start3A_97] : memref<10240x128xf32, #tpu.memory_space<vmem_shared>> -> memref<10240x128xf32, #tpu.memory_space<vmem_shared>>
          tpu.enqueue_indirect_dma source(%arg10 : memref<80x128xf32, #tpu.memory_space<vmem>>) target(%dma_start3A_98 : memref<10240x128xf32, #tpu.memory_space<vmem_shared>>) offsets(%dma_start3A_95 : memref<80xi32, #tpu.memory_space<vmem>>) semaphore(%run_scoped3A_92 : memref<!tpu.dma_semaphore, #tpu.memory_space<semaphore_mem>>) {add = true}
          %dma_wait3A_99 = arith.constant 0 : i32
          %dma_wait3A_100 = tpu.memref_slice %arg8[%add3A_91, %dma_wait3A_99] : memref<50x80xi32, #tpu.memory_space<vmem>> -> memref<1x80xi32, #tpu.memory_space<vmem>>
          %dma_wait3A_101 = tpu.memref_squeeze %dma_wait3A_100 : memref<1x80xi32, #tpu.memory_space<vmem>> -> memref<80xi32, #tpu.memory_space<vmem>>
          %dma_wait3A_102 = arith.constant 0 : i32
          %dma_wait3A_103 = arith.constant 0 : i32
          %dma_wait3A_104 = tpu.memref_slice %arg11[%dma_wait3A_102, %dma_wait3A_103] : memref<10240x128xf32, #tpu.memory_space<vmem_shared>> -> memref<10240x128xf32, #tpu.memory_space<vmem_shared>>
          tpu.wait_indirect_dma semaphore(%run_scoped3A_92 : memref<!tpu.dma_semaphore, #tpu.memory_space<semaphore_mem>>) src(%arg10 : memref<80x128xf32, #tpu.memory_space<vmem>>) dst(%dma_wait3A_104 : memref<10240x128xf32, #tpu.memory_space<vmem_shared>>)
          tpu.yield
        }) : () -> ()
      }
      %scan3A_31 = arith.constant 24 : i32
      %dma_start3A_32 = arith.constant 49 : i32
      %dma_start3A_33 = arith.constant 0 : i32
      %dma_start3A_34 = tpu.memref_slice %arg7[%dma_start3A_32, %dma_start3A_33] : memref<50x80xi32, #tpu.memory_space<vmem>> -> memref<1x80xi32, #tpu.memory_space<vmem>>
      %dma_start3A_35 = tpu.memref_squeeze %dma_start3A_34 : memref<1x80xi32, #tpu.memory_space<vmem>> -> memref<80xi32, #tpu.memory_space<vmem>>
      %dma_start3A_36 = arith.constant 0 : i32
      %dma_start3A_37 = arith.constant 0 : i32
      %dma_start3A_38 = tpu.memref_slice %arg2[%dma_start3A_36, %dma_start3A_37] : memref<10000x128xf32, #tpu.memory_space<hbm>> -> memref<10000x128xf32, #tpu.memory_space<hbm>>
      tpu.enqueue_indirect_dma source(%dma_start3A_38 : memref<10000x128xf32, #tpu.memory_space<hbm>>) target(%arg10 : memref<80x128xf32, #tpu.memory_space<vmem>>) offsets(%dma_start3A_35 : memref<80xi32, #tpu.memory_space<vmem>>) semaphore(%arg13 : memref<!tpu.dma_semaphore, #tpu.memory_space<semaphore_mem>>)
      %dma_wait3A = arith.constant 48 : i32
      %dma_wait3A_39 = arith.constant 0 : i32
      %dma_wait3A_40 = tpu.memref_slice %arg7[%dma_wait3A, %dma_wait3A_39] : memref<50x80xi32, #tpu.memory_space<vmem>> -> memref<1x80xi32, #tpu.memory_space<vmem>>
      %dma_wait3A_41 = tpu.memref_squeeze %dma_wait3A_40 : memref<1x80xi32, #tpu.memory_space<vmem>> -> memref<80xi32, #tpu.memory_space<vmem>>
      %dma_wait3A_42 = arith.constant 0 : i32
      %dma_wait3A_43 = arith.constant 0 : i32
      %dma_wait3A_44 = tpu.memref_slice %arg2[%dma_wait3A_42, %dma_wait3A_43] : memref<10000x128xf32, #tpu.memory_space<hbm>> -> memref<10000x128xf32, #tpu.memory_space<hbm>>
      tpu.wait_indirect_dma semaphore(%arg12 : memref<!tpu.dma_semaphore, #tpu.memory_space<semaphore_mem>>) src(%dma_wait3A_44 : memref<10000x128xf32, #tpu.memory_space<hbm>>) dst(%arg9 : memref<80x128xf32, #tpu.memory_space<vmem>>)
      %run_scoped3A = arith.constant 48 : i32
      "tpu.region"() ({
        %run_scoped3A_53 = tpu.sem_alloc : memref<!tpu.dma_semaphore, #tpu.memory_space<semaphore_mem>>
        %dma_start3A_54 = arith.constant 0 : i32
        %dma_start3A_55 = tpu.memref_slice %arg8[%run_scoped3A, %dma_start3A_54] : memref<50x80xi32, #tpu.memory_space<vmem>> -> memref<1x80xi32, #tpu.memory_space<vmem>>
        %dma_start3A_56 = tpu.memref_squeeze %dma_start3A_55 : memref<1x80xi32, #tpu.memory_space<vmem>> -> memref<80xi32, #tpu.memory_space<vmem>>
        %dma_start3A_57 = arith.constant 0 : i32
        %dma_start3A_58 = arith.constant 0 : i32
        %dma_start3A_59 = tpu.memref_slice %arg11[%dma_start3A_57, %dma_start3A_58] : memref<10240x128xf32, #tpu.memory_space<vmem_shared>> -> memref<10240x128xf32, #tpu.memory_space<vmem_shared>>
        tpu.enqueue_indirect_dma source(%arg9 : memref<80x128xf32, #tpu.memory_space<vmem>>) target(%dma_start3A_59 : memref<10240x128xf32, #tpu.memory_space<vmem_shared>>) offsets(%dma_start3A_56 : memref<80xi32, #tpu.memory_space<vmem>>) semaphore(%run_scoped3A_53 : memref<!tpu.dma_semaphore, #tpu.memory_space<semaphore_mem>>) {add = true}
        %dma_wait3A_60 = arith.constant 0 : i32
        %dma_wait3A_61 = tpu.memref_slice %arg8[%run_scoped3A, %dma_wait3A_60] : memref<50x80xi32, #tpu.memory_space<vmem>> -> memref<1x80xi32, #tpu.memory_space<vmem>>
        %dma_wait3A_62 = tpu.memref_squeeze %dma_wait3A_61 : memref<1x80xi32, #tpu.memory_space<vmem>> -> memref<80xi32, #tpu.memory_space<vmem>>
        %dma_wait3A_63 = arith.constant 0 : i32
        %dma_wait3A_64 = arith.constant 0 : i32
        %dma_wait3A_65 = tpu.memref_slice %arg11[%dma_wait3A_63, %dma_wait3A_64] : memref<10240x128xf32, #tpu.memory_space<vmem_shared>> -> memref<10240x128xf32, #tpu.memory_space<vmem_shared>>
        tpu.wait_indirect_dma semaphore(%run_scoped3A_53 : memref<!tpu.dma_semaphore, #tpu.memory_space<semaphore_mem>>) src(%arg9 : memref<80x128xf32, #tpu.memory_space<vmem>>) dst(%dma_wait3A_65 : memref<10240x128xf32, #tpu.memory_space<vmem_shared>>)
        tpu.yield
      }) : () -> ()
      %dma_wait3A_45 = arith.constant 49 : i32
      %dma_wait3A_46 = arith.constant 0 : i32
      %dma_wait3A_47 = tpu.memref_slice %arg7[%dma_wait3A_45, %dma_wait3A_46] : memref<50x80xi32, #tpu.memory_space<vmem>> -> memref<1x80xi32, #tpu.memory_space<vmem>>
      %dma_wait3A_48 = tpu.memref_squeeze %dma_wait3A_47 : memref<1x80xi32, #tpu.memory_space<vmem>> -> memref<80xi32, #tpu.memory_space<vmem>>
      %dma_wait3A_49 = arith.constant 0 : i32
      %dma_wait3A_50 = arith.constant 0 : i32
      %dma_wait3A_51 = tpu.memref_slice %arg2[%dma_wait3A_49, %dma_wait3A_50] : memref<10000x128xf32, #tpu.memory_space<hbm>> -> memref<10000x128xf32, #tpu.memory_space<hbm>>
      tpu.wait_indirect_dma semaphore(%arg13 : memref<!tpu.dma_semaphore, #tpu.memory_space<semaphore_mem>>) src(%dma_wait3A_51 : memref<10000x128xf32, #tpu.memory_space<hbm>>) dst(%arg10 : memref<80x128xf32, #tpu.memory_space<vmem>>)
      %run_scoped3A_52 = arith.constant 49 : i32
      "tpu.region"() ({
        %run_scoped3A_53 = tpu.sem_alloc : memref<!tpu.dma_semaphore, #tpu.memory_space<semaphore_mem>>
        %dma_start3A_54 = arith.constant 0 : i32
        %dma_start3A_55 = tpu.memref_slice %arg8[%run_scoped3A_52, %dma_start3A_54] : memref<50x80xi32, #tpu.memory_space<vmem>> -> memref<1x80xi32, #tpu.memory_space<vmem>>
        %dma_start3A_56 = tpu.memref_squeeze %dma_start3A_55 : memref<1x80xi32, #tpu.memory_space<vmem>> -> memref<80xi32, #tpu.memory_space<vmem>>
        %dma_start3A_57 = arith.constant 0 : i32
        %dma_start3A_58 = arith.constant 0 : i32
        %dma_start3A_59 = tpu.memref_slice %arg11[%dma_start3A_57, %dma_start3A_58] : memref<10240x128xf32, #tpu.memory_space<vmem_shared>> -> memref<10240x128xf32, #tpu.memory_space<vmem_shared>>
        tpu.enqueue_indirect_dma source(%arg10 : memref<80x128xf32, #tpu.memory_space<vmem>>) target(%dma_start3A_59 : memref<10240x128xf32, #tpu.memory_space<vmem_shared>>) offsets(%dma_start3A_56 : memref<80xi32, #tpu.memory_space<vmem>>) semaphore(%run_scoped3A_53 : memref<!tpu.dma_semaphore, #tpu.memory_space<semaphore_mem>>) {add = true}
        %dma_wait3A_60 = arith.constant 0 : i32
        %dma_wait3A_61 = tpu.memref_slice %arg8[%run_scoped3A_52, %dma_wait3A_60] : memref<50x80xi32, #tpu.memory_space<vmem>> -> memref<1x80xi32, #tpu.memory_space<vmem>>
        %dma_wait3A_62 = tpu.memref_squeeze %dma_wait3A_61 : memref<1x80xi32, #tpu.memory_space<vmem>> -> memref<80xi32, #tpu.memory_space<vmem>>
        %dma_wait3A_63 = arith.constant 0 : i32
        %dma_wait3A_64 = arith.constant 0 : i32
        %dma_wait3A_65 = tpu.memref_slice %arg11[%dma_wait3A_63, %dma_wait3A_64] : memref<10240x128xf32, #tpu.memory_space<vmem_shared>> -> memref<10240x128xf32, #tpu.memory_space<vmem_shared>>
        tpu.wait_indirect_dma semaphore(%run_scoped3A_53 : memref<!tpu.dma_semaphore, #tpu.memory_space<semaphore_mem>>) src(%arg10 : memref<80x128xf32, #tpu.memory_space<vmem>>) dst(%dma_wait3A_65 : memref<10240x128xf32, #tpu.memory_space<vmem_shared>>)
        tpu.yield
      }) : () -> ()
    }
    %scan3A_4 = arith.constant 5 : i32
    %barrier3A_5 = arith.constant 0 : index
    tpu.barrier barrier_id(%barrier3A_5)
    %mul3A_6 = arith.constant 640 : i32
    %mul3A_7 = arith.muli %arg1, %mul3A_6 : i32
    %mul3A_8 = arith.constant 640 : i32
    %mul3A_9 = arith.muli %arg1, %mul3A_8 : i32
    "tpu.region"() ({
      %run_scoped3A = tpu.sem_alloc : memref<!tpu.dma_semaphore, #tpu.memory_space<semaphore_mem>>
      %dma_start3A = arith.constant 0 : i32
      %dma_start3A_10 = tpu.memref_slice %arg6[%arg0, %mul3A_9, %dma_start3A] : memref<2x10240x128xf32, #tpu.memory_space<hbm>> -> memref<1x640x128xf32, #tpu.memory_space<hbm>>
      %dma_start3A_11 = tpu.memref_squeeze %dma_start3A_10 : memref<1x640x128xf32, #tpu.memory_space<hbm>> -> memref<640x128xf32, #tpu.memory_space<hbm>>
      %dma_start3A_12 = arith.constant 0 : i32
      %dma_start3A_13 = tpu.memref_slice %arg11[%mul3A_7, %dma_start3A_12] : memref<10240x128xf32, #tpu.memory_space<vmem_shared>> -> memref<640x128xf32, #tpu.memory_space<vmem_shared>>
      tpu.enqueue_dma source(%dma_start3A_13 : memref<640x128xf32, #tpu.memory_space<vmem_shared>>) target(%dma_start3A_11 : memref<640x128xf32, #tpu.memory_space<hbm>>) target_semaphore(%run_scoped3A : memref<!tpu.dma_semaphore, #tpu.memory_space<semaphore_mem>>)
      %dma_wait3A = arith.constant 0 : i32
      %dma_wait3A_14 = tpu.memref_slice %arg6[%arg0, %mul3A_9, %dma_wait3A] : memref<2x10240x128xf32, #tpu.memory_space<hbm>> -> memref<1x640x128xf32, #tpu.memory_space<hbm>>
      %dma_wait3A_15 = tpu.memref_squeeze %dma_wait3A_14 : memref<1x640x128xf32, #tpu.memory_space<hbm>> -> memref<640x128xf32, #tpu.memory_space<hbm>>
      %dma_wait3A_16 = arith.constant 0 : i32
      %dma_wait3A_17 = tpu.memref_slice %arg11[%mul3A_7, %dma_wait3A_16] : memref<10240x128xf32, #tpu.memory_space<vmem_shared>> -> memref<640x128xf32, #tpu.memory_space<vmem_shared>>
      tpu.wait_dma2 semaphore(%run_scoped3A : memref<!tpu.dma_semaphore, #tpu.memory_space<semaphore_mem>>) src(%dma_wait3A_17 : memref<640x128xf32, #tpu.memory_space<vmem_shared>>) dst(%dma_wait3A_15 : memref<640x128xf32, #tpu.memory_space<hbm>>)
      tpu.yield
    }) : () -> ()
    return
  }
}

module attributes {stable_mosaic.version = 14 : i64} {
  func.func @_prep_body(%arg0: i32, %arg1: memref<2x1000x1xf32, #tpu.memory_space<vmem>>, %arg2: memref<1000x128xf32, #tpu.memory_space<vmem>>, %arg3: memref<1000x128xf32, #tpu.memory_space<vmem>>, %arg4: memref<1000x1xf32, #tpu.memory_space<vmem>>) attributes {dimension_semantics = [#tpu.dimension_semantics<arbitrary>], iteration_bounds = array<i64: 10>, scalar_prefetch = 0 : i64, scratch_operands = 0 : i64, tpu.core_type = #tpu.core_type<tc>, window_params = [{transform_indices = @transform_0, window_bounds = array<i64: 2, 1000, 1>}, {transform_indices = @transform_1, window_bounds = array<i64: 1000, 128>}, {transform_indices = @transform_2, window_bounds = array<i64: 1000, 128>}, {transform_indices = @transform_3, window_bounds = array<i64: 1000, 1>}]} {
    %get3A = arith.constant 0 : index
    %get3A_0 = arith.constant 0 : index
    %get3A_1 = arith.constant 0 : index
    %get3A_2 = vector.load %arg1[%get3A, %get3A_0, %get3A_1] : memref<2x1000x1xf32, #tpu.memory_space<vmem>>, vector<1x1000x1xf32>
    %get3A_3 = vector.shape_cast %get3A_2 : vector<1x1000x1xf32> to vector<1000x1xf32>
    %get3A_4 = arith.constant 1 : index
    %get3A_5 = arith.constant 0 : index
    %get3A_6 = arith.constant 0 : index
    %get3A_7 = vector.load %arg1[%get3A_4, %get3A_5, %get3A_6] : memref<2x1000x1xf32, #tpu.memory_space<vmem>>, vector<1x1000x1xf32>
    %get3A_8 = vector.shape_cast %get3A_7 : vector<1x1000x1xf32> to vector<1000x1xf32>
    %add3A = arith.addf %get3A_3, %get3A_8 : vector<1000x1xf32>
    %gt3A = arith.constant 0.000000e+00 : f32
    %gt3A_9 = vector.broadcast %gt3A : f32 to vector<1000x1xf32>
    %gt3A_10 = arith.cmpf ogt, %add3A, %gt3A_9 : vector<1000x1xf32>
    %rsqrt3A = math.rsqrt %add3A : vector<1000x1xf32>
    %jit3A = arith.constant 0.000000e+00 : f32
    %broadcast_in_dim3A = vector.broadcast %jit3A : f32 to vector<1000x1xf32>
    %select_n3A = arith.select %gt3A_10, %rsqrt3A, %broadcast_in_dim3A : vector<1000x1xi1>, vector<1000x1xf32>
    %swap3A = arith.constant 0 : index
    %swap3A_11 = arith.constant 0 : index
    %swap3A_12 = vector.load %arg4[%swap3A, %swap3A_11] : memref<1000x1xf32, #tpu.memory_space<vmem>>, vector<1000x1xf32>
    tpu.vector_store %arg4[%swap3A, %swap3A_11], %select_n3A {strides = array<i32>} : memref<1000x1xf32, #tpu.memory_space<vmem>>, vector<1000x1xf32>,
    %get3A_13 = arith.constant 0 : index
    %get3A_14 = arith.constant 0 : index
    %get3A_15 = vector.load %arg2[%get3A_13, %get3A_14] : memref<1000x128xf32, #tpu.memory_space<vmem>>, vector<1000x128xf32>
    %mul3A = vector.broadcast %select_n3A : vector<1000x1xf32> to vector<1000x128xf32>
    %mul3A_16 = arith.mulf %mul3A, %get3A_15 : vector<1000x128xf32>
    %swap3A_17 = arith.constant 0 : index
    %swap3A_18 = arith.constant 0 : index
    %swap3A_19 = vector.load %arg3[%swap3A_17, %swap3A_18] : memref<1000x128xf32, #tpu.memory_space<vmem>>, vector<1000x128xf32>
    tpu.vector_store %arg3[%swap3A_17, %swap3A_18], %mul3A_16 {strides = array<i32>} : memref<1000x128xf32, #tpu.memory_space<vmem>>, vector<1000x128xf32>,
    return
  }
  func.func @transform_0(%arg0: i32) -> (i32, i32, i32) {
    %c0_i32 = arith.constant 0 : i32
    %c0_i32_0 = arith.constant 0 : i32
    %c0_i32_1 = arith.constant 0 : i32
    return %c0_i32, %arg0, %c0_i32_0 : i32, i32, i32
  }
  func.func @transform_1(%arg0: i32) -> (i32, i32) {
    %c0_i32 = arith.constant 0 : i32
    %c0_i32_0 = arith.constant 0 : i32
    return %arg0, %c0_i32 : i32, i32
  }
  func.func @transform_2(%arg0: i32) -> (i32, i32) {
    %c0_i32 = arith.constant 0 : i32
    %c0_i32_0 = arith.constant 0 : i32
    return %arg0, %c0_i32 : i32, i32
  }
  func.func @transform_3(%arg0: i32) -> (i32, i32) {
    %c0_i32 = arith.constant 0 : i32
    %c0_i32_0 = arith.constant 0 : i32
    return %arg0, %c0_i32 : i32, i32
  }
}

module attributes {stable_mosaic.version = 14 : i64} {
  func.func @_comb_body(%arg0: i32, %arg1: memref<2x1000x128xf32, #tpu.memory_space<vmem>>, %arg2: memref<1000x1xf32, #tpu.memory_space<vmem>>, %arg3: memref<1000x128xf32, #tpu.memory_space<vmem>>, %arg4: memref<1000x128xf32, #tpu.memory_space<vmem>>, %arg5: memref<1000x128xf32, #tpu.memory_space<vmem>>) attributes {dimension_semantics = [#tpu.dimension_semantics<arbitrary>], iteration_bounds = array<i64: 10>, scalar_prefetch = 0 : i64, scratch_operands = 0 : i64, tpu.core_type = #tpu.core_type<tc>, window_params = [{transform_indices = @transform_0, window_bounds = array<i64: 2, 1000, 128>}, {transform_indices = @transform_1, window_bounds = array<i64: 1000, 1>}, {transform_indices = @transform_2, window_bounds = array<i64: 1000, 128>}, {transform_indices = @transform_3, window_bounds = array<i64: 1000, 128>}, {transform_indices = @transform_4, window_bounds = array<i64: 1000, 128>}]} {
    %get3A = arith.constant 0 : index
    %get3A_0 = arith.constant 0 : index
    %get3A_1 = arith.constant 0 : index
    %get3A_2 = vector.load %arg1[%get3A, %get3A_0, %get3A_1] : memref<2x1000x128xf32, #tpu.memory_space<vmem>>, vector<1x1000x128xf32>
    %get3A_3 = vector.shape_cast %get3A_2 : vector<1x1000x128xf32> to vector<1000x128xf32>
    %get3A_4 = arith.constant 1 : index
    %get3A_5 = arith.constant 0 : index
    %get3A_6 = arith.constant 0 : index
    %get3A_7 = vector.load %arg1[%get3A_4, %get3A_5, %get3A_6] : memref<2x1000x128xf32, #tpu.memory_space<vmem>>, vector<1x1000x128xf32>
    %get3A_8 = vector.shape_cast %get3A_7 : vector<1x1000x128xf32> to vector<1000x128xf32>
    %add3A = arith.addf %get3A_3, %get3A_8 : vector<1000x128xf32>
    %get3A_9 = arith.constant 0 : index
    %get3A_10 = arith.constant 0 : index
    %get3A_11 = vector.load %arg2[%get3A_9, %get3A_10] : memref<1000x1xf32, #tpu.memory_space<vmem>>, vector<1000x1xf32>
    %mul3A = vector.broadcast %get3A_11 : vector<1000x1xf32> to vector<1000x128xf32>
    %mul3A_12 = arith.mulf %mul3A, %add3A : vector<1000x128xf32>
    %mul3A_13 = vector.broadcast %get3A_11 : vector<1000x1xf32> to vector<1000x128xf32>
    %mul3A_14 = arith.mulf %mul3A_13, %mul3A_12 : vector<1000x128xf32>
    %swap3A = arith.constant 0 : index
    %swap3A_15 = arith.constant 0 : index
    %swap3A_16 = vector.load %arg4[%swap3A, %swap3A_15] : memref<1000x128xf32, #tpu.memory_space<vmem>>, vector<1000x128xf32>
    tpu.vector_store %arg4[%swap3A, %swap3A_15], %mul3A_14 {strides = array<i32>} : memref<1000x128xf32, #tpu.memory_space<vmem>>, vector<1000x128xf32>,
    %get3A_17 = arith.constant 0 : index
    %get3A_18 = arith.constant 0 : index
    %get3A_19 = vector.load %arg3[%get3A_17, %get3A_18] : memref<1000x128xf32, #tpu.memory_space<vmem>>, vector<1000x128xf32>
    %add3A_20 = arith.addf %get3A_19, %mul3A_12 : vector<1000x128xf32>
    %swap3A_21 = arith.constant 0 : index
    %swap3A_22 = arith.constant 0 : index
    %swap3A_23 = vector.load %arg5[%swap3A_21, %swap3A_22] : memref<1000x128xf32, #tpu.memory_space<vmem>>, vector<1000x128xf32>
    tpu.vector_store %arg5[%swap3A_21, %swap3A_22], %add3A_20 {strides = array<i32>} : memref<1000x128xf32, #tpu.memory_space<vmem>>, vector<1000x128xf32>,
    return
  }
  func.func @transform_0(%arg0: i32) -> (i32, i32, i32) {
    %c0_i32 = arith.constant 0 : i32
    %c0_i32_0 = arith.constant 0 : i32
    %c0_i32_1 = arith.constant 0 : i32
    return %c0_i32, %arg0, %c0_i32_0 : i32, i32, i32
  }
  func.func @transform_1(%arg0: i32) -> (i32, i32) {
    %c0_i32 = arith.constant 0 : i32
    %c0_i32_0 = arith.constant 0 : i32
    return %arg0, %c0_i32 : i32, i32
  }
  func.func @transform_2(%arg0: i32) -> (i32, i32) {
    %c0_i32 = arith.constant 0 : i32
    %c0_i32_0 = arith.constant 0 : i32
    return %arg0, %c0_i32 : i32, i32
  }
  func.func @transform_3(%arg0: i32) -> (i32, i32) {
    %c0_i32 = arith.constant 0 : i32
    %c0_i32_0 = arith.constant 0 : i32
    return %arg0, %c0_i32 : i32, i32
  }
  func.func @transform_4(%arg0: i32) -> (i32, i32) {
    %c0_i32 = arith.constant 0 : i32
    %c0_i32_0 = arith.constant 0 : i32
    return %arg0, %c0_i32 : i32, i32
  }
}

module attributes {stable_mosaic.version = 14 : i64} {
  func.func @_fin_body(%arg0: i32, %arg1: memref<2x1000x128xf32, #tpu.memory_space<vmem>>, %arg2: memref<1000x1xf32, #tpu.memory_space<vmem>>, %arg3: memref<1000x128xf32, #tpu.memory_space<vmem>>, %arg4: memref<1000x128xf32, #tpu.memory_space<vmem>>) attributes {dimension_semantics = [#tpu.dimension_semantics<arbitrary>], iteration_bounds = array<i64: 10>, scalar_prefetch = 0 : i64, scratch_operands = 0 : i64, tpu.core_type = #tpu.core_type<tc>, window_params = [{transform_indices = @transform_0, window_bounds = array<i64: 2, 1000, 128>}, {transform_indices = @transform_1, window_bounds = array<i64: 1000, 1>}, {transform_indices = @transform_2, window_bounds = array<i64: 1000, 128>}, {transform_indices = @transform_3, window_bounds = array<i64: 1000, 128>}]} {
    %get3A = arith.constant 0 : index
    %get3A_0 = arith.constant 0 : index
    %get3A_1 = arith.constant 0 : index
    %get3A_2 = vector.load %arg1[%get3A, %get3A_0, %get3A_1] : memref<2x1000x128xf32, #tpu.memory_space<vmem>>, vector<1x1000x128xf32>
    %get3A_3 = vector.shape_cast %get3A_2 : vector<1x1000x128xf32> to vector<1000x128xf32>
    %get3A_4 = arith.constant 1 : index
    %get3A_5 = arith.constant 0 : index
    %get3A_6 = arith.constant 0 : index
    %get3A_7 = vector.load %arg1[%get3A_4, %get3A_5, %get3A_6] : memref<2x1000x128xf32, #tpu.memory_space<vmem>>, vector<1x1000x128xf32>
    %get3A_8 = vector.shape_cast %get3A_7 : vector<1x1000x128xf32> to vector<1000x128xf32>
    %add3A = arith.addf %get3A_3, %get3A_8 : vector<1000x128xf32>
    %get3A_9 = arith.constant 0 : index
    %get3A_10 = arith.constant 0 : index
    %get3A_11 = vector.load %arg3[%get3A_9, %get3A_10] : memref<1000x128xf32, #tpu.memory_space<vmem>>, vector<1000x128xf32>
    %get3A_12 = arith.constant 0 : index
    %get3A_13 = arith.constant 0 : index
    %get3A_14 = vector.load %arg2[%get3A_12, %get3A_13] : memref<1000x1xf32, #tpu.memory_space<vmem>>, vector<1000x1xf32>
    %mul3A = vector.broadcast %get3A_14 : vector<1000x1xf32> to vector<1000x128xf32>
    %mul3A_15 = arith.mulf %mul3A, %add3A : vector<1000x128xf32>
    %add3A_16 = arith.addf %get3A_11, %mul3A_15 : vector<1000x128xf32>
    %mul3A_17 = arith.constant 2.500000e-01 : f32
    %mul3A_18 = vector.broadcast %mul3A_17 : f32 to vector<1000x128xf32>
    %mul3A_19 = arith.mulf %add3A_16, %mul3A_18 : vector<1000x128xf32>
    %swap3A = arith.constant 0 : index
    %swap3A_20 = arith.constant 0 : index
    %swap3A_21 = vector.load %arg4[%swap3A, %swap3A_20] : memref<1000x128xf32, #tpu.memory_space<vmem>>, vector<1000x128xf32>
    tpu.vector_store %arg4[%swap3A, %swap3A_20], %mul3A_19 {strides = array<i32>} : memref<1000x128xf32, #tpu.memory_space<vmem>>, vector<1000x128xf32>,
    return
  }
  func.func @transform_0(%arg0: i32) -> (i32, i32, i32) {
    %c0_i32 = arith.constant 0 : i32
    %c0_i32_0 = arith.constant 0 : i32
    %c0_i32_1 = arith.constant 0 : i32
    return %c0_i32, %arg0, %c0_i32_0 : i32, i32, i32
  }
  func.func @transform_1(%arg0: i32) -> (i32, i32) {
    %c0_i32 = arith.constant 0 : i32
    %c0_i32_0 = arith.constant 0 : i32
    return %arg0, %c0_i32 : i32, i32
  }
  func.func @transform_2(%arg0: i32) -> (i32, i32) {
    %c0_i32 = arith.constant 0 : i32
    %c0_i32_0 = arith.constant 0 : i32
    return %arg0, %c0_i32 : i32, i32
  }
  func.func @transform_3(%arg0: i32) -> (i32, i32) {
    %c0_i32 = arith.constant 0 : i32
    %c0_i32_0 = arith.constant 0 : i32
    return %arg0, %c0_i32 : i32, i32
  }
}

</mosaic_0001>

<sc_bundles>
// kernel: kernel.10.cloned.1.call-start
scs
__scs_entry_jumppad:
0x0: {  	(pc) =	sbr.rel $0x88, $3  }
0x1: {  	(tag) =	ssettag $0x0;
	lr =	simm.s32 $0x1  }
0x2: {  	[smem:$0x3F9F] =	sst lr;
	_ =	strace $0xD0000000  }
0x3: {  	_ = 	snop  }
0x4: {  	_ = 	snop  }
0x5: {  	_ = 	snop  }
0x6: {  	_ = 	snop  }
0x7: {  	_ = 	snop  }
__scs_overlays_trampoline_lowered:
0x8: {  	[smem:$0x3FAE] =	sst s0  }
0x9: {  	[smem:$0x3FAF] =	sst s1  }
0xa: {  	[smem:$0x3FB0] =	sst s2  }
0xb: {  	[smem:$0x3FB1] =	sst s3  }
0xc: {  	[smem:$0x3FB2] =	sst s4  }
0xd: {  	[smem:$0x3FB3] =	sst s5  }
0xe: {  	[smem:$0x3FB4] =	sst s6  }
0xf: {  	[smem:$0x3FB5] =	sst s7  }
0x10: {  	[smem:$0x3FB6] =	sst s8  }
0x11: {  	[smem:$0x3FB7] =	sst s9;
	s0 =	simm.s32 @!p0 $0x0  }
0x12: {  	s1 =	sld [smem:$0x3F9D];
	s0 =	simm.s32 @p0 $0x1  }
0x13: {  	[smem:$0x3FB8] =	sst s0;
	s0 =	simm.s32 @!p1 $0x0  }
0x14: {  	s2 =	sld [smem:$0x3F9C];
	s0 =	simm.s32 @p1 $0x1  }
0x15: {  	[smem:$0x3FB9] =	sst s0;
	s0 =	simm.s32 @!p2 $0x0  }
0x16: {  	s3 =	sld [smem:$0x3FDB];
	s0 =	simm.s32 @p2 $0x1  }
0x17: {  	s4 =	simm.s32 $0x1BF5;
	[smem:$0x3FBB] =	sst s0  }
0x18: {  	s0 =	sld [smem:$0x3F9E];
	_ =	swait.ge [sflag:s4], $0x0  }
0x19: {  	s7 =	sld [smem:$0x3F9F]  }
0x1a: {  	s8 =	sadd.s32 $0xFFFFE003, lr  }
0x1b: {  	s9 =	sadd.s32 $0xFFFFFEF7, lr;
	s5 =	simm.s32 $0xFFFFFFFF;
	p2 =	slt.u32 s8, $0xFFFFF086  }
0x1c: {  	p1 =	slt.u32 s9, $0xF7A;
	s5 =	simm.s32 @!p2 $0x0  }
0x1d: {  	s5 =	simm.s32 @p1 $0x1;
	p0 =	seq.s32 s7, s2  }
0x1e: {  	s7 =	smul.u32 @!p0 $0xF7A, s2;
	p2 =	seq.s32 @!p0 s5, $0x0  }
0x1f: {  	s9 =	smul.u32 $0xF7A, s1;
	s8 =	simm.s32 @!p0 $0x1BF5;
	p2 =	por !p2, p0  }
0x20: {  	[sflag:s8] =	ssyncset.s32 @!p0 $0xFFFFF086;
	s6 =	sadd.s32 @!p0 s3, s7;
	s7 =	simm.s32 @!p0 $0x108  }
0x21: {  	s3 =	sadd.s32 s3, s9;
	s6 =	sadd.s32 @!p0 $0x88, s6;
	s7 =	simm.s32 @p2 $0x1082  }
0x22: {  	[simem:s7], [sflag:s8] =	dma.local @!p0 [hbm:s6], $0xF7A  }
0x23: {  	s9 =	sor.u32 $0xD0000000, s2;
	s6 =	simm.s32 $0x108;
	_ =	swait.ge @!p0 [sflag:s8], $0x0  }
0x24: {  	s3 =	sadd.s32 $0x88, s3;
	s6 =	simm.s32 @!p1 $0x1082;
	[sflag:s4] =	ssyncset.s32 $0xFFFFF086  }
0x25: {  	[simem:s6], [sflag:s4] =	dma.local [hbm:s3], $0xF7A  }
0x26: {  	[smem:$0x3F9F] =	sst s1;
	(tag) =	ssettag s2;
	_ =	strace s9  }
0x27: {  	s1 =	sld [smem:$0x3FAF]  }
0x28: {  	s2 =	sld [smem:$0x3FB0]  }
0x29: {  	s4 =	sld [smem:$0x3FB2]  }
0x2a: {  	p0 =	seq.s32 s5, $0x0;
	s5 =	sld [smem:$0x3FB3]  }
0x2b: {  	s6 =	sld [smem:$0x3FB4]  }
0x2c: {  	s7 =	sld [smem:$0x3FB5]  }
0x2d: {  	s3 =	simm.s32 $0x108;
	s8 =	sld [smem:$0x3FB6]  }
0x2e: {  	s3 =	simm.s32 @!p0 $0x1082;
	s9 =	sld [smem:$0x3FB7]  }
0x2f: {  	lr =	sadd.s32 s0, s3;
	s0 =	sld [smem:$0x3FAE]  }
0x30: {  	s3 =	sld [smem:$0x3FB1]  }
0x31: {  	[smem:$0x3FBA] =	sst s10  }
0x32: {  	s10 =	sld [smem:$0x3FB8];
	_ =	sdelay $0x3  }
0x33: {  	p0 =	seq.s32 s10, $0x1;
	s10 =	sld [smem:$0x3FBA];
	_ =	sdelay $0x3  }
0x34: {  	[smem:$0x3FBA] =	sst s10  }
0x35: {  	s10 =	sld [smem:$0x3FB9];
	_ =	sdelay $0x3  }
0x36: {  	p1 =	seq.s32 s10, $0x1;
	s10 =	sld [smem:$0x3FBA];
	_ =	sdelay $0x3  }
0x37: {  	[smem:$0x3FBA] =	sst s10  }
0x38: {  	s10 =	sld [smem:$0x3FBB]  }
0x39: {  	_ = 	snop;
	(pc) =	sbr.ind lr, $3  }
0x3a: {  	_ = 	snop  }
0x3b: {  	_ = 	snop  }
0x3c: {  	p2 =	seq.s32 s10, $0x1;
	s10 =	sld [smem:$0x3FBA]  }
0x3d: {  	_ =	shalt  }
0x3e: {  	_ =	shalt  }
0x3f: {  	_ =	shalt  }
0x40: {  	_ =	shalt  }
0x41: {  	_ =	shalt  }
0x42: {  	_ =	shalt  }
0x43: {  	_ =	shalt  }
0x44: {  	_ =	shalt  }
0x45: {  	_ =	shalt  }
0x46: {  	_ =	shalt  }
0x47: {  	_ =	shalt  }
0x48: {  	_ =	shalt  }
0x49: {  	_ =	shalt  }
0x4a: {  	_ =	shalt  }
0x4b: {  	_ =	shalt  }
0x4c: {  	_ =	shalt  }
0x4d: {  	_ =	shalt  }
0x4e: {  	_ =	shalt  }
0x4f: {  	_ =	shalt  }
0x50: {  	_ =	shalt  }
0x51: {  	_ =	shalt  }
0x52: {  	_ =	shalt  }
0x53: {  	_ =	shalt  }
0x54: {  	_ =	shalt  }
0x55: {  	_ =	shalt  }
0x56: {  	_ =	shalt  }
0x57: {  	_ =	shalt  }
0x58: {  	_ =	shalt  }
0x59: {  	_ =	shalt  }
0x5a: {  	_ =	shalt  }
0x5b: {  	_ =	shalt  }
0x5c: {  	_ =	shalt  }
0x5d: {  	_ =	shalt  }
0x5e: {  	_ =	shalt  }
0x5f: {  	_ =	shalt  }
0x60: {  	_ =	shalt  }
0x61: {  	_ =	shalt  }
0x62: {  	_ =	shalt  }
0x63: {  	_ =	shalt  }
0x64: {  	_ =	shalt  }
0x65: {  	_ =	shalt  }
0x66: {  	_ =	shalt  }
0x67: {  	_ =	shalt  }
0x68: {  	_ =	shalt  }
0x69: {  	_ =	shalt  }
0x6a: {  	_ =	shalt  }
0x6b: {  	_ =	shalt  }
0x6c: {  	_ =	shalt  }
0x6d: {  	_ =	shalt  }
0x6e: {  	_ =	shalt  }
0x6f: {  	_ =	shalt  }
0x70: {  	_ =	shalt  }
0x71: {  	_ =	shalt  }
0x72: {  	_ =	shalt  }
0x73: {  	_ =	shalt  }
0x74: {  	_ =	shalt  }
0x75: {  	_ =	shalt  }
0x76: {  	_ =	shalt  }
0x77: {  	_ =	shalt  }
0x78: {  	_ =	shalt  }
0x79: {  	_ =	shalt  }
0x7a: {  	_ =	shalt  }
0x7b: {  	_ =	shalt  }
0x7c: {  	_ =	shalt  }
0x7d: {  	_ =	shalt  }
0x7e: {  	_ =	shalt  }
0x7f: {  	_ =	shalt  }
0x80: {  	_ =	shalt  }
0x81: {  	_ =	shalt  }
0x82: {  	_ =	shalt  }
0x83: {  	_ =	shalt  }
0x84: {  	_ =	shalt  }
0x85: {  	_ =	shalt  }
0x86: {  	_ =	shalt  }
0x87: {  	_ =	shalt  }
.Lfunc_end0:
.L_simem_size_0:
called_computation_lowered:
.L_overlay_start_0:
0x88: {  	s2 =	sld [smem:$0x3FD9]  }
0x89: {  	s3 =	sld [smem:$0x3FFE];
	_ =	sdelay $0x1  }
0x8a: {  	s1 =	srdreg.scid  }
0x8b: {  	s0 =	sand.u32 $0x1, s1  }
0x8c: {  	s17 =	sshll.u32 s0, $0xA;
	s2 =	sadd.s32 s3, s2  }
0x8d: {  	s2 =	sadd.s32 s2, s17  }
0x8e: {  	[smem:$0x3FC6] =	sst s2  }
0x8f: {  	_ = 	snop  }
0x90: {  	s2 =	sld [smem:$0x3FD0];
	(tm) =	ssettm $0x1  }
0x91: {  	s18 =	sld [smem:$0x3FFB];
	_ =	sdelay $0x3  }
0x92: {  	_ =	strace s18  }
0x93: {  	s3 =	sld [smem:$0x3FFC];
	_ =	sdelay $0x3  }
0x94: {  	_ =	strace s3  }
0x95: {  	s3 =	sld [smem:$0x3FFD];
	_ =	sdelay $0x3  }
0x96: {  	_ =	strace s3  }
0x97: {  	_ =	strace $0x8FFFFFFF  }
0x98: {  	s19 =	sld [smem:$0x3FDB];
	_ =	sdelay $0x1  }
0x99: {  	s4 =	simm.s32 $_scs_section_size  }
0x9a: {  	s5 =	simm.s32 $_size__tile_overlayer_lowered;
	s6 =	simm.s32 $_tile_overlayer_lowered  }
0x9b: {  	s22 =	simm.s32 $0x1BFF;
	s21 =	sshll.u32 s6, $0x1;
	s3 =	sadd.s32 s4, s19  }
0x9c: {  	s7 =	simm.s32 $0x0;
	s20 =	sshll.u32 s5, $0x1;
	s5 =	sadd.s32 s21, s3  }
0x9d: {  	[timem:s7], [sflag:s22] =	dma.local [hbm:s5], s20  }
0x9e: {  	_ =	swait.ge [sflag:s22], s20  }
0x9f: {  	s4 =	ssub.s32 $0x0, s20;
	[sflag:s22] =	ssyncset.done $0x0  }
0xa0: {  	[sflag:s22] =	ssyncadd.s32 s4;
	_ =	sdelay $0x1  }
0xa1: {  	s23 =	simm.s32 $0x1B8B  }
0xa2: {  	_ =	swait.ge [sflag:s23], $0x1  }
0xa3: {  	[sflag:s23] =	ssyncset.done $0x0  }
0xa4: {  	s25 =	simm.s32 $0x1B8E;
	s24 =	sld [smem:$0x3FFE];
	[sflag:s23] =	ssyncadd.s32 $0xFFFFFFFF  }
0xa5: {  	s26 =	simm.s32 $execute0_lowered;
	[smem:$0x3FD2] =	sst s25  }
0xa6: {  	s5 =	sshll.u32 s26, $0x1;
	_ =	strace $0x80000046;
	[dreg:$0x1] =	wrdreg $0xFFFFFFFF  }
0xa7: {  	s28 =	simm.s32 $_size_execute0_lowered;
	s3 =	sadd.s32 s3, s5;
	[dreg:$0x0] =	wrdreg $0x0  }
0xa8: {  	s5 =	sshll.u32 s28, $0x1;
	[dreg:$0x2] =	wrdreg s3  }
0xa9: {  	[dreg:$0x3] =	wrdreg s5  }
0xaa: {  	[dreg:$0x4] =	wrdreg $0xC0  }
0xab: {  	_ =	task [dreg:s7], $0x5FFFF  }
0xac: {  	[dreg:$0x1] =	wrdreg $0xFFFFFFFF  }
0xad: {  	[dreg:$0x0] =	wrdreg $0x60  }
0xae: {  	[dreg:$0x2] =	wrdreg s2  }
0xaf: {  	[dreg:$0x3] =	wrdreg s24  }
0xb0: {  	[dreg:$0x4] =	wrdreg $0x80800  }
0xb1: {  	[dreg:$0x5] =	wrdreg $0x9  }
0xb2: {  	_ =	task.clear_ibuf [dreg:s7], $0x6FFFF;
	_ =	strace $0x90000046  }
0xb3: {  	s29 =	simm.s32 $0x9;
	_ =	strace $0x80000048  }
0xb4: {  	_ =	swait.ge [sflag:s29], $0x1  }
0xb5: {  	[sflag:s29] =	ssyncadd.s32 $0xFFFFFFFF  }
0xb6: {  	_ =	strace $0x90000048  }
0xb7: {  	_ =	sfence  }
0xb8: {  	s30 =	sld [smem:$0x0];
	_ =	sdelay $0x2  }
0xb9: {  	s31 =	sshll.u32 s1, $0xD;
	s1 =	sshrl.u32 s1, $0x2  }
0xba: {  	s3 =	sand.u32 $0x4000, s31;
	s1 =	sadd.s32 s1, s30  }
0xbb: {  	s0 =	sor.u32 s3, s0;
	s1 =	sshll.u32 s1, $0x11  }
0xbc: {  	s0 =	sor.u32 s1, s0  }
0xbd: {  	s0 =	sadd.s32 $0x8F2B, s0  }
0xbe: {  	[sflag:s0] =	ssyncadd.remote.s32 $0x1  }
0xbf: {  	_ =	sfence.sel $0xFFFF  }
0xc0: {  	[dreg:$0x0] =	wrdreg $0xFFFFFFFF;
	(pc) =	sbr.abs _section_cstart, $3  }
0xc1: {  	[dreg:$0x1] =	wrdreg $0xFFFFFFFF  }
0xc2: {  	_ =	task.clear_ibuf [dreg:s7], $0x2FFFF;
	_ =	strace $0x9FFFFFFF  }
0xc3: {  	(tm) =	ssettm $0x7FFFFFFF  }
tec
execute0_lowered:
.L_overlay_start_1:
0x0: {  	(tag) =	ssettag $0x1  }
0x1: {  	s6 =	rddreg [dreg:$0x0]  }
0x2: {  	s5 =	rddreg [dreg:$0x1]  }
0x3: {  	s2 =	rddreg [dreg:$0x2]  }
0x4: {  	s0 =	rddreg [dreg:$0x3]  }
0x5: {  	s3 =	simm.s32 $0x0;
	s4 =	srdreg.scid;
	s1 =	stileid.u32  }
0x6: {  	s14 =	simm.s32 $0x8000;
	s15 =	simm.s32 $0x20;
	s16 =	simm.s32 $0x10  }
0x7: {  	s17 =	simm.s32 $0x0;
	[smem:$0x7FF] =	sst s3;
	s30 =	smul.u32 $0x500, s1  }
0x8: {  	s7 =	sand.u32 $0x1, s4;
	s9 =	sshll.u32 s1, $0xB;
	s11 =	smul.u32 $0xA00, s1  }
0x9: {  	s12 =	sshll.u32 s1, $0x6;
	s8 =	sshll.u32 s7, $0xF;
	s10 =	sshll.u32 s7, $0x7  }
0xa: {  	_ =	strace $0x80000047;
	s31 =	ssub.s32 $0x2, s7;
	s8 =	sor.u32 s9, s8  }
0xb: {  	s4 =	sor.u32 s10, s30;
	s7 =	sshrl.u32 s31, $0x1;
	s11 =	sshrl.u32 s11, $0x2  }
0xc: {  	s9 =	sadd.s32 s8, s5;
	s10 =	sshrl.u32 s4, $0x3;
	s4 =	sadd.s32 $0x11E00, s5  }
0xd: {  	s13 =	ssub.s32 s31, s7;
	s11 =	sadd.s32 s11, s2;
	s6 =	sadd.s32 s6, s8  }
0xe: {  	s10 =	sadd.s32 s10, s5;
	s5 =	sor.u32 $0x1C01, s12;
	s7 =	sadd.s32 $0x1E00, s9  }
0xf: {  	s9 =	smax.u32 s13, $0x1;
	s12 =	simm.s32 $0x3E80;
	s13 =	simm.s32 $0x50  }
0x10: {  	v0 =	vimm.f32 $1.000000000e+00;
	s8 =	sadd.s32 $0x12000, s10;
	s10 =	sshrl.u32 s11, $0x3;
	s11 =	simm.s32 $0x1  }
.LBB2_1:
0x11: {  	[spmem:s10], [sflag:s5] =	dma.local [hbm:s4], $0x50  }
0x12: {  	_ =	swait.ge [sflag:s11], $0x50  }
0x13: {  	[sflag:s11] =	ssyncset.done $0x0  }
0x14: {  	[sflag:s11] =	ssyncadd.s32 $0xFFFFFFB0  }
0x15: {  	[tilespmem:$0x8000] =	vst v0  }
0x16: {  	[tilespmem:$0x8010] =	vst v0  }
0x17: {  	[tilespmem:$0x8020] =	vst v0  }
0x18: {  	[tilespmem:$0x8030] =	vst v0  }
0x19: {  	[tilespmem:$0x8040] =	vst v0  }
0x1a: {  	[tilespmem:s3], [sflag:$0x1] =	stream.linear.gather [hbm4b:s6+s3], $0x3E80, $0x38;
	[tilespmem:$0x8300] =	vst v63  }
0x1b: {  	_ =	swait.ge [sflag:s11], $0x3E80  }
0x1c: {  	[sflag:s11] =	ssyncset.done $0x0  }
0x1d: {  	[sflag:s11] =	ssyncadd.s32 $0xFFFFC180  }
0x1e: {  	[tilespmem:s12], [sflag:$0x1] =	stream.linear.gather [hbm4b:s7+s3], $0x3E80, $0x38;
	[tilespmem:$0x8300] =	vst v63  }
0x1f: {  	_ =	swait.ge [sflag:s11], $0x3E80  }
0x20: {  	[sflag:s11] =	ssyncset.done $0x0  }
0x21: {  	[sflag:s11] =	ssyncadd.s32 $0xFFFFC180  }
0x22: {  	s18 =	simm.s32 $0x0;
	[bflag:$0x0] =	sbarrier.arrive $0xFFFF  }
0x23: {  	[spmem:s2] =	stream.indirect.scatter.add.f32 [tilespmem:s14], [sflag:$0x1], $0x1, s18, s13, $0xb8;
	[tilespmem:$0x8300] =	vst v63  }
0x24: {  	_ =	swait.ge [sflag:s11], $0x50  }
0x25: {  	s18 =	simm.s32 $0x200;
	[sflag:s11] =	ssyncset.done $0x0  }
.LBB2_2:
0x26: {  	s19 =	sshra.s32 s18, $0x2;
	[sflag:s11] =	ssyncadd.s32 $0xFFFFFFB0;
	p0 =	sne.s32 s18, $0x1F200  }
0x27: {  	[spmem:s2] =	stream.indirect.scatter.add.f32 [tilespmem:s14], [sflag:$0x1], $0x1, s19, s13, $0xb8;
	[tilespmem:$0x8300] =	vst v63  }
.Ltmp0:
0x28: {  	_ = 	snop;
	(pc) =	sbr.rel @p0 .LBB2_2-.Ltmp0, $4  }
0x29: {  	_ = 	snop  }
0x2a: {  	s18 =	sadd.s32 $0x200, s18  }
0x2b: {  	_ =	swait.ge [sflag:s11], $0x50  }
0x2c: {  	[sflag:s11] =	ssyncset.done $0x0  }
0x2d: {  	s17 =	sadd.s32 $0x1, s17  }
0x2e: {  	[sflag:s11] =	ssyncadd.s32 $0xFFFFFFB0;
	p0 =	sne.s32 s17, s9  }
.Ltmp1:
0x2f: {  	[bflag:$0x0] =	sbarrier.arrive $0xFFFF;
	(pc) =	sbr.rel @p0 .LBB2_1-.Ltmp1, $4  }
0x30: {  	[hbm:s8@s15], [sflag:s5] =	dma.strided [spmem:s10@s16], $0x50, s11, $0x10   }
0x31: {  	_ =	swait.ge [sflag:s11], $0x50  }
0x32: {  	[sflag:s11] =	ssyncset.done $0x0  }
0x33: {  	[sflag:s11] =	ssyncadd.s32 $0xFFFFFFB0  }
0x34: {  	_ =	sfence.sel $0x180000  }
0x35: {  	[bflag:$0x0] =	sbarrier.arrive $0xFFFF  }
0x36: {  	p0 =	sne.s32 s1, $0x0;
	_ =	strace $0x90000047  }
0x37: {  	s0 =	sadd.s32 @!p0 $0x100000, s0;
	[bflag:$0x2] =	sbarrier.arrive $0xFFFF  }
0x38: {  	[sflag:s0] =	ssyncadd.tile.s32 @!p0 $0x1;
	_ =	shalt  }
.Lfunc_end2:
_tile_overlayer_lowered:
.L_overlay_start_2:
0x39: {  	(tag) =	ssettag $0x2  }
0x3a: {  	s0 =	rddreg [dreg:$0x0];
	s2 =	stileid.u32  }
0x3b: {  	s1 =	rddreg [dreg:$0x1];
	p0 =	sne.s32 s2, $0x0  }
0x3c: {  	s3 =	rddreg [dreg:$0x2];
	[bflag:$0x3] =	sbarrier.arrive $0xFFFF;
	s2 =	simm.s32 @!p0 $0x1C01  }
0x3d: {  	[timem:s3], [sflag:s2] =	dma.local @!p0 [hbm:s0], s1  }
0x3e: {  	s0 =	simm.s32 @!p0 $0x1  }
0x3f: {  	_ =	swait.ge @!p0 [sflag:s0], s1  }
0x40: {  	s1 =	ssub.s32 @!p0 $0x0, s1;
	[sflag:s0] =	ssyncset.done @!p0 $0x0  }
0x41: {  	[sflag:s0] =	ssyncadd.s32 @!p0 s1  }
0x42: {  	[bflag:$0x3] =	sbarrier.arrive $0xFFFF  }
0x43: {  	_ =	shalt  }

// kernel: kernel.13.cloned.1.call-start
scs
__scs_entry_jumppad:
0x0: {  	(pc) =	sbr.rel $0x88, $3  }
0x1: {  	(tag) =	ssettag $0x0;
	lr =	simm.s32 $0x1  }
0x2: {  	[smem:$0x3F9F] =	sst lr;
	_ =	strace $0xD0000000  }
0x3: {  	_ = 	snop  }
0x4: {  	_ = 	snop  }
0x5: {  	_ = 	snop  }
0x6: {  	_ = 	snop  }
0x7: {  	_ = 	snop  }
__scs_overlays_trampoline_lowered:
0x8: {  	[smem:$0x3FAE] =	sst s0  }
0x9: {  	[smem:$0x3FAF] =	sst s1  }
0xa: {  	[smem:$0x3FB0] =	sst s2  }
0xb: {  	[smem:$0x3FB1] =	sst s3  }
0xc: {  	[smem:$0x3FB2] =	sst s4  }
0xd: {  	[smem:$0x3FB3] =	sst s5  }
0xe: {  	[smem:$0x3FB4] =	sst s6  }
0xf: {  	[smem:$0x3FB5] =	sst s7  }
0x10: {  	[smem:$0x3FB6] =	sst s8  }
0x11: {  	[smem:$0x3FB7] =	sst s9;
	s0 =	simm.s32 @!p0 $0x0  }
0x12: {  	s1 =	sld [smem:$0x3F9D];
	s0 =	simm.s32 @p0 $0x1  }
0x13: {  	[smem:$0x3FB8] =	sst s0;
	s0 =	simm.s32 @!p1 $0x0  }
0x14: {  	s2 =	sld [smem:$0x3F9C];
	s0 =	simm.s32 @p1 $0x1  }
0x15: {  	[smem:$0x3FB9] =	sst s0;
	s0 =	simm.s32 @!p2 $0x0  }
0x16: {  	s3 =	sld [smem:$0x3FDB];
	s0 =	simm.s32 @p2 $0x1  }
0x17: {  	s4 =	simm.s32 $0x1BF5;
	[smem:$0x3FBB] =	sst s0  }
0x18: {  	s0 =	sld [smem:$0x3F9E];
	_ =	swait.ge [sflag:s4], $0x0  }
0x19: {  	s7 =	sld [smem:$0x3F9F]  }
0x1a: {  	s8 =	sadd.s32 $0xFFFFE003, lr  }
0x1b: {  	s9 =	sadd.s32 $0xFFFFFEF7, lr;
	s5 =	simm.s32 $0xFFFFFFFF;
	p2 =	slt.u32 s8, $0xFFFFF086  }
0x1c: {  	p1 =	slt.u32 s9, $0xF7A;
	s5 =	simm.s32 @!p2 $0x0  }
0x1d: {  	s5 =	simm.s32 @p1 $0x1;
	p0 =	seq.s32 s7, s2  }
0x1e: {  	s7 =	smul.u32 @!p0 $0xF7A, s2;
	p2 =	seq.s32 @!p0 s5, $0x0  }
0x1f: {  	s9 =	smul.u32 $0xF7A, s1;
	s8 =	simm.s32 @!p0 $0x1BF5;
	p2 =	por !p2, p0  }
0x20: {  	[sflag:s8] =	ssyncset.s32 @!p0 $0xFFFFF086;
	s6 =	sadd.s32 @!p0 s3, s7;
	s7 =	simm.s32 @!p0 $0x108  }
0x21: {  	s3 =	sadd.s32 s3, s9;
	s6 =	sadd.s32 @!p0 $0x88, s6;
	s7 =	simm.s32 @p2 $0x1082  }
0x22: {  	[simem:s7], [sflag:s8] =	dma.local @!p0 [hbm:s6], $0xF7A  }
0x23: {  	s9 =	sor.u32 $0xD0000000, s2;
	s6 =	simm.s32 $0x108;
	_ =	swait.ge @!p0 [sflag:s8], $0x0  }
0x24: {  	s3 =	sadd.s32 $0x88, s3;
	s6 =	simm.s32 @!p1 $0x1082;
	[sflag:s4] =	ssyncset.s32 $0xFFFFF086  }
0x25: {  	[simem:s6], [sflag:s4] =	dma.local [hbm:s3], $0xF7A  }
0x26: {  	[smem:$0x3F9F] =	sst s1;
	(tag) =	ssettag s2;
	_ =	strace s9  }
0x27: {  	s1 =	sld [smem:$0x3FAF]  }
0x28: {  	s2 =	sld [smem:$0x3FB0]  }
0x29: {  	s4 =	sld [smem:$0x3FB2]  }
0x2a: {  	p0 =	seq.s32 s5, $0x0;
	s5 =	sld [smem:$0x3FB3]  }
0x2b: {  	s6 =	sld [smem:$0x3FB4]  }
0x2c: {  	s7 =	sld [smem:$0x3FB5]  }
0x2d: {  	s3 =	simm.s32 $0x108;
	s8 =	sld [smem:$0x3FB6]  }
0x2e: {  	s3 =	simm.s32 @!p0 $0x1082;
	s9 =	sld [smem:$0x3FB7]  }
0x2f: {  	lr =	sadd.s32 s0, s3;
	s0 =	sld [smem:$0x3FAE]  }
0x30: {  	s3 =	sld [smem:$0x3FB1]  }
0x31: {  	[smem:$0x3FBA] =	sst s10  }
0x32: {  	s10 =	sld [smem:$0x3FB8];
	_ =	sdelay $0x3  }
0x33: {  	p0 =	seq.s32 s10, $0x1;
	s10 =	sld [smem:$0x3FBA];
	_ =	sdelay $0x3  }
0x34: {  	[smem:$0x3FBA] =	sst s10  }
0x35: {  	s10 =	sld [smem:$0x3FB9];
	_ =	sdelay $0x3  }
0x36: {  	p1 =	seq.s32 s10, $0x1;
	s10 =	sld [smem:$0x3FBA];
	_ =	sdelay $0x3  }
0x37: {  	[smem:$0x3FBA] =	sst s10  }
0x38: {  	s10 =	sld [smem:$0x3FBB]  }
0x39: {  	_ = 	snop;
	(pc) =	sbr.ind lr, $3  }
0x3a: {  	_ = 	snop  }
0x3b: {  	_ = 	snop  }
0x3c: {  	p2 =	seq.s32 s10, $0x1;
	s10 =	sld [smem:$0x3FBA]  }
0x3d: {  	_ =	shalt  }
0x3e: {  	_ =	shalt  }
0x3f: {  	_ =	shalt  }
0x40: {  	_ =	shalt  }
0x41: {  	_ =	shalt  }
0x42: {  	_ =	shalt  }
0x43: {  	_ =	shalt  }
0x44: {  	_ =	shalt  }
0x45: {  	_ =	shalt  }
0x46: {  	_ =	shalt  }
0x47: {  	_ =	shalt  }
0x48: {  	_ =	shalt  }
0x49: {  	_ =	shalt  }
0x4a: {  	_ =	shalt  }
0x4b: {  	_ =	shalt  }
0x4c: {  	_ =	shalt  }
0x4d: {  	_ =	shalt  }
0x4e: {  	_ =	shalt  }
0x4f: {  	_ =	shalt  }
0x50: {  	_ =	shalt  }
0x51: {  	_ =	shalt  }
0x52: {  	_ =	shalt  }
0x53: {  	_ =	shalt  }
0x54: {  	_ =	shalt  }
0x55: {  	_ =	shalt  }
0x56: {  	_ =	shalt  }
0x57: {  	_ =	shalt  }
0x58: {  	_ =	shalt  }
0x59: {  	_ =	shalt  }
0x5a: {  	_ =	shalt  }
0x5b: {  	_ =	shalt  }
0x5c: {  	_ =	shalt  }
0x5d: {  	_ =	shalt  }
0x5e: {  	_ =	shalt  }
0x5f: {  	_ =	shalt  }
0x60: {  	_ =	shalt  }
0x61: {  	_ =	shalt  }
0x62: {  	_ =	shalt  }
0x63: {  	_ =	shalt  }
0x64: {  	_ =	shalt  }
0x65: {  	_ =	shalt  }
0x66: {  	_ =	shalt  }
0x67: {  	_ =	shalt  }
0x68: {  	_ =	shalt  }
0x69: {  	_ =	shalt  }
0x6a: {  	_ =	shalt  }
0x6b: {  	_ =	shalt  }
0x6c: {  	_ =	shalt  }
0x6d: {  	_ =	shalt  }
0x6e: {  	_ =	shalt  }
0x6f: {  	_ =	shalt  }
0x70: {  	_ =	shalt  }
0x71: {  	_ =	shalt  }
0x72: {  	_ =	shalt  }
0x73: {  	_ =	shalt  }
0x74: {  	_ =	shalt  }
0x75: {  	_ =	shalt  }
0x76: {  	_ =	shalt  }
0x77: {  	_ =	shalt  }
0x78: {  	_ =	shalt  }
0x79: {  	_ =	shalt  }
0x7a: {  	_ =	shalt  }
0x7b: {  	_ =	shalt  }
0x7c: {  	_ =	shalt  }
0x7d: {  	_ =	shalt  }
0x7e: {  	_ =	shalt  }
0x7f: {  	_ =	shalt  }
0x80: {  	_ =	shalt  }
0x81: {  	_ =	shalt  }
0x82: {  	_ =	shalt  }
0x83: {  	_ =	shalt  }
0x84: {  	_ =	shalt  }
0x85: {  	_ =	shalt  }
0x86: {  	_ =	shalt  }
0x87: {  	_ =	shalt  }
.Lfunc_end0:
.L_simem_size_0:
called_computation.1_lowered:
.L_overlay_start_0:
0x88: {  	s2 =	sld [smem:$0x3FD9]  }
0x89: {  	s3 =	sld [smem:$0x3FFE];
	_ =	sdelay $0x1  }
0x8a: {  	s1 =	srdreg.scid  }
0x8b: {  	s0 =	sand.u32 $0x1, s1  }
0x8c: {  	s17 =	sshll.u32 s0, $0xA;
	s2 =	sadd.s32 s3, s2  }
0x8d: {  	s2 =	sadd.s32 s2, s17  }
0x8e: {  	[smem:$0x3FC6] =	sst s2  }
0x8f: {  	_ = 	snop  }
0x90: {  	s2 =	sld [smem:$0x3FD0];
	(tm) =	ssettm $0x1  }
0x91: {  	s18 =	sld [smem:$0x3FFB];
	_ =	sdelay $0x3  }
0x92: {  	_ =	strace s18  }
0x93: {  	s3 =	sld [smem:$0x3FFC];
	_ =	sdelay $0x3  }
0x94: {  	_ =	strace s3  }
0x95: {  	s3 =	sld [smem:$0x3FFD];
	_ =	sdelay $0x3  }
0x96: {  	_ =	strace s3  }
0x97: {  	_ =	strace $0x8FFFFFFF  }
0x98: {  	s19 =	sld [smem:$0x3FDB];
	_ =	sdelay $0x1  }
0x99: {  	s4 =	simm.s32 $_scs_section_size  }
0x9a: {  	s5 =	simm.s32 $_size__tile_overlayer_lowered;
	s6 =	simm.s32 $_tile_overlayer_lowered  }
0x9b: {  	s22 =	simm.s32 $0x1BFF;
	s21 =	sshll.u32 s6, $0x1;
	s3 =	sadd.s32 s4, s19  }
0x9c: {  	s7 =	simm.s32 $0x0;
	s20 =	sshll.u32 s5, $0x1;
	s5 =	sadd.s32 s21, s3  }
0x9d: {  	[timem:s7], [sflag:s22] =	dma.local [hbm:s5], s20  }
0x9e: {  	_ =	swait.ge [sflag:s22], s20  }
0x9f: {  	s4 =	ssub.s32 $0x0, s20;
	[sflag:s22] =	ssyncset.done $0x0  }
0xa0: {  	[sflag:s22] =	ssyncadd.s32 s4;
	_ =	sdelay $0x1  }
0xa1: {  	s23 =	simm.s32 $0x1B8B  }
0xa2: {  	_ =	swait.ge [sflag:s23], $0x1  }
0xa3: {  	[sflag:s23] =	ssyncset.done $0x0  }
0xa4: {  	s25 =	simm.s32 $0x1B8E;
	s24 =	sld [smem:$0x3FFE];
	[sflag:s23] =	ssyncadd.s32 $0xFFFFFFFF  }
0xa5: {  	s26 =	simm.s32 $execute0_lowered;
	[smem:$0x3FD2] =	sst s25  }
0xa6: {  	s5 =	sshll.u32 s26, $0x1;
	_ =	strace $0x80000049;
	[dreg:$0x1] =	wrdreg $0xFFFFFFFF  }
0xa7: {  	s28 =	simm.s32 $_size_execute0_lowered;
	s3 =	sadd.s32 s3, s5;
	[dreg:$0x0] =	wrdreg $0x0  }
0xa8: {  	s5 =	sshll.u32 s28, $0x1;
	[dreg:$0x2] =	wrdreg s3  }
0xa9: {  	[dreg:$0x3] =	wrdreg s5  }
0xaa: {  	[dreg:$0x4] =	wrdreg $0xC0  }
0xab: {  	_ =	task [dreg:s7], $0x5FFFF  }
0xac: {  	[dreg:$0x1] =	wrdreg $0xFFFFFFFF  }
0xad: {  	[dreg:$0x0] =	wrdreg $0x60  }
0xae: {  	[dreg:$0x2] =	wrdreg s2  }
0xaf: {  	[dreg:$0x3] =	wrdreg s24  }
0xb0: {  	[dreg:$0x4] =	wrdreg $0x88000  }
0xb1: {  	[dreg:$0x5] =	wrdreg $0x9  }
0xb2: {  	_ =	task.clear_ibuf [dreg:s7], $0x6FFFF;
	_ =	strace $0x90000049  }
0xb3: {  	s29 =	simm.s32 $0x9;
	_ =	strace $0x8000004B  }
0xb4: {  	_ =	swait.ge [sflag:s29], $0x1  }
0xb5: {  	[sflag:s29] =	ssyncadd.s32 $0xFFFFFFFF  }
0xb6: {  	_ =	strace $0x9000004B  }
0xb7: {  	_ =	sfence  }
0xb8: {  	s30 =	sld [smem:$0x0];
	_ =	sdelay $0x2  }
0xb9: {  	s31 =	sshll.u32 s1, $0xD;
	s1 =	sshrl.u32 s1, $0x2  }
0xba: {  	s3 =	sand.u32 $0x4000, s31;
	s1 =	sadd.s32 s1, s30  }
0xbb: {  	s0 =	sor.u32 s3, s0;
	s1 =	sshll.u32 s1, $0x11  }
0xbc: {  	s0 =	sor.u32 s1, s0  }
0xbd: {  	s0 =	sadd.s32 $0x8F2B, s0  }
0xbe: {  	[sflag:s0] =	ssyncadd.remote.s32 $0x1  }
0xbf: {  	_ =	sfence.sel $0xFFFF  }
0xc0: {  	[dreg:$0x0] =	wrdreg $0xFFFFFFFF;
	(pc) =	sbr.abs _section_cstart, $3  }
0xc1: {  	[dreg:$0x1] =	wrdreg $0xFFFFFFFF  }
0xc2: {  	_ =	task.clear_ibuf [dreg:s7], $0x2FFFF;
	_ =	strace $0x9FFFFFFF  }
0xc3: {  	(tm) =	ssettm $0x7FFFFFFF  }
tec
execute0_lowered:
.L_overlay_start_1:
0x0: {  	(tag) =	ssettag $0x1  }
0x1: {  	s1 =	rddreg [dreg:$0x0]  }
0x2: {  	s7 =	rddreg [dreg:$0x1]  }
0x3: {  	s2 =	rddreg [dreg:$0x2]  }
0x4: {  	s3 =	srdreg.scid;
	s0 =	rddreg [dreg:$0x3]  }
0x5: {  	s4 =	simm.s32 $0x0;
	s15 =	simm.s32 $0x50;
	s16 =	simm.s32 $0x3800  }
0x6: {  	s17 =	simm.s32 $0x6000;
	s18 =	simm.s32 $0x1;
	s19 =	simm.s32 $0x2  }
0x7: {  	s20 =	simm.s32 $0x1880;
	s21 =	simm.s32 $0x3400;
	s8 =	sand.u32 $0x1, s3  }
0x8: {  	s22 =	simm.s32 $0x3480;
	s3 =	stileid.u32;
	s6 =	smul.u32 $0x140000, s8  }
0x9: {  	[smem:$0x7FF] =	sst s4;
	s12 =	sadd.s32 $0x24200, s7;
	s9 =	smul.u32 $0x14000, s3  }
0xa: {  	s5 =	sadd.s32 $0x12A00, s7;
	_ =	strace $0x8000004A;
	s10 =	smul.u32 $0x50000, s3  }
0xb: {  	s11 =	ssub.s32 $0x2, s8;
	s31 =	sshll.u32 s3, $0x6;
	p0 =	seq.s32 s8, $0x1  }
0xc: {  	s8 =	smul.u32 $0x8C00, s3;
	s29 =	sshrl.u32 s11, $0x1;
	s9 =	sadd.s32 s9, s6  }
0xd: {  	s6 =	sadd.s32 $0x1E00, s7;
	s30 =	sshrl.u32 s10, $0x2;
	s11 =	ssub.s32 s11, s29  }
0xe: {  	s9 =	sshrl.u32 s9, $0x3;
	s14 =	sadd.s32 s30, s2;
	s11 =	smax.u32 s11, $0x1  }
0xf: {  	s13 =	sadd.s32 s9, s7;
	s7 =	sor.u32 $0x1C03, s31;
	s9 =	smov.u32 s12  }
0x10: {  	s10 =	sadd.s32 $0x35A00, s13;
	s9 =	smov.u32 @p0 s5;
	s5 =	smov.u32 @p0 s12  }
0x11: {  	s12 =	sshrl.u32 s14, $0x3;
	s13 =	simm.s32 $0x3;
	s14 =	simm.s32 $0x1C00  }
.LBB2_1:
0x12: {  	[spmem:s12], [sflag:s7] =	dma.local [hbm:s6], $0x2800  }
0x13: {  	_ =	swait.ge [sflag:s13], $0x2800  }
0x14: {  	[sflag:s13] =	ssyncset.done $0x0  }
0x15: {  	[sflag:s13] =	ssyncadd.s32 $0xFFFFD800  }
0x16: {  	s23 =	simm.s32 $0x0;
	[bflag:$0x0] =	sbarrier.arrive $0xFFFF  }
.LBB2_2:
0x17: {  	s24 =	smul.u32 $0x1C00, s23;
	_ =	sdelay $0x1  }
0x18: {  	s24 =	sadd.s32 s8, s24  }
0x19: {  	s24 =	sshrl.u32 s24, $0x3  }
0x1a: {  	s26 =	simm.s32 $0x0;
	s25 =	sadd.s32 s9, s24  }
0x1b: {  	[tilespmem:s26], [sflag:$0x3] =	stream.linear.gather [hbm4b:s25+s26], $0x1900, $0x38;
	[tilespmem:$0x1C800] =	vst v63  }
0x1c: {  	_ =	swait.ge [sflag:s13], $0x1900  }
0x1d: {  	[sflag:s13] =	ssyncset.done $0x0  }
0x1e: {  	s24 =	sadd.s32 s5, s24;
	[sflag:s13] =	ssyncadd.s32 $0xFFFFE700  }
0x1f: {  	[tilespmem:s14], [sflag:$0x3] =	stream.linear.gather [hbm4b:s24+s26], $0x1900, $0x38;
	[tilespmem:$0x1C800] =	vst v63  }
0x20: {  	_ =	swait.ge [sflag:s13], $0x1900  }
0x21: {  	[sflag:s13] =	ssyncset.done $0x0  }
0x22: {  	[sflag:s13] =	ssyncadd.s32 $0xFFFFE700  }
0x23: {  	[tilespmem:s16], [sflag:$0x1] =	stream.indirect.gather [hbm4b:s1+s15], $0x80, s26, s15, $0xb8;
	[tilespmem:$0x1C800] =	vst v63  }
0x24: {  	s28 =	simm.s32 $0x80  }
0x25: {  	[tilespmem:s17], [sflag:$0x2] =	stream.indirect.gather [hbm4b:s1+s15], $0x80, s28, s15, $0xb8;
	[tilespmem:$0x1C800] =	vst v63  }
0x26: {  	_ =	swait.ge [sflag:s18], $0x2800  }
0x27: {  	[sflag:s18] =	ssyncset.done $0x0  }
0x28: {  	s29 =	simm.s32 $0x1C00;
	[sflag:s18] =	ssyncadd.s32 $0xFFFFD800  }
0x29: {  	[spmem:s2] =	stream.indirect.scatter.add.f32 [tilespmem:s16], [sflag:$0x3], $0x80, s29, s15, $0xb8;
	[tilespmem:$0x1C800] =	vst v63  }
0x2a: {  	_ =	swait.ge [sflag:s13], $0x2800  }
0x2b: {  	[sflag:s13] =	ssyncset.done $0x0  }
0x2c: {  	s30 =	simm.s32 $0x100;
	[sflag:s13] =	ssyncadd.s32 $0xFFFFD800  }
0x2d: {  	[tilespmem:s16], [sflag:$0x1] =	stream.indirect.gather [hbm4b:s1+s15], $0x80, s30, s15, $0xb8;
	[tilespmem:$0x1C800] =	vst v63  }
0x2e: {  	_ =	swait.ge [sflag:s19], $0x2800  }
0x2f: {  	[sflag:s19] =	ssyncset.done $0x0  }
0x30: {  	s31 =	simm.s32 $0x1C80;
	[sflag:s19] =	ssyncadd.s32 $0xFFFFD800  }
0x31: {  	[spmem:s2] =	stream.indirect.scatter.add.f32 [tilespmem:s17], [sflag:$0x3], $0x80, s31, s15, $0xb8;
	[tilespmem:$0x1C800] =	vst v63  }
0x32: {  	_ =	swait.ge [sflag:s13], $0x2800  }
0x33: {  	s25 =	simm.s32 $0x800;
	s24 =	simm.s32 $0x100;
	[sflag:s13] =	ssyncset.done $0x0  }
.LBB2_3:
0x34: {  	s26 =	sadd.s32 $0x80, s24  }
0x35: {  	[sflag:s13] =	ssyncadd.s32 $0xFFFFD800;
	s28 =	smov.u32 s25;
	s29 =	sadd.s32 $0x400, s25  }
0x36: {  	[tilespmem:s17], [sflag:$0x2] =	stream.indirect.gather [hbm4b:s1+s15], $0x80, s26, s15, $0xb8;
	[tilespmem:$0x1C800] =	vst v63  }
0x37: {  	p0 =	sne.s32 s25, $0x5C00;
	_ =	swait.ge [sflag:s18], $0x2800  }
0x38: {  	[sflag:s18] =	ssyncset.done $0x0  }
0x39: {  	s25 =	sadd.s32 $0x1C00, s24;
	[sflag:s18] =	ssyncadd.s32 $0xFFFFD800  }
0x3a: {  	[spmem:s2] =	stream.indirect.scatter.add.f32 [tilespmem:s16], [sflag:$0x3], $0x80, s25, s15, $0xb8;
	[tilespmem:$0x1C800] =	vst v63  }
0x3b: {  	_ =	swait.ge [sflag:s13], $0x2800  }
0x3c: {  	[sflag:s13] =	ssyncset.done $0x0  }
0x3d: {  	s25 =	sadd.s32 $0x100, s24;
	[sflag:s13] =	ssyncadd.s32 $0xFFFFD800  }
0x3e: {  	[tilespmem:s16], [sflag:$0x1] =	stream.indirect.gather [hbm4b:s1+s15], $0x80, s25, s15, $0xb8;
	[tilespmem:$0x1C800] =	vst v63  }
0x3f: {  	_ =	swait.ge [sflag:s19], $0x2800  }
.Ltmp0:
0x40: {  	[sflag:s19] =	ssyncset.done $0x0;
	(pc) =	sbr.rel @p0 .LBB2_3-.Ltmp0, $4  }
0x41: {  	s24 =	sadd.s32 $0x1C80, s24;
	[sflag:s19] =	ssyncadd.s32 $0xFFFFD800  }
0x42: {  	[spmem:s2] =	stream.indirect.scatter.add.f32 [tilespmem:s17], [sflag:$0x3], $0x80, s24, s15, $0xb8;
	[tilespmem:$0x1C800] =	vst v63  }
0x43: {  	_ =	swait.ge [sflag:s13], $0x2800  }
0x44: {  	s25 =	smov.u32 s29;
	s24 =	sshra.s32 s28, $0x2;
	[sflag:s13] =	ssyncset.done $0x0  }
0x45: {  	s25 =	sadd.s32 $0x80, s24;
	[sflag:s13] =	ssyncadd.s32 $0xFFFFD800  }
0x46: {  	[tilespmem:s17], [sflag:$0x2] =	stream.indirect.gather [hbm4b:s1+s15], $0x80, s25, s15, $0xb8;
	[tilespmem:$0x1C800] =	vst v63  }
0x47: {  	_ =	swait.ge [sflag:s18], $0x2800  }
0x48: {  	[sflag:s18] =	ssyncset.done $0x0  }
0x49: {  	s29 =	sadd.s32 $0x1C00, s24;
	[sflag:s18] =	ssyncadd.s32 $0xFFFFD800  }
0x4a: {  	[spmem:s2] =	stream.indirect.scatter.add.f32 [tilespmem:s16], [sflag:$0x3], $0x80, s29, s15, $0xb8;
	[tilespmem:$0x1C800] =	vst v63  }
0x4b: {  	_ =	swait.ge [sflag:s13], $0x2800  }
0x4c: {  	[sflag:s13] =	ssyncset.done $0x0  }
0x4d: {  	s30 =	sadd.s32 $0x100, s24;
	[sflag:s13] =	ssyncadd.s32 $0xFFFFD800  }
0x4e: {  	[tilespmem:s16], [sflag:$0x1] =	stream.indirect.gather [hbm4b:s1+s15], $0x80, s30, s15, $0xb8;
	[tilespmem:$0x1C800] =	vst v63  }
0x4f: {  	_ =	swait.ge [sflag:s19], $0x2800  }
0x50: {  	[sflag:s19] =	ssyncset.done $0x0  }
0x51: {  	s31 =	sadd.s32 $0x1C80, s24;
	[sflag:s19] =	ssyncadd.s32 $0xFFFFD800  }
0x52: {  	[spmem:s2] =	stream.indirect.scatter.add.f32 [tilespmem:s17], [sflag:$0x3], $0x80, s31, s15, $0xb8;
	[tilespmem:$0x1C800] =	vst v63  }
0x53: {  	_ =	swait.ge [sflag:s13], $0x2800  }
0x54: {  	[sflag:s13] =	ssyncset.done $0x0  }
0x55: {  	[sflag:s13] =	ssyncadd.s32 $0xFFFFD800  }
0x56: {  	[tilespmem:s17], [sflag:$0x2] =	stream.indirect.gather [hbm4b:s1+s15], $0x80, s20, s15, $0xb8;
	[tilespmem:$0x1C800] =	vst v63  }
0x57: {  	_ =	swait.ge [sflag:s18], $0x2800  }
0x58: {  	[sflag:s18] =	ssyncset.done $0x0  }
0x59: {  	[sflag:s18] =	ssyncadd.s32 $0xFFFFD800  }
0x5a: {  	[spmem:s2] =	stream.indirect.scatter.add.f32 [tilespmem:s16], [sflag:$0x3], $0x80, s21, s15, $0xb8;
	[tilespmem:$0x1C800] =	vst v63  }
0x5b: {  	_ =	swait.ge [sflag:s13], $0x2800  }
0x5c: {  	[sflag:s13] =	ssyncset.done $0x0  }
0x5d: {  	[sflag:s13] =	ssyncadd.s32 $0xFFFFD800  }
0x5e: {  	s23 =	sadd.s32 $0x1, s23;
	_ =	swait.ge [sflag:s19], $0x2800  }
0x5f: {  	p0 =	sne.s32 s23, $0x5;
	[sflag:s19] =	ssyncset.done $0x0  }
.Ltmp1:
0x60: {  	[sflag:s19] =	ssyncadd.s32 $0xFFFFD800;
	(pc) =	sbr.rel @p0 .LBB2_2-.Ltmp1, $4  }
0x61: {  	[spmem:s2] =	stream.indirect.scatter.add.f32 [tilespmem:s17], [sflag:$0x3], $0x80, s22, s15, $0xb8;
	[tilespmem:$0x1C800] =	vst v63  }
0x62: {  	_ =	swait.ge [sflag:s13], $0x2800  }
0x63: {  	[sflag:s13] =	ssyncset.done $0x0  }
0x64: {  	[sflag:s13] =	ssyncadd.s32 $0xFFFFD800  }
0x65: {  	s4 =	sadd.s32 $0x1, s4  }
0x66: {  	p0 =	sne.s32 s4, s11  }
.Ltmp2:
0x67: {  	[bflag:$0x0] =	sbarrier.arrive $0xFFFF;
	(pc) =	sbr.rel @p0 .LBB2_1-.Ltmp2, $4  }
0x68: {  	[hbm:s10], [sflag:s7] =	dma.local [spmem:s12], $0x2800  }
0x69: {  	_ =	swait.ge [sflag:s13], $0x2800  }
0x6a: {  	[sflag:s13] =	ssyncset.done $0x0  }
0x6b: {  	[sflag:s13] =	ssyncadd.s32 $0xFFFFD800  }
0x6c: {  	_ =	sfence.sel $0x180000  }
0x6d: {  	[bflag:$0x0] =	sbarrier.arrive $0xFFFF  }
0x6e: {  	p0 =	sne.s32 s3, $0x0;
	_ =	strace $0x9000004A  }
0x6f: {  	s0 =	sadd.s32 @!p0 $0x100000, s0;
	[bflag:$0x2] =	sbarrier.arrive $0xFFFF  }
0x70: {  	[sflag:s0] =	ssyncadd.tile.s32 @!p0 $0x1;
	_ =	shalt  }
.Lfunc_end2:
_tile_overlayer_lowered:
.L_overlay_start_2:
0x71: {  	(tag) =	ssettag $0x2  }
0x72: {  	s0 =	rddreg [dreg:$0x0];
	s2 =	stileid.u32  }
0x73: {  	s1 =	rddreg [dreg:$0x1];
	p0 =	sne.s32 s2, $0x0  }
0x74: {  	s3 =	rddreg [dreg:$0x2];
	[bflag:$0x3] =	sbarrier.arrive $0xFFFF;
	s2 =	simm.s32 @!p0 $0x1C03  }
0x75: {  	[timem:s3], [sflag:s2] =	dma.local @!p0 [hbm:s0], s1  }
0x76: {  	s0 =	simm.s32 @!p0 $0x3  }
0x77: {  	_ =	swait.ge @!p0 [sflag:s0], s1  }
0x78: {  	s1 =	ssub.s32 @!p0 $0x0, s1;
	[sflag:s0] =	ssyncset.done @!p0 $0x0  }
0x79: {  	[sflag:s0] =	ssyncadd.s32 @!p0 s1  }
0x7a: {  	[bflag:$0x3] =	sbarrier.arrive $0xFFFF  }
0x7b: {  	_ =	shalt  }

// kernel: kernel.16.cloned.1.call-start
scs
__scs_entry_jumppad:
0x0: {  	(pc) =	sbr.rel $0x88, $3  }
0x1: {  	(tag) =	ssettag $0x0;
	lr =	simm.s32 $0x1  }
0x2: {  	[smem:$0x3F9F] =	sst lr;
	_ =	strace $0xD0000000  }
0x3: {  	_ = 	snop  }
0x4: {  	_ = 	snop  }
0x5: {  	_ = 	snop  }
0x6: {  	_ = 	snop  }
0x7: {  	_ = 	snop  }
__scs_overlays_trampoline_lowered:
0x8: {  	[smem:$0x3FAE] =	sst s0  }
0x9: {  	[smem:$0x3FAF] =	sst s1  }
0xa: {  	[smem:$0x3FB0] =	sst s2  }
0xb: {  	[smem:$0x3FB1] =	sst s3  }
0xc: {  	[smem:$0x3FB2] =	sst s4  }
0xd: {  	[smem:$0x3FB3] =	sst s5  }
0xe: {  	[smem:$0x3FB4] =	sst s6  }
0xf: {  	[smem:$0x3FB5] =	sst s7  }
0x10: {  	[smem:$0x3FB6] =	sst s8  }
0x11: {  	[smem:$0x3FB7] =	sst s9;
	s0 =	simm.s32 @!p0 $0x0  }
0x12: {  	s1 =	sld [smem:$0x3F9D];
	s0 =	simm.s32 @p0 $0x1  }
0x13: {  	[smem:$0x3FB8] =	sst s0;
	s0 =	simm.s32 @!p1 $0x0  }
0x14: {  	s2 =	sld [smem:$0x3F9C];
	s0 =	simm.s32 @p1 $0x1  }
0x15: {  	[smem:$0x3FB9] =	sst s0;
	s0 =	simm.s32 @!p2 $0x0  }
0x16: {  	s3 =	sld [smem:$0x3FDB];
	s0 =	simm.s32 @p2 $0x1  }
0x17: {  	s4 =	simm.s32 $0x1BF5;
	[smem:$0x3FBB] =	sst s0  }
0x18: {  	s0 =	sld [smem:$0x3F9E];
	_ =	swait.ge [sflag:s4], $0x0  }
0x19: {  	s7 =	sld [smem:$0x3F9F]  }
0x1a: {  	s8 =	sadd.s32 $0xFFFFE003, lr  }
0x1b: {  	s9 =	sadd.s32 $0xFFFFFEF7, lr;
	s5 =	simm.s32 $0xFFFFFFFF;
	p2 =	slt.u32 s8, $0xFFFFF086  }
0x1c: {  	p1 =	slt.u32 s9, $0xF7A;
	s5 =	simm.s32 @!p2 $0x0  }
0x1d: {  	s5 =	simm.s32 @p1 $0x1;
	p0 =	seq.s32 s7, s2  }
0x1e: {  	s7 =	smul.u32 @!p0 $0xF7A, s2;
	p2 =	seq.s32 @!p0 s5, $0x0  }
0x1f: {  	s9 =	smul.u32 $0xF7A, s1;
	s8 =	simm.s32 @!p0 $0x1BF5;
	p2 =	por !p2, p0  }
0x20: {  	[sflag:s8] =	ssyncset.s32 @!p0 $0xFFFFF086;
	s6 =	sadd.s32 @!p0 s3, s7;
	s7 =	simm.s32 @!p0 $0x108  }
0x21: {  	s3 =	sadd.s32 s3, s9;
	s6 =	sadd.s32 @!p0 $0x88, s6;
	s7 =	simm.s32 @p2 $0x1082  }
0x22: {  	[simem:s7], [sflag:s8] =	dma.local @!p0 [hbm:s6], $0xF7A  }
0x23: {  	s9 =	sor.u32 $0xD0000000, s2;
	s6 =	simm.s32 $0x108;
	_ =	swait.ge @!p0 [sflag:s8], $0x0  }
0x24: {  	s3 =	sadd.s32 $0x88, s3;
	s6 =	simm.s32 @!p1 $0x1082;
	[sflag:s4] =	ssyncset.s32 $0xFFFFF086  }
0x25: {  	[simem:s6], [sflag:s4] =	dma.local [hbm:s3], $0xF7A  }
0x26: {  	[smem:$0x3F9F] =	sst s1;
	(tag) =	ssettag s2;
	_ =	strace s9  }
0x27: {  	s1 =	sld [smem:$0x3FAF]  }
0x28: {  	s2 =	sld [smem:$0x3FB0]  }
0x29: {  	s4 =	sld [smem:$0x3FB2]  }
0x2a: {  	p0 =	seq.s32 s5, $0x0;
	s5 =	sld [smem:$0x3FB3]  }
0x2b: {  	s6 =	sld [smem:$0x3FB4]  }
0x2c: {  	s7 =	sld [smem:$0x3FB5]  }
0x2d: {  	s3 =	simm.s32 $0x108;
	s8 =	sld [smem:$0x3FB6]  }
0x2e: {  	s3 =	simm.s32 @!p0 $0x1082;
	s9 =	sld [smem:$0x3FB7]  }
0x2f: {  	lr =	sadd.s32 s0, s3;
	s0 =	sld [smem:$0x3FAE]  }
0x30: {  	s3 =	sld [smem:$0x3FB1]  }
0x31: {  	[smem:$0x3FBA] =	sst s10  }
0x32: {  	s10 =	sld [smem:$0x3FB8];
	_ =	sdelay $0x3  }
0x33: {  	p0 =	seq.s32 s10, $0x1;
	s10 =	sld [smem:$0x3FBA];
	_ =	sdelay $0x3  }
0x34: {  	[smem:$0x3FBA] =	sst s10  }
0x35: {  	s10 =	sld [smem:$0x3FB9];
	_ =	sdelay $0x3  }
0x36: {  	p1 =	seq.s32 s10, $0x1;
	s10 =	sld [smem:$0x3FBA];
	_ =	sdelay $0x3  }
0x37: {  	[smem:$0x3FBA] =	sst s10  }
0x38: {  	s10 =	sld [smem:$0x3FBB]  }
0x39: {  	_ = 	snop;
	(pc) =	sbr.ind lr, $3  }
0x3a: {  	_ = 	snop  }
0x3b: {  	_ = 	snop  }
0x3c: {  	p2 =	seq.s32 s10, $0x1;
	s10 =	sld [smem:$0x3FBA]  }
0x3d: {  	_ =	shalt  }
0x3e: {  	_ =	shalt  }
0x3f: {  	_ =	shalt  }
0x40: {  	_ =	shalt  }
0x41: {  	_ =	shalt  }
0x42: {  	_ =	shalt  }
0x43: {  	_ =	shalt  }
0x44: {  	_ =	shalt  }
0x45: {  	_ =	shalt  }
0x46: {  	_ =	shalt  }
0x47: {  	_ =	shalt  }
0x48: {  	_ =	shalt  }
0x49: {  	_ =	shalt  }
0x4a: {  	_ =	shalt  }
0x4b: {  	_ =	shalt  }
0x4c: {  	_ =	shalt  }
0x4d: {  	_ =	shalt  }
0x4e: {  	_ =	shalt  }
0x4f: {  	_ =	shalt  }
0x50: {  	_ =	shalt  }
0x51: {  	_ =	shalt  }
0x52: {  	_ =	shalt  }
0x53: {  	_ =	shalt  }
0x54: {  	_ =	shalt  }
0x55: {  	_ =	shalt  }
0x56: {  	_ =	shalt  }
0x57: {  	_ =	shalt  }
0x58: {  	_ =	shalt  }
0x59: {  	_ =	shalt  }
0x5a: {  	_ =	shalt  }
0x5b: {  	_ =	shalt  }
0x5c: {  	_ =	shalt  }
0x5d: {  	_ =	shalt  }
0x5e: {  	_ =	shalt  }
0x5f: {  	_ =	shalt  }
0x60: {  	_ =	shalt  }
0x61: {  	_ =	shalt  }
0x62: {  	_ =	shalt  }
0x63: {  	_ =	shalt  }
0x64: {  	_ =	shalt  }
0x65: {  	_ =	shalt  }
0x66: {  	_ =	shalt  }
0x67: {  	_ =	shalt  }
0x68: {  	_ =	shalt  }
0x69: {  	_ =	shalt  }
0x6a: {  	_ =	shalt  }
0x6b: {  	_ =	shalt  }
0x6c: {  	_ =	shalt  }
0x6d: {  	_ =	shalt  }
0x6e: {  	_ =	shalt  }
0x6f: {  	_ =	shalt  }
0x70: {  	_ =	shalt  }
0x71: {  	_ =	shalt  }
0x72: {  	_ =	shalt  }
0x73: {  	_ =	shalt  }
0x74: {  	_ =	shalt  }
0x75: {  	_ =	shalt  }
0x76: {  	_ =	shalt  }
0x77: {  	_ =	shalt  }
0x78: {  	_ =	shalt  }
0x79: {  	_ =	shalt  }
0x7a: {  	_ =	shalt  }
0x7b: {  	_ =	shalt  }
0x7c: {  	_ =	shalt  }
0x7d: {  	_ =	shalt  }
0x7e: {  	_ =	shalt  }
0x7f: {  	_ =	shalt  }
0x80: {  	_ =	shalt  }
0x81: {  	_ =	shalt  }
0x82: {  	_ =	shalt  }
0x83: {  	_ =	shalt  }
0x84: {  	_ =	shalt  }
0x85: {  	_ =	shalt  }
0x86: {  	_ =	shalt  }
0x87: {  	_ =	shalt  }
.Lfunc_end0:
.L_simem_size_0:
called_computation.2_lowered:
.L_overlay_start_0:
0x88: {  	s2 =	sld [smem:$0x3FD9]  }
0x89: {  	s3 =	sld [smem:$0x3FFE];
	_ =	sdelay $0x1  }
0x8a: {  	s1 =	srdreg.scid  }
0x8b: {  	s0 =	sand.u32 $0x1, s1  }
0x8c: {  	s17 =	sshll.u32 s0, $0xA;
	s2 =	sadd.s32 s3, s2  }
0x8d: {  	s2 =	sadd.s32 s2, s17  }
0x8e: {  	[smem:$0x3FC6] =	sst s2  }
0x8f: {  	_ = 	snop  }
0x90: {  	s2 =	sld [smem:$0x3FD0];
	(tm) =	ssettm $0x1  }
0x91: {  	s18 =	sld [smem:$0x3FFB];
	_ =	sdelay $0x3  }
0x92: {  	_ =	strace s18  }
0x93: {  	s3 =	sld [smem:$0x3FFC];
	_ =	sdelay $0x3  }
0x94: {  	_ =	strace s3  }
0x95: {  	s3 =	sld [smem:$0x3FFD];
	_ =	sdelay $0x3  }
0x96: {  	_ =	strace s3  }
0x97: {  	_ =	strace $0x8FFFFFFF  }
0x98: {  	s19 =	sld [smem:$0x3FDB];
	_ =	sdelay $0x1  }
0x99: {  	s4 =	simm.s32 $_scs_section_size  }
0x9a: {  	s5 =	simm.s32 $_size__tile_overlayer_lowered;
	s6 =	simm.s32 $_tile_overlayer_lowered  }
0x9b: {  	s22 =	simm.s32 $0x1BFF;
	s21 =	sshll.u32 s6, $0x1;
	s3 =	sadd.s32 s4, s19  }
0x9c: {  	s7 =	simm.s32 $0x0;
	s20 =	sshll.u32 s5, $0x1;
	s5 =	sadd.s32 s21, s3  }
0x9d: {  	[timem:s7], [sflag:s22] =	dma.local [hbm:s5], s20  }
0x9e: {  	_ =	swait.ge [sflag:s22], s20  }
0x9f: {  	s4 =	ssub.s32 $0x0, s20;
	[sflag:s22] =	ssyncset.done $0x0  }
0xa0: {  	[sflag:s22] =	ssyncadd.s32 s4;
	_ =	sdelay $0x1  }
0xa1: {  	s23 =	simm.s32 $0x1B8B  }
0xa2: {  	_ =	swait.ge [sflag:s23], $0x1  }
0xa3: {  	[sflag:s23] =	ssyncset.done $0x0  }
0xa4: {  	s25 =	simm.s32 $0x1B8E;
	s24 =	sld [smem:$0x3FFE];
	[sflag:s23] =	ssyncadd.s32 $0xFFFFFFFF  }
0xa5: {  	s26 =	simm.s32 $execute0_lowered;
	[smem:$0x3FD2] =	sst s25  }
0xa6: {  	s5 =	sshll.u32 s26, $0x1;
	_ =	strace $0x8000004C;
	[dreg:$0x1] =	wrdreg $0xFFFFFFFF  }
0xa7: {  	s28 =	simm.s32 $_size_execute0_lowered;
	s3 =	sadd.s32 s3, s5;
	[dreg:$0x0] =	wrdreg $0x0  }
0xa8: {  	s5 =	sshll.u32 s28, $0x1;
	[dreg:$0x2] =	wrdreg s3  }
0xa9: {  	[dreg:$0x3] =	wrdreg s5  }
0xaa: {  	[dreg:$0x4] =	wrdreg $0xC0  }
0xab: {  	_ =	task [dreg:s7], $0x5FFFF  }
0xac: {  	[dreg:$0x1] =	wrdreg $0xFFFFFFFF  }
0xad: {  	[dreg:$0x0] =	wrdreg $0x60  }
0xae: {  	[dreg:$0x2] =	wrdreg s2  }
0xaf: {  	[dreg:$0x3] =	wrdreg s24  }
0xb0: {  	[dreg:$0x4] =	wrdreg $0x88000  }
0xb1: {  	[dreg:$0x5] =	wrdreg $0x9  }
0xb2: {  	_ =	task.clear_ibuf [dreg:s7], $0x6FFFF;
	_ =	strace $0x9000004C  }
0xb3: {  	s29 =	simm.s32 $0x9;
	_ =	strace $0x8000004E  }
0xb4: {  	_ =	swait.ge [sflag:s29], $0x1  }
0xb5: {  	[sflag:s29] =	ssyncadd.s32 $0xFFFFFFFF  }
0xb6: {  	_ =	strace $0x9000004E  }
0xb7: {  	_ =	sfence  }
0xb8: {  	s30 =	sld [smem:$0x0];
	_ =	sdelay $0x2  }
0xb9: {  	s31 =	sshll.u32 s1, $0xD;
	s1 =	sshrl.u32 s1, $0x2  }
0xba: {  	s3 =	sand.u32 $0x4000, s31;
	s1 =	sadd.s32 s1, s30  }
0xbb: {  	s0 =	sor.u32 s3, s0;
	s1 =	sshll.u32 s1, $0x11  }
0xbc: {  	s0 =	sor.u32 s1, s0  }
0xbd: {  	s0 =	sadd.s32 $0x8F2B, s0  }
0xbe: {  	[sflag:s0] =	ssyncadd.remote.s32 $0x1  }
0xbf: {  	_ =	sfence.sel $0xFFFF  }
0xc0: {  	[dreg:$0x0] =	wrdreg $0xFFFFFFFF;
	(pc) =	sbr.abs _section_cstart, $3  }
0xc1: {  	[dreg:$0x1] =	wrdreg $0xFFFFFFFF  }
0xc2: {  	_ =	task.clear_ibuf [dreg:s7], $0x2FFFF;
	_ =	strace $0x9FFFFFFF  }
0xc3: {  	(tm) =	ssettm $0x7FFFFFFF  }
tec
execute0_lowered:
.L_overlay_start_1:
0x0: {  	(tag) =	ssettag $0x1  }
0x1: {  	s1 =	rddreg [dreg:$0x0]  }
0x2: {  	s7 =	rddreg [dreg:$0x1]  }
0x3: {  	s2 =	rddreg [dreg:$0x2]  }
0x4: {  	s3 =	srdreg.scid;
	s0 =	rddreg [dreg:$0x3]  }
0x5: {  	s4 =	simm.s32 $0x0;
	s15 =	simm.s32 $0x50;
	s16 =	simm.s32 $0x3800  }
0x6: {  	s17 =	simm.s32 $0x6000;
	s18 =	simm.s32 $0x1;
	s19 =	simm.s32 $0x2  }
0x7: {  	s20 =	simm.s32 $0x1880;
	s21 =	simm.s32 $0x3400;
	s8 =	sand.u32 $0x1, s3  }
0x8: {  	s22 =	simm.s32 $0x3480;
	s3 =	stileid.u32;
	s6 =	smul.u32 $0x140000, s8  }
0x9: {  	[smem:$0x7FF] =	sst s4;
	s12 =	sadd.s32 $0x24200, s7;
	s9 =	smul.u32 $0x14000, s3  }
0xa: {  	s5 =	sadd.s32 $0x12A00, s7;
	_ =	strace $0x8000004D;
	s10 =	smul.u32 $0x50000, s3  }
0xb: {  	s11 =	ssub.s32 $0x2, s8;
	s31 =	sshll.u32 s3, $0x6;
	p0 =	seq.s32 s8, $0x1  }
0xc: {  	s8 =	smul.u32 $0x8C00, s3;
	s29 =	sshrl.u32 s11, $0x1;
	s9 =	sadd.s32 s9, s6  }
0xd: {  	s6 =	sadd.s32 $0x1E00, s7;
	s30 =	sshrl.u32 s10, $0x2;
	s11 =	ssub.s32 s11, s29  }
0xe: {  	s9 =	sshrl.u32 s9, $0x3;
	s14 =	sadd.s32 s30, s2;
	s11 =	smax.u32 s11, $0x1  }
0xf: {  	s13 =	sadd.s32 s9, s7;
	s7 =	sor.u32 $0x1C03, s31;
	s9 =	smov.u32 s12  }
0x10: {  	s10 =	sadd.s32 $0x35A00, s13;
	s9 =	smov.u32 @p0 s5;
	s5 =	smov.u32 @p0 s12  }
0x11: {  	s12 =	sshrl.u32 s14, $0x3;
	s13 =	simm.s32 $0x3;
	s14 =	simm.s32 $0x1C00  }
.LBB2_1:
0x12: {  	[spmem:s12], [sflag:s7] =	dma.local [hbm:s6], $0x2800  }
0x13: {  	_ =	swait.ge [sflag:s13], $0x2800  }
0x14: {  	[sflag:s13] =	ssyncset.done $0x0  }
0x15: {  	[sflag:s13] =	ssyncadd.s32 $0xFFFFD800  }
0x16: {  	s23 =	simm.s32 $0x0;
	[bflag:$0x0] =	sbarrier.arrive $0xFFFF  }
.LBB2_2:
0x17: {  	s24 =	smul.u32 $0x1C00, s23;
	_ =	sdelay $0x1  }
0x18: {  	s24 =	sadd.s32 s8, s24  }
0x19: {  	s24 =	sshrl.u32 s24, $0x3  }
0x1a: {  	s26 =	simm.s32 $0x0;
	s25 =	sadd.s32 s9, s24  }
0x1b: {  	[tilespmem:s26], [sflag:$0x3] =	stream.linear.gather [hbm4b:s25+s26], $0x1900, $0x38;
	[tilespmem:$0x1C800] =	vst v63  }
0x1c: {  	_ =	swait.ge [sflag:s13], $0x1900  }
0x1d: {  	[sflag:s13] =	ssyncset.done $0x0  }
0x1e: {  	s24 =	sadd.s32 s5, s24;
	[sflag:s13] =	ssyncadd.s32 $0xFFFFE700  }
0x1f: {  	[tilespmem:s14], [sflag:$0x3] =	stream.linear.gather [hbm4b:s24+s26], $0x1900, $0x38;
	[tilespmem:$0x1C800] =	vst v63  }
0x20: {  	_ =	swait.ge [sflag:s13], $0x1900  }
0x21: {  	[sflag:s13] =	ssyncset.done $0x0  }
0x22: {  	[sflag:s13] =	ssyncadd.s32 $0xFFFFE700  }
0x23: {  	[tilespmem:s16], [sflag:$0x1] =	stream.indirect.gather [hbm4b:s1+s15], $0x80, s26, s15, $0xb8;
	[tilespmem:$0x1C800] =	vst v63  }
0x24: {  	s28 =	simm.s32 $0x80  }
0x25: {  	[tilespmem:s17], [sflag:$0x2] =	stream.indirect.gather [hbm4b:s1+s15], $0x80, s28, s15, $0xb8;
	[tilespmem:$0x1C800] =	vst v63  }
0x26: {  	_ =	swait.ge [sflag:s18], $0x2800  }
0x27: {  	[sflag:s18] =	ssyncset.done $0x0  }
0x28: {  	s29 =	simm.s32 $0x1C00;
	[sflag:s18] =	ssyncadd.s32 $0xFFFFD800  }
0x29: {  	[spmem:s2] =	stream.indirect.scatter.add.f32 [tilespmem:s16], [sflag:$0x3], $0x80, s29, s15, $0xb8;
	[tilespmem:$0x1C800] =	vst v63  }
0x2a: {  	_ =	swait.ge [sflag:s13], $0x2800  }
0x2b: {  	[sflag:s13] =	ssyncset.done $0x0  }
0x2c: {  	s30 =	simm.s32 $0x100;
	[sflag:s13] =	ssyncadd.s32 $0xFFFFD800  }
0x2d: {  	[tilespmem:s16], [sflag:$0x1] =	stream.indirect.gather [hbm4b:s1+s15], $0x80, s30, s15, $0xb8;
	[tilespmem:$0x1C800] =	vst v63  }
0x2e: {  	_ =	swait.ge [sflag:s19], $0x2800  }
0x2f: {  	[sflag:s19] =	ssyncset.done $0x0  }
0x30: {  	s31 =	simm.s32 $0x1C80;
	[sflag:s19] =	ssyncadd.s32 $0xFFFFD800  }
0x31: {  	[spmem:s2] =	stream.indirect.scatter.add.f32 [tilespmem:s17], [sflag:$0x3], $0x80, s31, s15, $0xb8;
	[tilespmem:$0x1C800] =	vst v63  }
0x32: {  	_ =	swait.ge [sflag:s13], $0x2800  }
0x33: {  	s25 =	simm.s32 $0x800;
	s24 =	simm.s32 $0x100;
	[sflag:s13] =	ssyncset.done $0x0  }
.LBB2_3:
0x34: {  	s26 =	sadd.s32 $0x80, s24  }
0x35: {  	[sflag:s13] =	ssyncadd.s32 $0xFFFFD800;
	s28 =	smov.u32 s25;
	s29 =	sadd.s32 $0x400, s25  }
0x36: {  	[tilespmem:s17], [sflag:$0x2] =	stream.indirect.gather [hbm4b:s1+s15], $0x80, s26, s15, $0xb8;
	[tilespmem:$0x1C800] =	vst v63  }
0x37: {  	p0 =	sne.s32 s25, $0x5C00;
	_ =	swait.ge [sflag:s18], $0x2800  }
0x38: {  	[sflag:s18] =	ssyncset.done $0x0  }
0x39: {  	s25 =	sadd.s32 $0x1C00, s24;
	[sflag:s18] =	ssyncadd.s32 $0xFFFFD800  }
0x3a: {  	[spmem:s2] =	stream.indirect.scatter.add.f32 [tilespmem:s16], [sflag:$0x3], $0x80, s25, s15, $0xb8;
	[tilespmem:$0x1C800] =	vst v63  }
0x3b: {  	_ =	swait.ge [sflag:s13], $0x2800  }
0x3c: {  	[sflag:s13] =	ssyncset.done $0x0  }
0x3d: {  	s25 =	sadd.s32 $0x100, s24;
	[sflag:s13] =	ssyncadd.s32 $0xFFFFD800  }
0x3e: {  	[tilespmem:s16], [sflag:$0x1] =	stream.indirect.gather [hbm4b:s1+s15], $0x80, s25, s15, $0xb8;
	[tilespmem:$0x1C800] =	vst v63  }
0x3f: {  	_ =	swait.ge [sflag:s19], $0x2800  }
.Ltmp0:
0x40: {  	[sflag:s19] =	ssyncset.done $0x0;
	(pc) =	sbr.rel @p0 .LBB2_3-.Ltmp0, $4  }
0x41: {  	s24 =	sadd.s32 $0x1C80, s24;
	[sflag:s19] =	ssyncadd.s32 $0xFFFFD800  }
0x42: {  	[spmem:s2] =	stream.indirect.scatter.add.f32 [tilespmem:s17], [sflag:$0x3], $0x80, s24, s15, $0xb8;
	[tilespmem:$0x1C800] =	vst v63  }
0x43: {  	_ =	swait.ge [sflag:s13], $0x2800  }
0x44: {  	s25 =	smov.u32 s29;
	s24 =	sshra.s32 s28, $0x2;
	[sflag:s13] =	ssyncset.done $0x0  }
0x45: {  	s25 =	sadd.s32 $0x80, s24;
	[sflag:s13] =	ssyncadd.s32 $0xFFFFD800  }
0x46: {  	[tilespmem:s17], [sflag:$0x2] =	stream.indirect.gather [hbm4b:s1+s15], $0x80, s25, s15, $0xb8;
	[tilespmem:$0x1C800] =	vst v63  }
0x47: {  	_ =	swait.ge [sflag:s18], $0x2800  }
0x48: {  	[sflag:s18] =	ssyncset.done $0x0  }
0x49: {  	s29 =	sadd.s32 $0x1C00, s24;
	[sflag:s18] =	ssyncadd.s32 $0xFFFFD800  }
0x4a: {  	[spmem:s2] =	stream.indirect.scatter.add.f32 [tilespmem:s16], [sflag:$0x3], $0x80, s29, s15, $0xb8;
	[tilespmem:$0x1C800] =	vst v63  }
0x4b: {  	_ =	swait.ge [sflag:s13], $0x2800  }
0x4c: {  	[sflag:s13] =	ssyncset.done $0x0  }
0x4d: {  	s30 =	sadd.s32 $0x100, s24;
	[sflag:s13] =	ssyncadd.s32 $0xFFFFD800  }
0x4e: {  	[tilespmem:s16], [sflag:$0x1] =	stream.indirect.gather [hbm4b:s1+s15], $0x80, s30, s15, $0xb8;
	[tilespmem:$0x1C800] =	vst v63  }
0x4f: {  	_ =	swait.ge [sflag:s19], $0x2800  }
0x50: {  	[sflag:s19] =	ssyncset.done $0x0  }
0x51: {  	s31 =	sadd.s32 $0x1C80, s24;
	[sflag:s19] =	ssyncadd.s32 $0xFFFFD800  }
0x52: {  	[spmem:s2] =	stream.indirect.scatter.add.f32 [tilespmem:s17], [sflag:$0x3], $0x80, s31, s15, $0xb8;
	[tilespmem:$0x1C800] =	vst v63  }
0x53: {  	_ =	swait.ge [sflag:s13], $0x2800  }
0x54: {  	[sflag:s13] =	ssyncset.done $0x0  }
0x55: {  	[sflag:s13] =	ssyncadd.s32 $0xFFFFD800  }
0x56: {  	[tilespmem:s17], [sflag:$0x2] =	stream.indirect.gather [hbm4b:s1+s15], $0x80, s20, s15, $0xb8;
	[tilespmem:$0x1C800] =	vst v63  }
0x57: {  	_ =	swait.ge [sflag:s18], $0x2800  }
0x58: {  	[sflag:s18] =	ssyncset.done $0x0  }
0x59: {  	[sflag:s18] =	ssyncadd.s32 $0xFFFFD800  }
0x5a: {  	[spmem:s2] =	stream.indirect.scatter.add.f32 [tilespmem:s16], [sflag:$0x3], $0x80, s21, s15, $0xb8;
	[tilespmem:$0x1C800] =	vst v63  }
0x5b: {  	_ =	swait.ge [sflag:s13], $0x2800  }
0x5c: {  	[sflag:s13] =	ssyncset.done $0x0  }
0x5d: {  	[sflag:s13] =	ssyncadd.s32 $0xFFFFD800  }
0x5e: {  	s23 =	sadd.s32 $0x1, s23;
	_ =	swait.ge [sflag:s19], $0x2800  }
0x5f: {  	p0 =	sne.s32 s23, $0x5;
	[sflag:s19] =	ssyncset.done $0x0  }
.Ltmp1:
0x60: {  	[sflag:s19] =	ssyncadd.s32 $0xFFFFD800;
	(pc) =	sbr.rel @p0 .LBB2_2-.Ltmp1, $4  }
0x61: {  	[spmem:s2] =	stream.indirect.scatter.add.f32 [tilespmem:s17], [sflag:$0x3], $0x80, s22, s15, $0xb8;
	[tilespmem:$0x1C800] =	vst v63  }
0x62: {  	_ =	swait.ge [sflag:s13], $0x2800  }
0x63: {  	[sflag:s13] =	ssyncset.done $0x0  }
0x64: {  	[sflag:s13] =	ssyncadd.s32 $0xFFFFD800  }
0x65: {  	s4 =	sadd.s32 $0x1, s4  }
0x66: {  	p0 =	sne.s32 s4, s11  }
.Ltmp2:
0x67: {  	[bflag:$0x0] =	sbarrier.arrive $0xFFFF;
	(pc) =	sbr.rel @p0 .LBB2_1-.Ltmp2, $4  }
0x68: {  	[hbm:s10], [sflag:s7] =	dma.local [spmem:s12], $0x2800  }
0x69: {  	_ =	swait.ge [sflag:s13], $0x2800  }
0x6a: {  	[sflag:s13] =	ssyncset.done $0x0  }
0x6b: {  	[sflag:s13] =	ssyncadd.s32 $0xFFFFD800  }
0x6c: {  	_ =	sfence.sel $0x180000  }
0x6d: {  	[bflag:$0x0] =	sbarrier.arrive $0xFFFF  }
0x6e: {  	p0 =	sne.s32 s3, $0x0;
	_ =	strace $0x9000004D  }
0x6f: {  	s0 =	sadd.s32 @!p0 $0x100000, s0;
	[bflag:$0x2] =	sbarrier.arrive $0xFFFF  }
0x70: {  	[sflag:s0] =	ssyncadd.tile.s32 @!p0 $0x1;
	_ =	shalt  }
.Lfunc_end2:
_tile_overlayer_lowered:
.L_overlay_start_2:
0x71: {  	(tag) =	ssettag $0x2  }
0x72: {  	s0 =	rddreg [dreg:$0x0];
	s2 =	stileid.u32  }
0x73: {  	s1 =	rddreg [dreg:$0x1];
	p0 =	sne.s32 s2, $0x0  }
0x74: {  	s3 =	rddreg [dreg:$0x2];
	[bflag:$0x3] =	sbarrier.arrive $0xFFFF;
	s2 =	simm.s32 @!p0 $0x1C03  }
0x75: {  	[timem:s3], [sflag:s2] =	dma.local @!p0 [hbm:s0], s1  }
0x76: {  	s0 =	simm.s32 @!p0 $0x3  }
0x77: {  	_ =	swait.ge @!p0 [sflag:s0], s1  }
0x78: {  	s1 =	ssub.s32 @!p0 $0x0, s1;
	[sflag:s0] =	ssyncset.done @!p0 $0x0  }
0x79: {  	[sflag:s0] =	ssyncadd.s32 @!p0 s1  }
0x7a: {  	[bflag:$0x3] =	sbarrier.arrive $0xFFFF  }
0x7b: {  	_ =	shalt  }

// kernel: kernel.19.cloned.1.call-start
scs
__scs_entry_jumppad:
0x0: {  	(pc) =	sbr.rel $0x88, $3  }
0x1: {  	(tag) =	ssettag $0x0;
	lr =	simm.s32 $0x1  }
0x2: {  	[smem:$0x3F9F] =	sst lr;
	_ =	strace $0xD0000000  }
0x3: {  	_ = 	snop  }
0x4: {  	_ = 	snop  }
0x5: {  	_ = 	snop  }
0x6: {  	_ = 	snop  }
0x7: {  	_ = 	snop  }
__scs_overlays_trampoline_lowered:
0x8: {  	[smem:$0x3FAE] =	sst s0  }
0x9: {  	[smem:$0x3FAF] =	sst s1  }
0xa: {  	[smem:$0x3FB0] =	sst s2  }
0xb: {  	[smem:$0x3FB1] =	sst s3  }
0xc: {  	[smem:$0x3FB2] =	sst s4  }
0xd: {  	[smem:$0x3FB3] =	sst s5  }
0xe: {  	[smem:$0x3FB4] =	sst s6  }
0xf: {  	[smem:$0x3FB5] =	sst s7  }
0x10: {  	[smem:$0x3FB6] =	sst s8  }
0x11: {  	[smem:$0x3FB7] =	sst s9;
	s0 =	simm.s32 @!p0 $0x0  }
0x12: {  	s1 =	sld [smem:$0x3F9D];
	s0 =	simm.s32 @p0 $0x1  }
0x13: {  	[smem:$0x3FB8] =	sst s0;
	s0 =	simm.s32 @!p1 $0x0  }
0x14: {  	s2 =	sld [smem:$0x3F9C];
	s0 =	simm.s32 @p1 $0x1  }
0x15: {  	[smem:$0x3FB9] =	sst s0;
	s0 =	simm.s32 @!p2 $0x0  }
0x16: {  	s3 =	sld [smem:$0x3FDB];
	s0 =	simm.s32 @p2 $0x1  }
0x17: {  	s4 =	simm.s32 $0x1BF5;
	[smem:$0x3FBB] =	sst s0  }
0x18: {  	s0 =	sld [smem:$0x3F9E];
	_ =	swait.ge [sflag:s4], $0x0  }
0x19: {  	s7 =	sld [smem:$0x3F9F]  }
0x1a: {  	s8 =	sadd.s32 $0xFFFFE003, lr  }
0x1b: {  	s9 =	sadd.s32 $0xFFFFFEF7, lr;
	s5 =	simm.s32 $0xFFFFFFFF;
	p2 =	slt.u32 s8, $0xFFFFF086  }
0x1c: {  	p1 =	slt.u32 s9, $0xF7A;
	s5 =	simm.s32 @!p2 $0x0  }
0x1d: {  	s5 =	simm.s32 @p1 $0x1;
	p0 =	seq.s32 s7, s2  }
0x1e: {  	s7 =	smul.u32 @!p0 $0xF7A, s2;
	p2 =	seq.s32 @!p0 s5, $0x0  }
0x1f: {  	s9 =	smul.u32 $0xF7A, s1;
	s8 =	simm.s32 @!p0 $0x1BF5;
	p2 =	por !p2, p0  }
0x20: {  	[sflag:s8] =	ssyncset.s32 @!p0 $0xFFFFF086;
	s6 =	sadd.s32 @!p0 s3, s7;
	s7 =	simm.s32 @!p0 $0x108  }
0x21: {  	s3 =	sadd.s32 s3, s9;
	s6 =	sadd.s32 @!p0 $0x88, s6;
	s7 =	simm.s32 @p2 $0x1082  }
0x22: {  	[simem:s7], [sflag:s8] =	dma.local @!p0 [hbm:s6], $0xF7A  }
0x23: {  	s9 =	sor.u32 $0xD0000000, s2;
	s6 =	simm.s32 $0x108;
	_ =	swait.ge @!p0 [sflag:s8], $0x0  }
0x24: {  	s3 =	sadd.s32 $0x88, s3;
	s6 =	simm.s32 @!p1 $0x1082;
	[sflag:s4] =	ssyncset.s32 $0xFFFFF086  }
0x25: {  	[simem:s6], [sflag:s4] =	dma.local [hbm:s3], $0xF7A  }
0x26: {  	[smem:$0x3F9F] =	sst s1;
	(tag) =	ssettag s2;
	_ =	strace s9  }
0x27: {  	s1 =	sld [smem:$0x3FAF]  }
0x28: {  	s2 =	sld [smem:$0x3FB0]  }
0x29: {  	s4 =	sld [smem:$0x3FB2]  }
0x2a: {  	p0 =	seq.s32 s5, $0x0;
	s5 =	sld [smem:$0x3FB3]  }
0x2b: {  	s6 =	sld [smem:$0x3FB4]  }
0x2c: {  	s7 =	sld [smem:$0x3FB5]  }
0x2d: {  	s3 =	simm.s32 $0x108;
	s8 =	sld [smem:$0x3FB6]  }
0x2e: {  	s3 =	simm.s32 @!p0 $0x1082;
	s9 =	sld [smem:$0x3FB7]  }
0x2f: {  	lr =	sadd.s32 s0, s3;
	s0 =	sld [smem:$0x3FAE]  }
0x30: {  	s3 =	sld [smem:$0x3FB1]  }
0x31: {  	[smem:$0x3FBA] =	sst s10  }
0x32: {  	s10 =	sld [smem:$0x3FB8];
	_ =	sdelay $0x3  }
0x33: {  	p0 =	seq.s32 s10, $0x1;
	s10 =	sld [smem:$0x3FBA];
	_ =	sdelay $0x3  }
0x34: {  	[smem:$0x3FBA] =	sst s10  }
0x35: {  	s10 =	sld [smem:$0x3FB9];
	_ =	sdelay $0x3  }
0x36: {  	p1 =	seq.s32 s10, $0x1;
	s10 =	sld [smem:$0x3FBA];
	_ =	sdelay $0x3  }
0x37: {  	[smem:$0x3FBA] =	sst s10  }
0x38: {  	s10 =	sld [smem:$0x3FBB]  }
0x39: {  	_ = 	snop;
	(pc) =	sbr.ind lr, $3  }
0x3a: {  	_ = 	snop  }
0x3b: {  	_ = 	snop  }
0x3c: {  	p2 =	seq.s32 s10, $0x1;
	s10 =	sld [smem:$0x3FBA]  }
0x3d: {  	_ =	shalt  }
0x3e: {  	_ =	shalt  }
0x3f: {  	_ =	shalt  }
0x40: {  	_ =	shalt  }
0x41: {  	_ =	shalt  }
0x42: {  	_ =	shalt  }
0x43: {  	_ =	shalt  }
0x44: {  	_ =	shalt  }
0x45: {  	_ =	shalt  }
0x46: {  	_ =	shalt  }
0x47: {  	_ =	shalt  }
0x48: {  	_ =	shalt  }
0x49: {  	_ =	shalt  }
0x4a: {  	_ =	shalt  }
0x4b: {  	_ =	shalt  }
0x4c: {  	_ =	shalt  }
0x4d: {  	_ =	shalt  }
0x4e: {  	_ =	shalt  }
0x4f: {  	_ =	shalt  }
0x50: {  	_ =	shalt  }
0x51: {  	_ =	shalt  }
0x52: {  	_ =	shalt  }
0x53: {  	_ =	shalt  }
0x54: {  	_ =	shalt  }
0x55: {  	_ =	shalt  }
0x56: {  	_ =	shalt  }
0x57: {  	_ =	shalt  }
0x58: {  	_ =	shalt  }
0x59: {  	_ =	shalt  }
0x5a: {  	_ =	shalt  }
0x5b: {  	_ =	shalt  }
0x5c: {  	_ =	shalt  }
0x5d: {  	_ =	shalt  }
0x5e: {  	_ =	shalt  }
0x5f: {  	_ =	shalt  }
0x60: {  	_ =	shalt  }
0x61: {  	_ =	shalt  }
0x62: {  	_ =	shalt  }
0x63: {  	_ =	shalt  }
0x64: {  	_ =	shalt  }
0x65: {  	_ =	shalt  }
0x66: {  	_ =	shalt  }
0x67: {  	_ =	shalt  }
0x68: {  	_ =	shalt  }
0x69: {  	_ =	shalt  }
0x6a: {  	_ =	shalt  }
0x6b: {  	_ =	shalt  }
0x6c: {  	_ =	shalt  }
0x6d: {  	_ =	shalt  }
0x6e: {  	_ =	shalt  }
0x6f: {  	_ =	shalt  }
0x70: {  	_ =	shalt  }
0x71: {  	_ =	shalt  }
0x72: {  	_ =	shalt  }
0x73: {  	_ =	shalt  }
0x74: {  	_ =	shalt  }
0x75: {  	_ =	shalt  }
0x76: {  	_ =	shalt  }
0x77: {  	_ =	shalt  }
0x78: {  	_ =	shalt  }
0x79: {  	_ =	shalt  }
0x7a: {  	_ =	shalt  }
0x7b: {  	_ =	shalt  }
0x7c: {  	_ =	shalt  }
0x7d: {  	_ =	shalt  }
0x7e: {  	_ =	shalt  }
0x7f: {  	_ =	shalt  }
0x80: {  	_ =	shalt  }
0x81: {  	_ =	shalt  }
0x82: {  	_ =	shalt  }
0x83: {  	_ =	shalt  }
0x84: {  	_ =	shalt  }
0x85: {  	_ =	shalt  }
0x86: {  	_ =	shalt  }
0x87: {  	_ =	shalt  }
.Lfunc_end0:
.L_simem_size_0:
called_computation.3_lowered:
.L_overlay_start_0:
0x88: {  	s2 =	sld [smem:$0x3FD9]  }
0x89: {  	s3 =	sld [smem:$0x3FFE];
	_ =	sdelay $0x1  }
0x8a: {  	s1 =	srdreg.scid  }
0x8b: {  	s0 =	sand.u32 $0x1, s1  }
0x8c: {  	s17 =	sshll.u32 s0, $0xA;
	s2 =	sadd.s32 s3, s2  }
0x8d: {  	s2 =	sadd.s32 s2, s17  }
0x8e: {  	[smem:$0x3FC6] =	sst s2  }
0x8f: {  	_ = 	snop  }
0x90: {  	s2 =	sld [smem:$0x3FD0];
	(tm) =	ssettm $0x1  }
0x91: {  	s18 =	sld [smem:$0x3FFB];
	_ =	sdelay $0x3  }
0x92: {  	_ =	strace s18  }
0x93: {  	s3 =	sld [smem:$0x3FFC];
	_ =	sdelay $0x3  }
0x94: {  	_ =	strace s3  }
0x95: {  	s3 =	sld [smem:$0x3FFD];
	_ =	sdelay $0x3  }
0x96: {  	_ =	strace s3  }
0x97: {  	_ =	strace $0x8FFFFFFF  }
0x98: {  	s19 =	sld [smem:$0x3FDB];
	_ =	sdelay $0x1  }
0x99: {  	s4 =	simm.s32 $_scs_section_size  }
0x9a: {  	s5 =	simm.s32 $_size__tile_overlayer_lowered;
	s6 =	simm.s32 $_tile_overlayer_lowered  }
0x9b: {  	s22 =	simm.s32 $0x1BFF;
	s21 =	sshll.u32 s6, $0x1;
	s3 =	sadd.s32 s4, s19  }
0x9c: {  	s7 =	simm.s32 $0x0;
	s20 =	sshll.u32 s5, $0x1;
	s5 =	sadd.s32 s21, s3  }
0x9d: {  	[timem:s7], [sflag:s22] =	dma.local [hbm:s5], s20  }
0x9e: {  	_ =	swait.ge [sflag:s22], s20  }
0x9f: {  	s4 =	ssub.s32 $0x0, s20;
	[sflag:s22] =	ssyncset.done $0x0  }
0xa0: {  	[sflag:s22] =	ssyncadd.s32 s4;
	_ =	sdelay $0x1  }
0xa1: {  	s23 =	simm.s32 $0x1B8B  }
0xa2: {  	_ =	swait.ge [sflag:s23], $0x1  }
0xa3: {  	[sflag:s23] =	ssyncset.done $0x0  }
0xa4: {  	s25 =	simm.s32 $0x1B8E;
	s24 =	sld [smem:$0x3FFE];
	[sflag:s23] =	ssyncadd.s32 $0xFFFFFFFF  }
0xa5: {  	s26 =	simm.s32 $execute0_lowered;
	[smem:$0x3FD2] =	sst s25  }
0xa6: {  	s5 =	sshll.u32 s26, $0x1;
	_ =	strace $0x8000004F;
	[dreg:$0x1] =	wrdreg $0xFFFFFFFF  }
0xa7: {  	s28 =	simm.s32 $_size_execute0_lowered;
	s3 =	sadd.s32 s3, s5;
	[dreg:$0x0] =	wrdreg $0x0  }
0xa8: {  	s5 =	sshll.u32 s28, $0x1;
	[dreg:$0x2] =	wrdreg s3  }
0xa9: {  	[dreg:$0x3] =	wrdreg s5  }
0xaa: {  	[dreg:$0x4] =	wrdreg $0xC0  }
0xab: {  	_ =	task [dreg:s7], $0x5FFFF  }
0xac: {  	[dreg:$0x1] =	wrdreg $0xFFFFFFFF  }
0xad: {  	[dreg:$0x0] =	wrdreg $0x60  }
0xae: {  	[dreg:$0x2] =	wrdreg s2  }
0xaf: {  	[dreg:$0x3] =	wrdreg s24  }
0xb0: {  	[dreg:$0x4] =	wrdreg $0x88000  }
0xb1: {  	[dreg:$0x5] =	wrdreg $0x9  }
0xb2: {  	_ =	task.clear_ibuf [dreg:s7], $0x6FFFF;
	_ =	strace $0x9000004F  }
0xb3: {  	s29 =	simm.s32 $0x9;
	_ =	strace $0x80000051  }
0xb4: {  	_ =	swait.ge [sflag:s29], $0x1  }
0xb5: {  	[sflag:s29] =	ssyncadd.s32 $0xFFFFFFFF  }
0xb6: {  	_ =	strace $0x90000051  }
0xb7: {  	_ =	sfence  }
0xb8: {  	s30 =	sld [smem:$0x0];
	_ =	sdelay $0x2  }
0xb9: {  	s31 =	sshll.u32 s1, $0xD;
	s1 =	sshrl.u32 s1, $0x2  }
0xba: {  	s3 =	sand.u32 $0x4000, s31;
	s1 =	sadd.s32 s1, s30  }
0xbb: {  	s0 =	sor.u32 s3, s0;
	s1 =	sshll.u32 s1, $0x11  }
0xbc: {  	s0 =	sor.u32 s1, s0  }
0xbd: {  	s0 =	sadd.s32 $0x8F2B, s0  }
0xbe: {  	[sflag:s0] =	ssyncadd.remote.s32 $0x1  }
0xbf: {  	_ =	sfence.sel $0xFFFF  }
0xc0: {  	[dreg:$0x0] =	wrdreg $0xFFFFFFFF;
	(pc) =	sbr.abs _section_cstart, $3  }
0xc1: {  	[dreg:$0x1] =	wrdreg $0xFFFFFFFF  }
0xc2: {  	_ =	task.clear_ibuf [dreg:s7], $0x2FFFF;
	_ =	strace $0x9FFFFFFF  }
0xc3: {  	(tm) =	ssettm $0x7FFFFFFF  }
tec
execute0_lowered:
.L_overlay_start_1:
0x0: {  	(tag) =	ssettag $0x1  }
0x1: {  	s1 =	rddreg [dreg:$0x0]  }
0x2: {  	s7 =	rddreg [dreg:$0x1]  }
0x3: {  	s2 =	rddreg [dreg:$0x2]  }
0x4: {  	s3 =	srdreg.scid;
	s0 =	rddreg [dreg:$0x3]  }
0x5: {  	s4 =	simm.s32 $0x0;
	s15 =	simm.s32 $0x50;
	s16 =	simm.s32 $0x3800  }
0x6: {  	s17 =	simm.s32 $0x6000;
	s18 =	simm.s32 $0x1;
	s19 =	simm.s32 $0x2  }
0x7: {  	s20 =	simm.s32 $0x1880;
	s21 =	simm.s32 $0x3400;
	s8 =	sand.u32 $0x1, s3  }
0x8: {  	s22 =	simm.s32 $0x3480;
	s3 =	stileid.u32;
	s6 =	smul.u32 $0x140000, s8  }
0x9: {  	[smem:$0x7FF] =	sst s4;
	s12 =	sadd.s32 $0x24200, s7;
	s9 =	smul.u32 $0x14000, s3  }
0xa: {  	s5 =	sadd.s32 $0x12A00, s7;
	_ =	strace $0x80000050;
	s10 =	smul.u32 $0x50000, s3  }
0xb: {  	s11 =	ssub.s32 $0x2, s8;
	s31 =	sshll.u32 s3, $0x6;
	p0 =	seq.s32 s8, $0x1  }
0xc: {  	s8 =	smul.u32 $0x8C00, s3;
	s29 =	sshrl.u32 s11, $0x1;
	s9 =	sadd.s32 s9, s6  }
0xd: {  	s6 =	sadd.s32 $0x1E00, s7;
	s30 =	sshrl.u32 s10, $0x2;
	s11 =	ssub.s32 s11, s29  }
0xe: {  	s9 =	sshrl.u32 s9, $0x3;
	s14 =	sadd.s32 s30, s2;
	s11 =	smax.u32 s11, $0x1  }
0xf: {  	s13 =	sadd.s32 s9, s7;
	s7 =	sor.u32 $0x1C03, s31;
	s9 =	smov.u32 s12  }
0x10: {  	s10 =	sadd.s32 $0x35A00, s13;
	s9 =	smov.u32 @p0 s5;
	s5 =	smov.u32 @p0 s12  }
0x11: {  	s12 =	sshrl.u32 s14, $0x3;
	s13 =	simm.s32 $0x3;
	s14 =	simm.s32 $0x1C00  }
.LBB2_1:
0x12: {  	[spmem:s12], [sflag:s7] =	dma.local [hbm:s6], $0x2800  }
0x13: {  	_ =	swait.ge [sflag:s13], $0x2800  }
0x14: {  	[sflag:s13] =	ssyncset.done $0x0  }
0x15: {  	[sflag:s13] =	ssyncadd.s32 $0xFFFFD800  }
0x16: {  	s23 =	simm.s32 $0x0;
	[bflag:$0x0] =	sbarrier.arrive $0xFFFF  }
.LBB2_2:
0x17: {  	s24 =	smul.u32 $0x1C00, s23;
	_ =	sdelay $0x1  }
0x18: {  	s24 =	sadd.s32 s8, s24  }
0x19: {  	s24 =	sshrl.u32 s24, $0x3  }
0x1a: {  	s26 =	simm.s32 $0x0;
	s25 =	sadd.s32 s9, s24  }
0x1b: {  	[tilespmem:s26], [sflag:$0x3] =	stream.linear.gather [hbm4b:s25+s26], $0x1900, $0x38;
	[tilespmem:$0x1C800] =	vst v63  }
0x1c: {  	_ =	swait.ge [sflag:s13], $0x1900  }
0x1d: {  	[sflag:s13] =	ssyncset.done $0x0  }
0x1e: {  	s24 =	sadd.s32 s5, s24;
	[sflag:s13] =	ssyncadd.s32 $0xFFFFE700  }
0x1f: {  	[tilespmem:s14], [sflag:$0x3] =	stream.linear.gather [hbm4b:s24+s26], $0x1900, $0x38;
	[tilespmem:$0x1C800] =	vst v63  }
0x20: {  	_ =	swait.ge [sflag:s13], $0x1900  }
0x21: {  	[sflag:s13] =	ssyncset.done $0x0  }
0x22: {  	[sflag:s13] =	ssyncadd.s32 $0xFFFFE700  }
0x23: {  	[tilespmem:s16], [sflag:$0x1] =	stream.indirect.gather [hbm4b:s1+s15], $0x80, s26, s15, $0xb8;
	[tilespmem:$0x1C800] =	vst v63  }
0x24: {  	s28 =	simm.s32 $0x80  }
0x25: {  	[tilespmem:s17], [sflag:$0x2] =	stream.indirect.gather [hbm4b:s1+s15], $0x80, s28, s15, $0xb8;
	[tilespmem:$0x1C800] =	vst v63  }
0x26: {  	_ =	swait.ge [sflag:s18], $0x2800  }
0x27: {  	[sflag:s18] =	ssyncset.done $0x0  }
0x28: {  	s29 =	simm.s32 $0x1C00;
	[sflag:s18] =	ssyncadd.s32 $0xFFFFD800  }
0x29: {  	[spmem:s2] =	stream.indirect.scatter.add.f32 [tilespmem:s16], [sflag:$0x3], $0x80, s29, s15, $0xb8;
	[tilespmem:$0x1C800] =	vst v63  }
0x2a: {  	_ =	swait.ge [sflag:s13], $0x2800  }
0x2b: {  	[sflag:s13] =	ssyncset.done $0x0  }
0x2c: {  	s30 =	simm.s32 $0x100;
	[sflag:s13] =	ssyncadd.s32 $0xFFFFD800  }
0x2d: {  	[tilespmem:s16], [sflag:$0x1] =	stream.indirect.gather [hbm4b:s1+s15], $0x80, s30, s15, $0xb8;
	[tilespmem:$0x1C800] =	vst v63  }
0x2e: {  	_ =	swait.ge [sflag:s19], $0x2800  }
0x2f: {  	[sflag:s19] =	ssyncset.done $0x0  }
0x30: {  	s31 =	simm.s32 $0x1C80;
	[sflag:s19] =	ssyncadd.s32 $0xFFFFD800  }
0x31: {  	[spmem:s2] =	stream.indirect.scatter.add.f32 [tilespmem:s17], [sflag:$0x3], $0x80, s31, s15, $0xb8;
	[tilespmem:$0x1C800] =	vst v63  }
0x32: {  	_ =	swait.ge [sflag:s13], $0x2800  }
0x33: {  	s25 =	simm.s32 $0x800;
	s24 =	simm.s32 $0x100;
	[sflag:s13] =	ssyncset.done $0x0  }
.LBB2_3:
0x34: {  	s26 =	sadd.s32 $0x80, s24  }
0x35: {  	[sflag:s13] =	ssyncadd.s32 $0xFFFFD800;
	s28 =	smov.u32 s25;
	s29 =	sadd.s32 $0x400, s25  }
0x36: {  	[tilespmem:s17], [sflag:$0x2] =	stream.indirect.gather [hbm4b:s1+s15], $0x80, s26, s15, $0xb8;
	[tilespmem:$0x1C800] =	vst v63  }
0x37: {  	p0 =	sne.s32 s25, $0x5C00;
	_ =	swait.ge [sflag:s18], $0x2800  }
0x38: {  	[sflag:s18] =	ssyncset.done $0x0  }
0x39: {  	s25 =	sadd.s32 $0x1C00, s24;
	[sflag:s18] =	ssyncadd.s32 $0xFFFFD800  }
0x3a: {  	[spmem:s2] =	stream.indirect.scatter.add.f32 [tilespmem:s16], [sflag:$0x3], $0x80, s25, s15, $0xb8;
	[tilespmem:$0x1C800] =	vst v63  }
0x3b: {  	_ =	swait.ge [sflag:s13], $0x2800  }
0x3c: {  	[sflag:s13] =	ssyncset.done $0x0  }
0x3d: {  	s25 =	sadd.s32 $0x100, s24;
	[sflag:s13] =	ssyncadd.s32 $0xFFFFD800  }
0x3e: {  	[tilespmem:s16], [sflag:$0x1] =	stream.indirect.gather [hbm4b:s1+s15], $0x80, s25, s15, $0xb8;
	[tilespmem:$0x1C800] =	vst v63  }
0x3f: {  	_ =	swait.ge [sflag:s19], $0x2800  }
.Ltmp0:
0x40: {  	[sflag:s19] =	ssyncset.done $0x0;
	(pc) =	sbr.rel @p0 .LBB2_3-.Ltmp0, $4  }
0x41: {  	s24 =	sadd.s32 $0x1C80, s24;
	[sflag:s19] =	ssyncadd.s32 $0xFFFFD800  }
0x42: {  	[spmem:s2] =	stream.indirect.scatter.add.f32 [tilespmem:s17], [sflag:$0x3], $0x80, s24, s15, $0xb8;
	[tilespmem:$0x1C800] =	vst v63  }
0x43: {  	_ =	swait.ge [sflag:s13], $0x2800  }
0x44: {  	s25 =	smov.u32 s29;
	s24 =	sshra.s32 s28, $0x2;
	[sflag:s13] =	ssyncset.done $0x0  }
0x45: {  	s25 =	sadd.s32 $0x80, s24;
	[sflag:s13] =	ssyncadd.s32 $0xFFFFD800  }
0x46: {  	[tilespmem:s17], [sflag:$0x2] =	stream.indirect.gather [hbm4b:s1+s15], $0x80, s25, s15, $0xb8;
	[tilespmem:$0x1C800] =	vst v63  }
0x47: {  	_ =	swait.ge [sflag:s18], $0x2800  }
0x48: {  	[sflag:s18] =	ssyncset.done $0x0  }
0x49: {  	s29 =	sadd.s32 $0x1C00, s24;
	[sflag:s18] =	ssyncadd.s32 $0xFFFFD800  }
0x4a: {  	[spmem:s2] =	stream.indirect.scatter.add.f32 [tilespmem:s16], [sflag:$0x3], $0x80, s29, s15, $0xb8;
	[tilespmem:$0x1C800] =	vst v63  }
0x4b: {  	_ =	swait.ge [sflag:s13], $0x2800  }
0x4c: {  	[sflag:s13] =	ssyncset.done $0x0  }
0x4d: {  	s30 =	sadd.s32 $0x100, s24;
	[sflag:s13] =	ssyncadd.s32 $0xFFFFD800  }
0x4e: {  	[tilespmem:s16], [sflag:$0x1] =	stream.indirect.gather [hbm4b:s1+s15], $0x80, s30, s15, $0xb8;
	[tilespmem:$0x1C800] =	vst v63  }
0x4f: {  	_ =	swait.ge [sflag:s19], $0x2800  }
0x50: {  	[sflag:s19] =	ssyncset.done $0x0  }
0x51: {  	s31 =	sadd.s32 $0x1C80, s24;
	[sflag:s19] =	ssyncadd.s32 $0xFFFFD800  }
0x52: {  	[spmem:s2] =	stream.indirect.scatter.add.f32 [tilespmem:s17], [sflag:$0x3], $0x80, s31, s15, $0xb8;
	[tilespmem:$0x1C800] =	vst v63  }
0x53: {  	_ =	swait.ge [sflag:s13], $0x2800  }
0x54: {  	[sflag:s13] =	ssyncset.done $0x0  }
0x55: {  	[sflag:s13] =	ssyncadd.s32 $0xFFFFD800  }
0x56: {  	[tilespmem:s17], [sflag:$0x2] =	stream.indirect.gather [hbm4b:s1+s15], $0x80, s20, s15, $0xb8;
	[tilespmem:$0x1C800] =	vst v63  }
0x57: {  	_ =	swait.ge [sflag:s18], $0x2800  }
0x58: {  	[sflag:s18] =	ssyncset.done $0x0  }
0x59: {  	[sflag:s18] =	ssyncadd.s32 $0xFFFFD800  }
0x5a: {  	[spmem:s2] =	stream.indirect.scatter.add.f32 [tilespmem:s16], [sflag:$0x3], $0x80, s21, s15, $0xb8;
	[tilespmem:$0x1C800] =	vst v63  }
0x5b: {  	_ =	swait.ge [sflag:s13], $0x2800  }
0x5c: {  	[sflag:s13] =	ssyncset.done $0x0  }
0x5d: {  	[sflag:s13] =	ssyncadd.s32 $0xFFFFD800  }
0x5e: {  	s23 =	sadd.s32 $0x1, s23;
	_ =	swait.ge [sflag:s19], $0x2800  }
0x5f: {  	p0 =	sne.s32 s23, $0x5;
	[sflag:s19] =	ssyncset.done $0x0  }
.Ltmp1:
0x60: {  	[sflag:s19] =	ssyncadd.s32 $0xFFFFD800;
	(pc) =	sbr.rel @p0 .LBB2_2-.Ltmp1, $4  }
0x61: {  	[spmem:s2] =	stream.indirect.scatter.add.f32 [tilespmem:s17], [sflag:$0x3], $0x80, s22, s15, $0xb8;
	[tilespmem:$0x1C800] =	vst v63  }
0x62: {  	_ =	swait.ge [sflag:s13], $0x2800  }
0x63: {  	[sflag:s13] =	ssyncset.done $0x0  }
0x64: {  	[sflag:s13] =	ssyncadd.s32 $0xFFFFD800  }
0x65: {  	s4 =	sadd.s32 $0x1, s4  }
0x66: {  	p0 =	sne.s32 s4, s11  }
.Ltmp2:
0x67: {  	[bflag:$0x0] =	sbarrier.arrive $0xFFFF;
	(pc) =	sbr.rel @p0 .LBB2_1-.Ltmp2, $4  }
0x68: {  	[hbm:s10], [sflag:s7] =	dma.local [spmem:s12], $0x2800  }
0x69: {  	_ =	swait.ge [sflag:s13], $0x2800  }
0x6a: {  	[sflag:s13] =	ssyncset.done $0x0  }
0x6b: {  	[sflag:s13] =	ssyncadd.s32 $0xFFFFD800  }
0x6c: {  	_ =	sfence.sel $0x180000  }
0x6d: {  	[bflag:$0x0] =	sbarrier.arrive $0xFFFF  }
0x6e: {  	p0 =	sne.s32 s3, $0x0;
	_ =	strace $0x90000050  }
0x6f: {  	s0 =	sadd.s32 @!p0 $0x100000, s0;
	[bflag:$0x2] =	sbarrier.arrive $0xFFFF  }
0x70: {  	[sflag:s0] =	ssyncadd.tile.s32 @!p0 $0x1;
	_ =	shalt  }
.Lfunc_end2:
_tile_overlayer_lowered:
.L_overlay_start_2:
0x71: {  	(tag) =	ssettag $0x2  }
0x72: {  	s0 =	rddreg [dreg:$0x0];
	s2 =	stileid.u32  }
0x73: {  	s1 =	rddreg [dreg:$0x1];
	p0 =	sne.s32 s2, $0x0  }
0x74: {  	s3 =	rddreg [dreg:$0x2];
	[bflag:$0x3] =	sbarrier.arrive $0xFFFF;
	s2 =	simm.s32 @!p0 $0x1C03  }
0x75: {  	[timem:s3], [sflag:s2] =	dma.local @!p0 [hbm:s0], s1  }
0x76: {  	s0 =	simm.s32 @!p0 $0x3  }
0x77: {  	_ =	swait.ge @!p0 [sflag:s0], s1  }
0x78: {  	s1 =	ssub.s32 @!p0 $0x0, s1;
	[sflag:s0] =	ssyncset.done @!p0 $0x0  }
0x79: {  	[sflag:s0] =	ssyncadd.s32 @!p0 s1  }
0x7a: {  	[bflag:$0x3] =	sbarrier.arrive $0xFFFF  }
0x7b: {  	_ =	shalt  }

</sc_bundles>
